<compile_context>
chip_gen: v7x
topology: tpu7x:2x2x1
jax: 0.10.2.dev20260603
libtpu: 0.0.44.dev20260713+nightly
codegen_flags: <defaults>
</compile_context>

<pallas_src>
import functools

import jax
import jax.numpy as jnp
from jax import lax
from jax.experimental import pallas as pl
from jax.experimental.pallas import tpu as pltpu
from jax.experimental.pallas import tpu_sc as plsc

_N = 10000
_E = 320000
_D = 128
_C = 10
_EPS = 1e-5

_NP = 10240
_RPT = _NP // 32
_RPAD = 328
_TRASH = 320
_EP = 327680
_SLAB = 4096
_NSLAB = _EP // _SLAB
_CHUNK = 128
_EPC = _EP + 256
_HC = 336



def _edge_body(src_hbm, dst_hbm, hs_hbm, out_hbm, sslab_v, dslab_v, rows_v,
               acc_v, sem):
    c = lax.axis_index("c")
    s = lax.axis_index("s")
    w = c * 16 + s
    base = w * _RPT

    zero16 = jnp.zeros((16,), jnp.float32)

    def zero_acc(r, carry):
        for k in range(8):
            acc_v[r, pl.ds(k * 16, 16)] = zero16
        return carry
    lax.fori_loop(0, _RPAD, zero_acc, 0)

    def slab_loop(sl, carry):
        pltpu.sync_copy(src_hbm.at[pl.ds(sl * _SLAB, _SLAB)], sslab_v)
        pltpu.sync_copy(dst_hbm.at[pl.ds(sl * _SLAB, _SLAB)], dslab_v)

        lanes = lax.iota(jnp.int32, 16)
        shuf = [jnp.bitwise_xor(lanes, k) for k in (1, 2, 4, 8)]

        def group_loop(g, carry_in):
            dvec = dslab_v[pl.ds(g * 16, 16)]
            svec = sslab_v[pl.ds(g * 16, 16)]
            dloc = dvec - base
            mask = (dloc >= 0) & (dloc < _RPT)
            dl = jnp.where(mask, dloc, _TRASH)
            m = dl
            for sv in shuf:
                m = jnp.minimum(m, jnp.take_along_axis(m, sv, axis=0))
            anyhit = m[0] < _TRASH

            @pl.when(anyhit)
            def _():
                svec_g = jnp.where(mask, svec, _N)
                pltpu.async_copy(hs_hbm.at[svec_g], rows_v, sem).wait()

                rot1 = jnp.bitwise_and(lanes + 1, 15)

                def acc_edge(e, dl_c):
                    dle = dl_c[0]

                    @pl.when(dle < _TRASH)
                    def _():
                        for q in range(8):
                            plsc.addupdate(acc_v.at[dle, pl.ds(q * 16, 16)],
                                           rows_v[e, pl.ds(q * 16, 16)])
                    return jnp.take_along_axis(dl_c, rot1, axis=0)
                lax.fori_loop(0, 16, acc_edge, dl)

            return carry_in
        return lax.fori_loop(0, _SLAB // 16, group_loop, carry)

    lax.fori_loop(0, _NSLAB, slab_loop, 0)

    pltpu.sync_copy(acc_v.at[pl.ds(0, _RPT)],
                    out_hbm.at[pl.ds(w * _RPT, _RPT)])


@functools.cache
def _edge_call():
    mesh = plsc.VectorSubcoreMesh(core_axis_name="c", subcore_axis_name="s")
    return pl.kernel(
        _edge_body,
        mesh=mesh,
        out_type=jax.ShapeDtypeStruct((_NP, _D), jnp.float32),
        scratch_types=[
            pltpu.VMEM((_SLAB,), jnp.int32),
            pltpu.VMEM((_SLAB,), jnp.int32),
            pltpu.VMEM((16, _D), jnp.float32),
            pltpu.VMEM((_RPAD, _D), jnp.float32),
            pltpu.SemaphoreType.DMA,
        ],
    )



_BM = 1024
_GRID = (_NP // _BM,)


def _dinv_body(deg_ref, o_ref):
    o_ref[...] = lax.rsqrt(deg_ref[...].astype(jnp.float32) + 1.0)


def _dinv_call(deg):
    return pl.pallas_call(
        _dinv_body,
        grid=_GRID,
        in_specs=[pl.BlockSpec((_BM, 1), lambda i: (i, 0))],
        out_specs=pl.BlockSpec((_BM, 1), lambda i: (i, 0)),
        out_shape=jax.ShapeDtypeStruct((_NP, 1), jnp.float32),
    )(deg)


def _mm_first_body(x_ref, w_ref, dinv_ref, o_ref):
    h = lax.dot_general(x_ref[...], w_ref[...], (((1,), (1,)), ((), ())),
                        preferred_element_type=jnp.float32)
    o_ref[...] = h * dinv_ref[...]


def _mm_first_call(x, w, dinv):
    return pl.pallas_call(
        _mm_first_body,
        grid=_GRID,
        in_specs=[
            pl.BlockSpec((_BM, _D), lambda i: (i, 0)),
            pl.BlockSpec((_D, _D), lambda i: (0, 0)),
            pl.BlockSpec((_BM, 1), lambda i: (i, 0)),
        ],
        out_specs=pl.BlockSpec((_BM, _D), lambda i: (i, 0)),
        out_shape=jax.ShapeDtypeStruct((_NP, _D), jnp.float32),
    )(x, w, dinv)


def _mid_body(p_ref, hs_ref, dinv_ref, sv_ref, tv_ref, w_ref, o_ref):
    dinv = dinv_ref[...]
    agg = (p_ref[...] + hs_ref[...]) * dinv
    y = jnp.maximum(agg * sv_ref[...] + tv_ref[...], 0.0)
    h = lax.dot_general(y, w_ref[...], (((1,), (1,)), ((), ())),
                        preferred_element_type=jnp.float32)
    o_ref[...] = h * dinv


def _mid_call(p, hs, dinv, sv, tv, w):
    return pl.pallas_call(
        _mid_body,
        grid=_GRID,
        in_specs=[
            pl.BlockSpec((_BM, _D), lambda i: (i, 0)),
            pl.BlockSpec((_BM, _D), lambda i: (i, 0)),
            pl.BlockSpec((_BM, 1), lambda i: (i, 0)),
            pl.BlockSpec((1, _D), lambda i: (0, 0)),
            pl.BlockSpec((1, _D), lambda i: (0, 0)),
            pl.BlockSpec((_D, _D), lambda i: (0, 0)),
        ],
        out_specs=pl.BlockSpec((_BM, _D), lambda i: (i, 0)),
        out_shape=jax.ShapeDtypeStruct((_NP, _D), jnp.float32),
    )(p, hs, dinv, sv, tv, w)


def _final_body(p_ref, hs_ref, dinv_ref, sv_ref, tv_ref, w_ref, b_ref, o_ref):
    agg = (p_ref[...] + hs_ref[...]) * dinv_ref[...]
    y = jnp.maximum(agg * sv_ref[...] + tv_ref[...], 0.0)
    h = lax.dot_general(y, w_ref[...], (((1,), (1,)), ((), ())),
                        preferred_element_type=jnp.float32)
    o_ref[...] = h + b_ref[...]


def _final_call(p, hs, dinv, sv, tv, w, b):
    return pl.pallas_call(
        _final_body,
        grid=_GRID,
        in_specs=[
            pl.BlockSpec((_BM, _D), lambda i: (i, 0)),
            pl.BlockSpec((_BM, _D), lambda i: (i, 0)),
            pl.BlockSpec((_BM, 1), lambda i: (i, 0)),
            pl.BlockSpec((1, _D), lambda i: (0, 0)),
            pl.BlockSpec((1, _D), lambda i: (0, 0)),
            pl.BlockSpec((_D, _D), lambda i: (0, 0)),
            pl.BlockSpec((1, _D), lambda i: (0, 0)),
        ],
        out_specs=pl.BlockSpec((_BM, _D), lambda i: (i, 0)),
        out_shape=jax.ShapeDtypeStruct((_NP, _D), jnp.float32),
    )(p, hs, dinv, sv, tv, w, b)



def kernel(x, edge_index, W1, b1, g1, be1, W2, b2, g2, be2, W3, b3, g3, be3,
           Wout, bout):
    src = edge_index[0]
    dst = edge_index[1]
    pad = jnp.full((_EP - _E,), _N, jnp.int32)
    src_p = jnp.concatenate([src, pad])
    dst_p = jnp.concatenate([dst, pad])
    x_p = jnp.pad(x, ((0, _NP - _N), (0, 0)))
    ones_p = jnp.ones((_NP, _D), jnp.float32)

    edge_call = _edge_call()
    deg = edge_call(src_p, dst_p, ones_p)
    dinv = _dinv_call(deg[:, 0:1])

    bscale = 1.0 / jnp.sqrt(1.0 + _EPS)
    s1 = (g1 * bscale).reshape(1, _D)
    t1 = (b1 * s1[0] + be1).reshape(1, _D)
    s2 = (g2 * bscale).reshape(1, _D)
    t2 = (b2 * s2[0] + be2).reshape(1, _D)
    s3 = (g3 * bscale).reshape(1, _D)
    t3 = (b3 * s3[0] + be3).reshape(1, _D)
    w_out_p = jnp.pad(Wout, ((0, _D - _C), (0, 0)))
    b_out_p = jnp.pad(bout, (0, _D - _C)).reshape(1, _D)

    hs1 = _mm_first_call(x_p, W1, dinv)
    p1 = edge_call(src_p, dst_p, hs1)
    hs2 = _mid_call(p1, hs1, dinv, s1, t1, W2)
    p2 = edge_call(src_p, dst_p, hs2)
    hs3 = _mid_call(p2, hs2, dinv, s2, t2, W3)
    p3 = edge_call(src_p, dst_p, hs3)
    out = _final_call(p3, hs3, dinv, s3, t3, w_out_p, b_out_p)
    return out[:_N, :_C]

# --- scband reference (transcript-rebuilt; emitter-appended) ---
"""Pipeline reference for scband-gcnids-60344290509379 (READ-ONLY COPY).

The authoritative reference and input builder live on the scoring server;
editing this copy changes nothing except your own understanding.
"""

import jax, jax.numpy as jnp
import numpy as np

N = 10000
E = 320000
D = 128
H = 128
O = 128
C = 10
EPS = 1e-5


def setup_inputs(seed: int = 0):
    key = jax.random.key(seed)
    ks = jax.random.split(key, 20)
    s_in = 1.0 / np.sqrt(D)
    s_h = 1.0 / np.sqrt(H)
    s_o = 1.0 / np.sqrt(O)
    return {
        "x": jax.random.normal(ks[0], (N, D), dtype=jnp.float32),
        "edge_index": jax.random.randint(ks[1], (2, E), 0, N, dtype=jnp.int32),
        "W1": jax.random.uniform(ks[2], (H, D), jnp.float32, -s_in, s_in),
        "b1": jnp.zeros((H,), jnp.float32),
        "g1": jnp.ones((H,), jnp.float32),
        "be1": jnp.zeros((H,), jnp.float32),
        "W2": jax.random.uniform(ks[3], (H, H), jnp.float32, -s_h, s_h),
        "b2": jnp.zeros((H,), jnp.float32),
        "g2": jnp.ones((H,), jnp.float32),
        "be2": jnp.zeros((H,), jnp.float32),
        "W3": jax.random.uniform(ks[4], (O, H), jnp.float32, -s_h, s_h),
        "b3": jnp.zeros((O,), jnp.float32),
        "g3": jnp.ones((O,), jnp.float32),
        "be3": jnp.zeros((O,), jnp.float32),
        "Wout": jax.random.uniform(ks[5], (C, O), jnp.float32, -s_o, s_o),
        "bout": jnp.zeros((C,), jnp.float32),
    }


def gcn_conv(x, src, dst, W, b):
    # PyG GCNConv: add self-loops, symmetric normalization D^-1/2 (A+I) D^-1/2, then linear.
    n = x.shape[0]
    si = jnp.arange(n, dtype=src.dtype)
    s = jnp.concatenate([src, si])
    d = jnp.concatenate([dst, si])
    deg = jnp.zeros((n,), x.dtype).at[d].add(1.0)
    dinv = jnp.where(deg > 0, 1.0 / jnp.sqrt(deg), 0.0)
    norm = dinv[s] * dinv[d]
    h = x @ W.T
    msg = h[s] * norm[:, None]
    out = jnp.zeros((n, h.shape[1]), x.dtype).at[d].add(msg)
    return out + b


def bn_eval(x, g, be):
    # BatchNorm1d in eval mode with running_mean=0, running_var=1
    return x * (g / jnp.sqrt(1.0 + EPS)) + be


def reference(x, edge_index, W1, b1, g1, be1, W2, b2, g2, be2, W3, b3, g3, be3, Wout, bout):
    src, dst = edge_index[0], edge_index[1]
    h = gcn_conv(x, src, dst, W1, b1)
    h = bn_eval(h, g1, be1)
    h = jax.nn.relu(h)
    # dropout is identity in eval mode
    h = gcn_conv(h, src, dst, W2, b2)
    h = bn_eval(h, g2, be2)
    h = jax.nn.relu(h)
    h = gcn_conv(h, src, dst, W3, b3)
    h = bn_eval(h, g3, be3)
    h = jax.nn.relu(h)
    out = h @ Wout.T + bout
    return out

if __name__ == "__main__":
    import jax
    _d = setup_inputs()
    print(jax.jit(kernel)(*tuple(_d.values())))

</pallas_src>

<mosaic_0001>
#map = affine_map<(d0, d1) -> (0)>
#map1 = affine_map<(d0, d1) -> (0, 0)>
module attributes {stable_mosaic.version = 14 : i64} {
  func.func @_edge_body(%arg0: i32, %arg1: i32, %arg2: memref<327680xi32, #tpu.memory_space<hbm>>, %arg3: memref<327680xi32, #tpu.memory_space<hbm>>, %arg4: memref<10240x128xf32, #tpu.memory_space<hbm>>, %arg5: memref<10240x128xf32, #tpu.memory_space<hbm>>, %arg6: memref<4096xi32, #tpu.memory_space<vmem>>, %arg7: memref<4096xi32, #tpu.memory_space<vmem>>, %arg8: memref<16x128xf32, #tpu.memory_space<vmem>>, %arg9: memref<328x128xf32, #tpu.memory_space<vmem>>, %arg10: memref<!tpu.dma_semaphore, #tpu.memory_space<semaphore_mem>>) attributes {dimension_semantics = [#tpu.dimension_semantics<core_parallel>, #tpu.dimension_semantics<subcore_parallel>], iteration_bounds = array<i64: 2, 16>, scalar_prefetch = 0 : i64, scratch_operands = 5 : i64, tpu.core_type = #tpu.core_type<sc_vector_subcore>, window_params = [{transform_indices = #map}, {transform_indices = #map}, {transform_indices = #map1}, {transform_indices = #map1}]} {
    %mul3A = arith.constant 16 : i32
    %mul3A_0 = arith.muli %arg0, %mul3A : i32
    %add3A = arith.addi %mul3A_0, %arg1 : i32
    %mul3A_1 = arith.constant 320 : i32
    %mul3A_2 = arith.muli %add3A, %mul3A_1 : i32
    %broadcast_in_dim3A = arith.constant 0.000000e+00 : f32
    %broadcast_in_dim3A_3 = vector.broadcast %broadcast_in_dim3A : f32 to vector<16xf32>
    %scan3A = arith.constant 0 : i32
    %scan3A_4 = arith.constant 0 : i32
    %scan3A_5 = arith.constant 328 : i32
    %scan3A_6 = arith.addi %scan3A_4, %scan3A_5 : i32
    %scan3A_7 = arith.constant 1 : i32
    scf.for %scan3A_17 = %scan3A_4 to %scan3A_6 step %scan3A_7  : i32 {
      %swap3A = arith.index_cast %scan3A_17 : i32 to index
      %swap3A_18 = arith.constant 0 : index
      %swap3A_19 = tpu.vector_load %arg9[%swap3A, %swap3A_18] {strides = array<i32>} : memref<328x128xf32, #tpu.memory_space<vmem>>, vector<1x16xf32>,
      %swap3A_20 = vector.shape_cast %swap3A_19 : vector<1x16xf32> to vector<16xf32>
      %swap3A_21 = vector.shape_cast %broadcast_in_dim3A_3 : vector<16xf32> to vector<1x16xf32>
      tpu.vector_store %arg9[%swap3A, %swap3A_18], %swap3A_21 {strides = array<i32>} : memref<328x128xf32, #tpu.memory_space<vmem>>, vector<1x16xf32>,
      %swap3A_22 = arith.index_cast %scan3A_17 : i32 to index
      %swap3A_23 = arith.constant 16 : index
      %swap3A_24 = tpu.vector_load %arg9[%swap3A_22, %swap3A_23] {strides = array<i32>} : memref<328x128xf32, #tpu.memory_space<vmem>>, vector<1x16xf32>,
      %swap3A_25 = vector.shape_cast %swap3A_24 : vector<1x16xf32> to vector<16xf32>
      %swap3A_26 = vector.shape_cast %broadcast_in_dim3A_3 : vector<16xf32> to vector<1x16xf32>
      tpu.vector_store %arg9[%swap3A_22, %swap3A_23], %swap3A_26 {strides = array<i32>} : memref<328x128xf32, #tpu.memory_space<vmem>>, vector<1x16xf32>,
      %swap3A_27 = arith.index_cast %scan3A_17 : i32 to index
      %swap3A_28 = arith.constant 32 : index
      %swap3A_29 = tpu.vector_load %arg9[%swap3A_27, %swap3A_28] {strides = array<i32>} : memref<328x128xf32, #tpu.memory_space<vmem>>, vector<1x16xf32>,
      %swap3A_30 = vector.shape_cast %swap3A_29 : vector<1x16xf32> to vector<16xf32>
      %swap3A_31 = vector.shape_cast %broadcast_in_dim3A_3 : vector<16xf32> to vector<1x16xf32>
      tpu.vector_store %arg9[%swap3A_27, %swap3A_28], %swap3A_31 {strides = array<i32>} : memref<328x128xf32, #tpu.memory_space<vmem>>, vector<1x16xf32>,
      %swap3A_32 = arith.index_cast %scan3A_17 : i32 to index
      %swap3A_33 = arith.constant 48 : index
      %swap3A_34 = tpu.vector_load %arg9[%swap3A_32, %swap3A_33] {strides = array<i32>} : memref<328x128xf32, #tpu.memory_space<vmem>>, vector<1x16xf32>,
      %swap3A_35 = vector.shape_cast %swap3A_34 : vector<1x16xf32> to vector<16xf32>
      %swap3A_36 = vector.shape_cast %broadcast_in_dim3A_3 : vector<16xf32> to vector<1x16xf32>
      tpu.vector_store %arg9[%swap3A_32, %swap3A_33], %swap3A_36 {strides = array<i32>} : memref<328x128xf32, #tpu.memory_space<vmem>>, vector<1x16xf32>,
      %swap3A_37 = arith.index_cast %scan3A_17 : i32 to index
      %swap3A_38 = arith.constant 64 : index
      %swap3A_39 = tpu.vector_load %arg9[%swap3A_37, %swap3A_38] {strides = array<i32>} : memref<328x128xf32, #tpu.memory_space<vmem>>, vector<1x16xf32>,
      %swap3A_40 = vector.shape_cast %swap3A_39 : vector<1x16xf32> to vector<16xf32>
      %swap3A_41 = vector.shape_cast %broadcast_in_dim3A_3 : vector<16xf32> to vector<1x16xf32>
      tpu.vector_store %arg9[%swap3A_37, %swap3A_38], %swap3A_41 {strides = array<i32>} : memref<328x128xf32, #tpu.memory_space<vmem>>, vector<1x16xf32>,
      %swap3A_42 = arith.index_cast %scan3A_17 : i32 to index
      %swap3A_43 = arith.constant 80 : index
      %swap3A_44 = tpu.vector_load %arg9[%swap3A_42, %swap3A_43] {strides = array<i32>} : memref<328x128xf32, #tpu.memory_space<vmem>>, vector<1x16xf32>,
      %swap3A_45 = vector.shape_cast %swap3A_44 : vector<1x16xf32> to vector<16xf32>
      %swap3A_46 = vector.shape_cast %broadcast_in_dim3A_3 : vector<16xf32> to vector<1x16xf32>
      tpu.vector_store %arg9[%swap3A_42, %swap3A_43], %swap3A_46 {strides = array<i32>} : memref<328x128xf32, #tpu.memory_space<vmem>>, vector<1x16xf32>,
      %swap3A_47 = arith.index_cast %scan3A_17 : i32 to index
      %swap3A_48 = arith.constant 96 : index
      %swap3A_49 = tpu.vector_load %arg9[%swap3A_47, %swap3A_48] {strides = array<i32>} : memref<328x128xf32, #tpu.memory_space<vmem>>, vector<1x16xf32>,
      %swap3A_50 = vector.shape_cast %swap3A_49 : vector<1x16xf32> to vector<16xf32>
      %swap3A_51 = vector.shape_cast %broadcast_in_dim3A_3 : vector<16xf32> to vector<1x16xf32>
      tpu.vector_store %arg9[%swap3A_47, %swap3A_48], %swap3A_51 {strides = array<i32>} : memref<328x128xf32, #tpu.memory_space<vmem>>, vector<1x16xf32>,
      %swap3A_52 = arith.index_cast %scan3A_17 : i32 to index
      %swap3A_53 = arith.constant 112 : index
      %swap3A_54 = tpu.vector_load %arg9[%swap3A_52, %swap3A_53] {strides = array<i32>} : memref<328x128xf32, #tpu.memory_space<vmem>>, vector<1x16xf32>,
      %swap3A_55 = vector.shape_cast %swap3A_54 : vector<1x16xf32> to vector<16xf32>
      %swap3A_56 = vector.shape_cast %broadcast_in_dim3A_3 : vector<16xf32> to vector<1x16xf32>
      tpu.vector_store %arg9[%swap3A_52, %swap3A_53], %swap3A_56 {strides = array<i32>} : memref<328x128xf32, #tpu.memory_space<vmem>>, vector<1x16xf32>,
    }
    %scan3A_8 = arith.constant 328 : i32
    %scan3A_9 = arith.constant 0 : i32
    %scan3A_10 = arith.constant 0 : i32
    %scan3A_11 = arith.constant 80 : i32
    %scan3A_12 = arith.addi %scan3A_10, %scan3A_11 : i32
    %scan3A_13 = arith.constant 1 : i32
    scf.for %scan3A_17 = %scan3A_10 to %scan3A_12 step %scan3A_13  : i32 {
      %mul3A_18 = arith.constant 4096 : i32
      %mul3A_19 = arith.muli %scan3A_17, %mul3A_18 : i32
      "tpu.region"() ({
        %run_scoped3A = tpu.sem_alloc : memref<!tpu.dma_semaphore, #tpu.memory_space<semaphore_mem>>
        %dma_start3A = tpu.memref_slice %arg2[%mul3A_19] : memref<327680xi32, #tpu.memory_space<hbm>> -> memref<4096xi32, #tpu.memory_space<hbm>>
        %dma_start3A_38 = tpu.memref_slice %arg2[%mul3A_19] : memref<327680xi32, #tpu.memory_space<hbm>> -> memref<4096xi32, #tpu.memory_space<hbm>>
        tpu.enqueue_dma source(%dma_start3A_38 : memref<4096xi32, #tpu.memory_space<hbm>>) target(%arg6 : memref<4096xi32, #tpu.memory_space<vmem>>) target_semaphore(%run_scoped3A : memref<!tpu.dma_semaphore, #tpu.memory_space<semaphore_mem>>)
        %dma_wait3A = tpu.memref_slice %arg2[%mul3A_19] : memref<327680xi32, #tpu.memory_space<hbm>> -> memref<4096xi32, #tpu.memory_space<hbm>>
        %dma_wait3A_39 = tpu.memref_slice %arg2[%mul3A_19] : memref<327680xi32, #tpu.memory_space<hbm>> -> memref<4096xi32, #tpu.memory_space<hbm>>
        tpu.wait_dma2 semaphore(%run_scoped3A : memref<!tpu.dma_semaphore, #tpu.memory_space<semaphore_mem>>) src(%dma_wait3A_39 : memref<4096xi32, #tpu.memory_space<hbm>>) dst(%arg6 : memref<4096xi32, #tpu.memory_space<vmem>>)
        tpu.yield
      }) : () -> ()
      %mul3A_20 = arith.constant 4096 : i32
      %mul3A_21 = arith.muli %scan3A_17, %mul3A_20 : i32
      "tpu.region"() ({
        %run_scoped3A = tpu.sem_alloc : memref<!tpu.dma_semaphore, #tpu.memory_space<semaphore_mem>>
        %dma_start3A = tpu.memref_slice %arg3[%mul3A_21] : memref<327680xi32, #tpu.memory_space<hbm>> -> memref<4096xi32, #tpu.memory_space<hbm>>
        %dma_start3A_38 = tpu.memref_slice %arg3[%mul3A_21] : memref<327680xi32, #tpu.memory_space<hbm>> -> memref<4096xi32, #tpu.memory_space<hbm>>
        tpu.enqueue_dma source(%dma_start3A_38 : memref<4096xi32, #tpu.memory_space<hbm>>) target(%arg7 : memref<4096xi32, #tpu.memory_space<vmem>>) target_semaphore(%run_scoped3A : memref<!tpu.dma_semaphore, #tpu.memory_space<semaphore_mem>>)
        %dma_wait3A = tpu.memref_slice %arg3[%mul3A_21] : memref<327680xi32, #tpu.memory_space<hbm>> -> memref<4096xi32, #tpu.memory_space<hbm>>
        %dma_wait3A_39 = tpu.memref_slice %arg3[%mul3A_21] : memref<327680xi32, #tpu.memory_space<hbm>> -> memref<4096xi32, #tpu.memory_space<hbm>>
        tpu.wait_dma2 semaphore(%run_scoped3A : memref<!tpu.dma_semaphore, #tpu.memory_space<semaphore_mem>>) src(%dma_wait3A_39 : memref<4096xi32, #tpu.memory_space<hbm>>) dst(%arg7 : memref<4096xi32, #tpu.memory_space<vmem>>)
        tpu.yield
      }) : () -> ()
      %iota3A = tpu.iota {dimensions = array<i32: 0>} : vector<16xi32>
      %xor3A = arith.constant 1 : i32
      %xor3A_22 = vector.broadcast %xor3A : i32 to vector<16xi32>
      %xor3A_23 = arith.xori %iota3A, %xor3A_22 : vector<16xi32>
      %xor3A_24 = arith.constant 2 : i32
      %xor3A_25 = vector.broadcast %xor3A_24 : i32 to vector<16xi32>
      %xor3A_26 = arith.xori %iota3A, %xor3A_25 : vector<16xi32>
      %xor3A_27 = arith.constant 4 : i32
      %xor3A_28 = vector.broadcast %xor3A_27 : i32 to vector<16xi32>
      %xor3A_29 = arith.xori %iota3A, %xor3A_28 : vector<16xi32>
      %xor3A_30 = arith.constant 8 : i32
      %xor3A_31 = vector.broadcast %xor3A_30 : i32 to vector<16xi32>
      %xor3A_32 = arith.xori %iota3A, %xor3A_31 : vector<16xi32>
      %scan3A_33 = arith.constant 0 : i32
      %scan3A_34 = arith.constant 256 : i32
      %scan3A_35 = arith.addi %scan3A_33, %scan3A_34 : i32
      %scan3A_36 = arith.constant 1 : i32
      scf.for %scan3A_38 = %scan3A_33 to %scan3A_35 step %scan3A_36  : i32 {
        %mul3A_39 = arith.constant 16 : i32
        %mul3A_40 = arith.muli %scan3A_38, %mul3A_39 : i32
        %get3A = arith.index_cast %mul3A_40 : i32 to index
        %get3A_41 = tpu.vector_load %arg7[%get3A] {strides = array<i32>} : memref<4096xi32, #tpu.memory_space<vmem>>, vector<16xi32>,
        %get3A_42 = vector.shape_cast %get3A_41 : vector<16xi32> to vector<16xi32>
        %mul3A_43 = arith.constant 16 : i32
        %mul3A_44 = arith.muli %scan3A_38, %mul3A_43 : i32
        %get3A_45 = arith.index_cast %mul3A_44 : i32 to index
        %get3A_46 = tpu.vector_load %arg6[%get3A_45] {strides = array<i32>} : memref<4096xi32, #tpu.memory_space<vmem>>, vector<16xi32>,
        %get3A_47 = vector.shape_cast %get3A_46 : vector<16xi32> to vector<16xi32>
        %sub3A = vector.broadcast %mul3A_2 : i32 to vector<16xi32>
        %sub3A_48 = arith.subi %get3A_42, %sub3A : vector<16xi32>
        %ge3A = arith.constant 0 : i32
        %ge3A_49 = vector.broadcast %ge3A : i32 to vector<16xi32>
        %ge3A_50 = arith.cmpi sge, %sub3A_48, %ge3A_49 : vector<16xi32>
        %lt3A = arith.constant 320 : i32
        %lt3A_51 = vector.broadcast %lt3A : i32 to vector<16xi32>
        %lt3A_52 = arith.cmpi slt, %sub3A_48, %lt3A_51 : vector<16xi32>
        %and3A = arith.andi %ge3A_50, %lt3A_52 : vector<16xi1>
        %jit3A = arith.constant 320 : i32
        %broadcast_in_dim3A_53 = vector.broadcast %jit3A : i32 to vector<16xi32>
        %select_n3A = arith.select %and3A, %sub3A_48, %broadcast_in_dim3A_53 : vector<16xi1>, vector<16xi32>
        %lt3A_54 = arith.constant 0 : i32
        %lt3A_55 = vector.broadcast %lt3A_54 : i32 to vector<16xi32>
        %lt3A_56 = arith.cmpi slt, %xor3A_23, %lt3A_55 : vector<16xi32>
        %add3A_57 = arith.constant 16 : i32
        %add3A_58 = vector.broadcast %add3A_57 : i32 to vector<16xi32>
        %add3A_59 = arith.addi %xor3A_23, %add3A_58 : vector<16xi32>
        %select_n3A_60 = arith.select %lt3A_56, %add3A_59, %xor3A_23 : vector<16xi1>, vector<16xi32>
        %reshape3A = vector.shape_cast %select_n3A_60 : vector<16xi32> to vector<16x1xi32>
        %gather3A = vector.shape_cast %reshape3A : vector<16x1xi32> to vector<16xi32>
        %gather3A_61 = tpu.dynamic_gather %select_n3A[%gather3A] in [0] : vector<16xi32>, vector<16xi32> -> vector<16xi32>
        %min3A = arith.minsi %select_n3A, %gather3A_61 : vector<16xi32>
        %lt3A_62 = arith.constant 0 : i32
        %lt3A_63 = vector.broadcast %lt3A_62 : i32 to vector<16xi32>
        %lt3A_64 = arith.cmpi slt, %xor3A_26, %lt3A_63 : vector<16xi32>
        %add3A_65 = arith.constant 16 : i32
        %add3A_66 = vector.broadcast %add3A_65 : i32 to vector<16xi32>
        %add3A_67 = arith.addi %xor3A_26, %add3A_66 : vector<16xi32>
        %select_n3A_68 = arith.select %lt3A_64, %add3A_67, %xor3A_26 : vector<16xi1>, vector<16xi32>
        %reshape3A_69 = vector.shape_cast %select_n3A_68 : vector<16xi32> to vector<16x1xi32>
        %gather3A_70 = vector.shape_cast %reshape3A_69 : vector<16x1xi32> to vector<16xi32>
        %gather3A_71 = tpu.dynamic_gather %min3A[%gather3A_70] in [0] : vector<16xi32>, vector<16xi32> -> vector<16xi32>
        %min3A_72 = arith.minsi %min3A, %gather3A_71 : vector<16xi32>
        %lt3A_73 = arith.constant 0 : i32
        %lt3A_74 = vector.broadcast %lt3A_73 : i32 to vector<16xi32>
        %lt3A_75 = arith.cmpi slt, %xor3A_29, %lt3A_74 : vector<16xi32>
        %add3A_76 = arith.constant 16 : i32
        %add3A_77 = vector.broadcast %add3A_76 : i32 to vector<16xi32>
        %add3A_78 = arith.addi %xor3A_29, %add3A_77 : vector<16xi32>
        %select_n3A_79 = arith.select %lt3A_75, %add3A_78, %xor3A_29 : vector<16xi1>, vector<16xi32>
        %reshape3A_80 = vector.shape_cast %select_n3A_79 : vector<16xi32> to vector<16x1xi32>
        %gather3A_81 = vector.shape_cast %reshape3A_80 : vector<16x1xi32> to vector<16xi32>
        %gather3A_82 = tpu.dynamic_gather %min3A_72[%gather3A_81] in [0] : vector<16xi32>, vector<16xi32> -> vector<16xi32>
        %min3A_83 = arith.minsi %min3A_72, %gather3A_82 : vector<16xi32>
        %lt3A_84 = arith.constant 0 : i32
        %lt3A_85 = vector.broadcast %lt3A_84 : i32 to vector<16xi32>
        %lt3A_86 = arith.cmpi slt, %xor3A_32, %lt3A_85 : vector<16xi32>
        %add3A_87 = arith.constant 16 : i32
        %add3A_88 = vector.broadcast %add3A_87 : i32 to vector<16xi32>
        %add3A_89 = arith.addi %xor3A_32, %add3A_88 : vector<16xi32>
        %select_n3A_90 = arith.select %lt3A_86, %add3A_89, %xor3A_32 : vector<16xi1>, vector<16xi32>
        %reshape3A_91 = vector.shape_cast %select_n3A_90 : vector<16xi32> to vector<16x1xi32>
        %gather3A_92 = vector.shape_cast %reshape3A_91 : vector<16x1xi32> to vector<16xi32>
        %gather3A_93 = tpu.dynamic_gather %min3A_83[%gather3A_92] in [0] : vector<16xi32>, vector<16xi32> -> vector<16xi32>
        %min3A_94 = arith.minsi %min3A_83, %gather3A_93 : vector<16xi32>
        %slice3A = vector.extract_strided_slice %min3A_94 {offsets = [0], sizes = [1], strides = [1]} : vector<16xi32> to vector<1xi32>
        %squeeze3A = vector.extract %slice3A[0] : i32 from vector<1xi32>
        %lt3A_95 = arith.constant 320 : i32
        %lt3A_96 = arith.cmpi slt, %squeeze3A, %lt3A_95 : i32
        %convert_element_type3A = arith.extui %lt3A_96 : i1 to i32
        %cond3A = arith.constant 0 : i32
        %cond3A_97 = arith.cmpi ne, %convert_element_type3A, %cond3A : i32
        scf.if %cond3A_97 {
          %jit3A_98 = arith.constant 10000 : i32
          %broadcast_in_dim3A_99 = vector.broadcast %jit3A_98 : i32 to vector<16xi32>
          %select_n3A_100 = arith.select %and3A, %get3A_47, %broadcast_in_dim3A_99 : vector<16xi1>, vector<16xi32>
          %dma_start3A = arith.constant 0 : i32
          %dma_start3A_101 = arith.constant 0 : i32
          %dma_start3A_102 = tpu.memref_slice %arg4[%dma_start3A, %dma_start3A_101] : memref<10240x128xf32, #tpu.memory_space<hbm>> -> memref<10240x128xf32, #tpu.memory_space<hbm>>
          tpu.enqueue_indirect_dma source(%dma_start3A_102 : memref<10240x128xf32, #tpu.memory_space<hbm>>) target(%arg8 : memref<16x128xf32, #tpu.memory_space<vmem>>) offsets(%select_n3A_100 : vector<16xi32>) semaphore(%arg10 : memref<!tpu.dma_semaphore, #tpu.memory_space<semaphore_mem>>)
          %dma_wait3A = arith.constant 0 : i32
          %dma_wait3A_103 = arith.constant 0 : i32
          %dma_wait3A_104 = tpu.memref_slice %arg4[%dma_wait3A, %dma_wait3A_103] : memref<10240x128xf32, #tpu.memory_space<hbm>> -> memref<10240x128xf32, #tpu.memory_space<hbm>>
          tpu.wait_indirect_dma semaphore(%arg10 : memref<!tpu.dma_semaphore, #tpu.memory_space<semaphore_mem>>) src(%dma_wait3A_104 : memref<10240x128xf32, #tpu.memory_space<hbm>>) dst(%arg8 : memref<16x128xf32, #tpu.memory_space<vmem>>)
          %add3A_105 = arith.constant 1 : i32
          %add3A_106 = vector.broadcast %add3A_105 : i32 to vector<16xi32>
          %add3A_107 = arith.addi %iota3A, %add3A_106 : vector<16xi32>
          %and3A_108 = arith.constant 15 : i32
          %and3A_109 = vector.broadcast %and3A_108 : i32 to vector<16xi32>
          %and3A_110 = arith.andi %add3A_107, %and3A_109 : vector<16xi32>
          %scan3A_111 = arith.constant 0 : i32
          %scan3A_112 = arith.constant 16 : i32
          %scan3A_113 = arith.addi %scan3A_111, %scan3A_112 : i32
          %scan3A_114 = arith.constant 1 : i32
          %scan3A_115 = scf.for %scan3A_117 = %scan3A_111 to %scan3A_113 step %scan3A_114 iter_args(%scan3A_118 = %select_n3A) -> (vector<16xi32>)  : i32 {
            %slice3A_119 = vector.extract_strided_slice %scan3A_118 {offsets = [0], sizes = [1], strides = [1]} : vector<16xi32> to vector<1xi32>
            %squeeze3A_120 = vector.extract %slice3A_119[0] : i32 from vector<1xi32>
            %lt3A_121 = arith.constant 320 : i32
            %lt3A_122 = arith.cmpi slt, %squeeze3A_120, %lt3A_121 : i32
            %convert_element_type3A_123 = arith.extui %lt3A_122 : i1 to i32
            %cond3A_124 = arith.constant 0 : i32
            %cond3A_125 = arith.cmpi ne, %convert_element_type3A_123, %cond3A_124 : i32
            scf.if %cond3A_125 {
              %get3A_136 = arith.index_cast %scan3A_117 : i32 to index
              %get3A_137 = arith.constant 0 : index
              %get3A_138 = tpu.vector_load %arg8[%get3A_136, %get3A_137] {strides = array<i32>} : memref<16x128xf32, #tpu.memory_space<vmem>>, vector<1x16xf32>,
              %get3A_139 = vector.shape_cast %get3A_138 : vector<1x16xf32> to vector<16xf32>
              %swap3A = arith.index_cast %squeeze3A_120 : i32 to index
              %swap3A_140 = arith.constant 0 : index
              %swap3A_141 = tpu.vector_load %arg9[%swap3A, %swap3A_140] {strides = array<i32>} : memref<328x128xf32, #tpu.memory_space<vmem>>, vector<1x16xf32>,
              %swap3A_142 = vector.shape_cast %swap3A_141 : vector<1x16xf32> to vector<16xf32>
              %swap3A_143 = vector.shape_cast %get3A_139 : vector<16xf32> to vector<1x16xf32>
              tpu.vector_store %arg9[%swap3A, %swap3A_140], %swap3A_143 {add = true, strides = array<i32>} : memref<328x128xf32, #tpu.memory_space<vmem>>, vector<1x16xf32>,
              %get3A_144 = arith.index_cast %scan3A_117 : i32 to index
              %get3A_145 = arith.constant 16 : index
              %get3A_146 = tpu.vector_load %arg8[%get3A_144, %get3A_145] {strides = array<i32>} : memref<16x128xf32, #tpu.memory_space<vmem>>, vector<1x16xf32>,
              %get3A_147 = vector.shape_cast %get3A_146 : vector<1x16xf32> to vector<16xf32>
              %swap3A_148 = arith.index_cast %squeeze3A_120 : i32 to index
              %swap3A_149 = arith.constant 16 : index
              %swap3A_150 = tpu.vector_load %arg9[%swap3A_148, %swap3A_149] {strides = array<i32>} : memref<328x128xf32, #tpu.memory_space<vmem>>, vector<1x16xf32>,
              %swap3A_151 = vector.shape_cast %swap3A_150 : vector<1x16xf32> to vector<16xf32>
              %swap3A_152 = vector.shape_cast %get3A_147 : vector<16xf32> to vector<1x16xf32>
              tpu.vector_store %arg9[%swap3A_148, %swap3A_149], %swap3A_152 {add = true, strides = array<i32>} : memref<328x128xf32, #tpu.memory_space<vmem>>, vector<1x16xf32>,
              %get3A_153 = arith.index_cast %scan3A_117 : i32 to index
              %get3A_154 = arith.constant 32 : index
              %get3A_155 = tpu.vector_load %arg8[%get3A_153, %get3A_154] {strides = array<i32>} : memref<16x128xf32, #tpu.memory_space<vmem>>, vector<1x16xf32>,
              %get3A_156 = vector.shape_cast %get3A_155 : vector<1x16xf32> to vector<16xf32>
              %swap3A_157 = arith.index_cast %squeeze3A_120 : i32 to index
              %swap3A_158 = arith.constant 32 : index
              %swap3A_159 = tpu.vector_load %arg9[%swap3A_157, %swap3A_158] {strides = array<i32>} : memref<328x128xf32, #tpu.memory_space<vmem>>, vector<1x16xf32>,
              %swap3A_160 = vector.shape_cast %swap3A_159 : vector<1x16xf32> to vector<16xf32>
              %swap3A_161 = vector.shape_cast %get3A_156 : vector<16xf32> to vector<1x16xf32>
              tpu.vector_store %arg9[%swap3A_157, %swap3A_158], %swap3A_161 {add = true, strides = array<i32>} : memref<328x128xf32, #tpu.memory_space<vmem>>, vector<1x16xf32>,
              %get3A_162 = arith.index_cast %scan3A_117 : i32 to index
              %get3A_163 = arith.constant 48 : index
              %get3A_164 = tpu.vector_load %arg8[%get3A_162, %get3A_163] {strides = array<i32>} : memref<16x128xf32, #tpu.memory_space<vmem>>, vector<1x16xf32>,
              %get3A_165 = vector.shape_cast %get3A_164 : vector<1x16xf32> to vector<16xf32>
              %swap3A_166 = arith.index_cast %squeeze3A_120 : i32 to index
              %swap3A_167 = arith.constant 48 : index
              %swap3A_168 = tpu.vector_load %arg9[%swap3A_166, %swap3A_167] {strides = array<i32>} : memref<328x128xf32, #tpu.memory_space<vmem>>, vector<1x16xf32>,
              %swap3A_169 = vector.shape_cast %swap3A_168 : vector<1x16xf32> to vector<16xf32>
              %swap3A_170 = vector.shape_cast %get3A_165 : vector<16xf32> to vector<1x16xf32>
              tpu.vector_store %arg9[%swap3A_166, %swap3A_167], %swap3A_170 {add = true, strides = array<i32>} : memref<328x128xf32, #tpu.memory_space<vmem>>, vector<1x16xf32>,
              %get3A_171 = arith.index_cast %scan3A_117 : i32 to index
              %get3A_172 = arith.constant 64 : index
              %get3A_173 = tpu.vector_load %arg8[%get3A_171, %get3A_172] {strides = array<i32>} : memref<16x128xf32, #tpu.memory_space<vmem>>, vector<1x16xf32>,
              %get3A_174 = vector.shape_cast %get3A_173 : vector<1x16xf32> to vector<16xf32>
              %swap3A_175 = arith.index_cast %squeeze3A_120 : i32 to index
              %swap3A_176 = arith.constant 64 : index
              %swap3A_177 = tpu.vector_load %arg9[%swap3A_175, %swap3A_176] {strides = array<i32>} : memref<328x128xf32, #tpu.memory_space<vmem>>, vector<1x16xf32>,
              %swap3A_178 = vector.shape_cast %swap3A_177 : vector<1x16xf32> to vector<16xf32>
              %swap3A_179 = vector.shape_cast %get3A_174 : vector<16xf32> to vector<1x16xf32>
              tpu.vector_store %arg9[%swap3A_175, %swap3A_176], %swap3A_179 {add = true, strides = array<i32>} : memref<328x128xf32, #tpu.memory_space<vmem>>, vector<1x16xf32>,
              %get3A_180 = arith.index_cast %scan3A_117 : i32 to index
              %get3A_181 = arith.constant 80 : index
              %get3A_182 = tpu.vector_load %arg8[%get3A_180, %get3A_181] {strides = array<i32>} : memref<16x128xf32, #tpu.memory_space<vmem>>, vector<1x16xf32>,
              %get3A_183 = vector.shape_cast %get3A_182 : vector<1x16xf32> to vector<16xf32>
              %swap3A_184 = arith.index_cast %squeeze3A_120 : i32 to index
              %swap3A_185 = arith.constant 80 : index
              %swap3A_186 = tpu.vector_load %arg9[%swap3A_184, %swap3A_185] {strides = array<i32>} : memref<328x128xf32, #tpu.memory_space<vmem>>, vector<1x16xf32>,
              %swap3A_187 = vector.shape_cast %swap3A_186 : vector<1x16xf32> to vector<16xf32>
              %swap3A_188 = vector.shape_cast %get3A_183 : vector<16xf32> to vector<1x16xf32>
              tpu.vector_store %arg9[%swap3A_184, %swap3A_185], %swap3A_188 {add = true, strides = array<i32>} : memref<328x128xf32, #tpu.memory_space<vmem>>, vector<1x16xf32>,
              %get3A_189 = arith.index_cast %scan3A_117 : i32 to index
              %get3A_190 = arith.constant 96 : index
              %get3A_191 = tpu.vector_load %arg8[%get3A_189, %get3A_190] {strides = array<i32>} : memref<16x128xf32, #tpu.memory_space<vmem>>, vector<1x16xf32>,
              %get3A_192 = vector.shape_cast %get3A_191 : vector<1x16xf32> to vector<16xf32>
              %swap3A_193 = arith.index_cast %squeeze3A_120 : i32 to index
              %swap3A_194 = arith.constant 96 : index
              %swap3A_195 = tpu.vector_load %arg9[%swap3A_193, %swap3A_194] {strides = array<i32>} : memref<328x128xf32, #tpu.memory_space<vmem>>, vector<1x16xf32>,
              %swap3A_196 = vector.shape_cast %swap3A_195 : vector<1x16xf32> to vector<16xf32>
              %swap3A_197 = vector.shape_cast %get3A_192 : vector<16xf32> to vector<1x16xf32>
              tpu.vector_store %arg9[%swap3A_193, %swap3A_194], %swap3A_197 {add = true, strides = array<i32>} : memref<328x128xf32, #tpu.memory_space<vmem>>, vector<1x16xf32>,
              %get3A_198 = arith.index_cast %scan3A_117 : i32 to index
              %get3A_199 = arith.constant 112 : index
              %get3A_200 = tpu.vector_load %arg8[%get3A_198, %get3A_199] {strides = array<i32>} : memref<16x128xf32, #tpu.memory_space<vmem>>, vector<1x16xf32>,
              %get3A_201 = vector.shape_cast %get3A_200 : vector<1x16xf32> to vector<16xf32>
              %swap3A_202 = arith.index_cast %squeeze3A_120 : i32 to index
              %swap3A_203 = arith.constant 112 : index
              %swap3A_204 = tpu.vector_load %arg9[%swap3A_202, %swap3A_203] {strides = array<i32>} : memref<328x128xf32, #tpu.memory_space<vmem>>, vector<1x16xf32>,
              %swap3A_205 = vector.shape_cast %swap3A_204 : vector<1x16xf32> to vector<16xf32>
              %swap3A_206 = vector.shape_cast %get3A_201 : vector<16xf32> to vector<1x16xf32>
              tpu.vector_store %arg9[%swap3A_202, %swap3A_203], %swap3A_206 {add = true, strides = array<i32>} : memref<328x128xf32, #tpu.memory_space<vmem>>, vector<1x16xf32>,
            } else {
            }
            %lt3A_126 = arith.constant 0 : i32
            %lt3A_127 = vector.broadcast %lt3A_126 : i32 to vector<16xi32>
            %lt3A_128 = arith.cmpi slt, %and3A_110, %lt3A_127 : vector<16xi32>
            %add3A_129 = arith.constant 16 : i32
            %add3A_130 = vector.broadcast %add3A_129 : i32 to vector<16xi32>
            %add3A_131 = arith.addi %and3A_110, %add3A_130 : vector<16xi32>
            %select_n3A_132 = arith.select %lt3A_128, %add3A_131, %and3A_110 : vector<16xi1>, vector<16xi32>
            %reshape3A_133 = vector.shape_cast %select_n3A_132 : vector<16xi32> to vector<16x1xi32>
            %gather3A_134 = vector.shape_cast %reshape3A_133 : vector<16x1xi32> to vector<16xi32>
            %gather3A_135 = tpu.dynamic_gather %scan3A_118[%gather3A_134] in [0] : vector<16xi32>, vector<16xi32> -> vector<16xi32>
            scf.yield %gather3A_135 : vector<16xi32>
          }
          %scan3A_116 = arith.constant 16 : i32
        } else {
        }
      }
      %scan3A_37 = arith.constant 256 : i32
    }
    %scan3A_14 = arith.constant 80 : i32
    %mul3A_15 = arith.constant 320 : i32
    %mul3A_16 = arith.muli %add3A, %mul3A_15 : i32
    "tpu.region"() ({
      %run_scoped3A = tpu.sem_alloc : memref<!tpu.dma_semaphore, #tpu.memory_space<semaphore_mem>>
      %dma_start3A = arith.constant 0 : i32
      %dma_start3A_17 = arith.constant 0 : i32
      %dma_start3A_18 = tpu.memref_slice %arg9[%dma_start3A, %dma_start3A_17] : memref<328x128xf32, #tpu.memory_space<vmem>> -> memref<320x128xf32, #tpu.memory_space<vmem>>
      %dma_start3A_19 = arith.constant 0 : i32
      %dma_start3A_20 = tpu.memref_slice %arg5[%mul3A_16, %dma_start3A_19] : memref<10240x128xf32, #tpu.memory_space<hbm>> -> memref<320x128xf32, #tpu.memory_space<hbm>>
      %dma_start3A_21 = arith.constant 0 : i32
      %dma_start3A_22 = tpu.memref_slice %arg5[%mul3A_16, %dma_start3A_21] : memref<10240x128xf32, #tpu.memory_space<hbm>> -> memref<320x128xf32, #tpu.memory_space<hbm>>
      %dma_start3A_23 = arith.constant 0 : i32
      %dma_start3A_24 = arith.constant 0 : i32
      %dma_start3A_25 = tpu.memref_slice %arg9[%dma_start3A_23, %dma_start3A_24] : memref<328x128xf32, #tpu.memory_space<vmem>> -> memref<320x128xf32, #tpu.memory_space<vmem>>
      tpu.enqueue_dma source(%dma_start3A_25 : memref<320x128xf32, #tpu.memory_space<vmem>>) target(%dma_start3A_22 : memref<320x128xf32, #tpu.memory_space<hbm>>) target_semaphore(%run_scoped3A : memref<!tpu.dma_semaphore, #tpu.memory_space<semaphore_mem>>)
      %dma_wait3A = arith.constant 0 : i32
      %dma_wait3A_26 = arith.constant 0 : i32
      %dma_wait3A_27 = tpu.memref_slice %arg9[%dma_wait3A, %dma_wait3A_26] : memref<328x128xf32, #tpu.memory_space<vmem>> -> memref<320x128xf32, #tpu.memory_space<vmem>>
      %dma_wait3A_28 = arith.constant 0 : i32
      %dma_wait3A_29 = tpu.memref_slice %arg5[%mul3A_16, %dma_wait3A_28] : memref<10240x128xf32, #tpu.memory_space<hbm>> -> memref<320x128xf32, #tpu.memory_space<hbm>>
      %dma_wait3A_30 = arith.constant 0 : i32
      %dma_wait3A_31 = tpu.memref_slice %arg5[%mul3A_16, %dma_wait3A_30] : memref<10240x128xf32, #tpu.memory_space<hbm>> -> memref<320x128xf32, #tpu.memory_space<hbm>>
      %dma_wait3A_32 = arith.constant 0 : i32
      %dma_wait3A_33 = arith.constant 0 : i32
      %dma_wait3A_34 = tpu.memref_slice %arg9[%dma_wait3A_32, %dma_wait3A_33] : memref<328x128xf32, #tpu.memory_space<vmem>> -> memref<320x128xf32, #tpu.memory_space<vmem>>
      tpu.wait_dma2 semaphore(%run_scoped3A : memref<!tpu.dma_semaphore, #tpu.memory_space<semaphore_mem>>) src(%dma_wait3A_34 : memref<320x128xf32, #tpu.memory_space<vmem>>) dst(%dma_wait3A_31 : memref<320x128xf32, #tpu.memory_space<hbm>>)
      tpu.yield
    }) : () -> ()
    return
  }
}

#map = affine_map<(d0, d1) -> (0)>
#map1 = affine_map<(d0, d1) -> (0, 0)>
module attributes {stable_mosaic.version = 14 : i64} {
  func.func @_edge_body(%arg0: i32, %arg1: i32, %arg2: memref<327680xi32, #tpu.memory_space<hbm>>, %arg3: memref<327680xi32, #tpu.memory_space<hbm>>, %arg4: memref<10240x128xf32, #tpu.memory_space<hbm>>, %arg5: memref<10240x128xf32, #tpu.memory_space<hbm>>, %arg6: memref<4096xi32, #tpu.memory_space<vmem>>, %arg7: memref<4096xi32, #tpu.memory_space<vmem>>, %arg8: memref<16x128xf32, #tpu.memory_space<vmem>>, %arg9: memref<328x128xf32, #tpu.memory_space<vmem>>, %arg10: memref<!tpu.dma_semaphore, #tpu.memory_space<semaphore_mem>>) attributes {dimension_semantics = [#tpu.dimension_semantics<core_parallel>, #tpu.dimension_semantics<subcore_parallel>], iteration_bounds = array<i64: 2, 16>, scalar_prefetch = 0 : i64, scratch_operands = 5 : i64, tpu.core_type = #tpu.core_type<sc_vector_subcore>, window_params = [{transform_indices = #map}, {transform_indices = #map}, {transform_indices = #map1}, {transform_indices = #map1}]} {
    %mul3A = arith.constant 16 : i32
    %mul3A_0 = arith.muli %arg0, %mul3A : i32
    %add3A = arith.addi %mul3A_0, %arg1 : i32
    %mul3A_1 = arith.constant 320 : i32
    %mul3A_2 = arith.muli %add3A, %mul3A_1 : i32
    %broadcast_in_dim3A = arith.constant 0.000000e+00 : f32
    %broadcast_in_dim3A_3 = vector.broadcast %broadcast_in_dim3A : f32 to vector<16xf32>
    %scan3A = arith.constant 0 : i32
    %scan3A_4 = arith.constant 0 : i32
    %scan3A_5 = arith.constant 328 : i32
    %scan3A_6 = arith.addi %scan3A_4, %scan3A_5 : i32
    %scan3A_7 = arith.constant 1 : i32
    scf.for %scan3A_17 = %scan3A_4 to %scan3A_6 step %scan3A_7  : i32 {
      %swap3A = arith.index_cast %scan3A_17 : i32 to index
      %swap3A_18 = arith.constant 0 : index
      %swap3A_19 = tpu.vector_load %arg9[%swap3A, %swap3A_18] {strides = array<i32>} : memref<328x128xf32, #tpu.memory_space<vmem>>, vector<1x16xf32>,
      %swap3A_20 = vector.shape_cast %swap3A_19 : vector<1x16xf32> to vector<16xf32>
      %swap3A_21 = vector.shape_cast %broadcast_in_dim3A_3 : vector<16xf32> to vector<1x16xf32>
      tpu.vector_store %arg9[%swap3A, %swap3A_18], %swap3A_21 {strides = array<i32>} : memref<328x128xf32, #tpu.memory_space<vmem>>, vector<1x16xf32>,
      %swap3A_22 = arith.index_cast %scan3A_17 : i32 to index
      %swap3A_23 = arith.constant 16 : index
      %swap3A_24 = tpu.vector_load %arg9[%swap3A_22, %swap3A_23] {strides = array<i32>} : memref<328x128xf32, #tpu.memory_space<vmem>>, vector<1x16xf32>,
      %swap3A_25 = vector.shape_cast %swap3A_24 : vector<1x16xf32> to vector<16xf32>
      %swap3A_26 = vector.shape_cast %broadcast_in_dim3A_3 : vector<16xf32> to vector<1x16xf32>
      tpu.vector_store %arg9[%swap3A_22, %swap3A_23], %swap3A_26 {strides = array<i32>} : memref<328x128xf32, #tpu.memory_space<vmem>>, vector<1x16xf32>,
      %swap3A_27 = arith.index_cast %scan3A_17 : i32 to index
      %swap3A_28 = arith.constant 32 : index
      %swap3A_29 = tpu.vector_load %arg9[%swap3A_27, %swap3A_28] {strides = array<i32>} : memref<328x128xf32, #tpu.memory_space<vmem>>, vector<1x16xf32>,
      %swap3A_30 = vector.shape_cast %swap3A_29 : vector<1x16xf32> to vector<16xf32>
      %swap3A_31 = vector.shape_cast %broadcast_in_dim3A_3 : vector<16xf32> to vector<1x16xf32>
      tpu.vector_store %arg9[%swap3A_27, %swap3A_28], %swap3A_31 {strides = array<i32>} : memref<328x128xf32, #tpu.memory_space<vmem>>, vector<1x16xf32>,
      %swap3A_32 = arith.index_cast %scan3A_17 : i32 to index
      %swap3A_33 = arith.constant 48 : index
      %swap3A_34 = tpu.vector_load %arg9[%swap3A_32, %swap3A_33] {strides = array<i32>} : memref<328x128xf32, #tpu.memory_space<vmem>>, vector<1x16xf32>,
      %swap3A_35 = vector.shape_cast %swap3A_34 : vector<1x16xf32> to vector<16xf32>
      %swap3A_36 = vector.shape_cast %broadcast_in_dim3A_3 : vector<16xf32> to vector<1x16xf32>
      tpu.vector_store %arg9[%swap3A_32, %swap3A_33], %swap3A_36 {strides = array<i32>} : memref<328x128xf32, #tpu.memory_space<vmem>>, vector<1x16xf32>,
      %swap3A_37 = arith.index_cast %scan3A_17 : i32 to index
      %swap3A_38 = arith.constant 64 : index
      %swap3A_39 = tpu.vector_load %arg9[%swap3A_37, %swap3A_38] {strides = array<i32>} : memref<328x128xf32, #tpu.memory_space<vmem>>, vector<1x16xf32>,
      %swap3A_40 = vector.shape_cast %swap3A_39 : vector<1x16xf32> to vector<16xf32>
      %swap3A_41 = vector.shape_cast %broadcast_in_dim3A_3 : vector<16xf32> to vector<1x16xf32>
      tpu.vector_store %arg9[%swap3A_37, %swap3A_38], %swap3A_41 {strides = array<i32>} : memref<328x128xf32, #tpu.memory_space<vmem>>, vector<1x16xf32>,
      %swap3A_42 = arith.index_cast %scan3A_17 : i32 to index
      %swap3A_43 = arith.constant 80 : index
      %swap3A_44 = tpu.vector_load %arg9[%swap3A_42, %swap3A_43] {strides = array<i32>} : memref<328x128xf32, #tpu.memory_space<vmem>>, vector<1x16xf32>,
      %swap3A_45 = vector.shape_cast %swap3A_44 : vector<1x16xf32> to vector<16xf32>
      %swap3A_46 = vector.shape_cast %broadcast_in_dim3A_3 : vector<16xf32> to vector<1x16xf32>
      tpu.vector_store %arg9[%swap3A_42, %swap3A_43], %swap3A_46 {strides = array<i32>} : memref<328x128xf32, #tpu.memory_space<vmem>>, vector<1x16xf32>,
      %swap3A_47 = arith.index_cast %scan3A_17 : i32 to index
      %swap3A_48 = arith.constant 96 : index
      %swap3A_49 = tpu.vector_load %arg9[%swap3A_47, %swap3A_48] {strides = array<i32>} : memref<328x128xf32, #tpu.memory_space<vmem>>, vector<1x16xf32>,
      %swap3A_50 = vector.shape_cast %swap3A_49 : vector<1x16xf32> to vector<16xf32>
      %swap3A_51 = vector.shape_cast %broadcast_in_dim3A_3 : vector<16xf32> to vector<1x16xf32>
      tpu.vector_store %arg9[%swap3A_47, %swap3A_48], %swap3A_51 {strides = array<i32>} : memref<328x128xf32, #tpu.memory_space<vmem>>, vector<1x16xf32>,
      %swap3A_52 = arith.index_cast %scan3A_17 : i32 to index
      %swap3A_53 = arith.constant 112 : index
      %swap3A_54 = tpu.vector_load %arg9[%swap3A_52, %swap3A_53] {strides = array<i32>} : memref<328x128xf32, #tpu.memory_space<vmem>>, vector<1x16xf32>,
      %swap3A_55 = vector.shape_cast %swap3A_54 : vector<1x16xf32> to vector<16xf32>
      %swap3A_56 = vector.shape_cast %broadcast_in_dim3A_3 : vector<16xf32> to vector<1x16xf32>
      tpu.vector_store %arg9[%swap3A_52, %swap3A_53], %swap3A_56 {strides = array<i32>} : memref<328x128xf32, #tpu.memory_space<vmem>>, vector<1x16xf32>,
    }
    %scan3A_8 = arith.constant 328 : i32
    %scan3A_9 = arith.constant 0 : i32
    %scan3A_10 = arith.constant 0 : i32
    %scan3A_11 = arith.constant 80 : i32
    %scan3A_12 = arith.addi %scan3A_10, %scan3A_11 : i32
    %scan3A_13 = arith.constant 1 : i32
    scf.for %scan3A_17 = %scan3A_10 to %scan3A_12 step %scan3A_13  : i32 {
      %mul3A_18 = arith.constant 4096 : i32
      %mul3A_19 = arith.muli %scan3A_17, %mul3A_18 : i32
      "tpu.region"() ({
        %run_scoped3A = tpu.sem_alloc : memref<!tpu.dma_semaphore, #tpu.memory_space<semaphore_mem>>
        %dma_start3A = tpu.memref_slice %arg2[%mul3A_19] : memref<327680xi32, #tpu.memory_space<hbm>> -> memref<4096xi32, #tpu.memory_space<hbm>>
        %dma_start3A_38 = tpu.memref_slice %arg2[%mul3A_19] : memref<327680xi32, #tpu.memory_space<hbm>> -> memref<4096xi32, #tpu.memory_space<hbm>>
        tpu.enqueue_dma source(%dma_start3A_38 : memref<4096xi32, #tpu.memory_space<hbm>>) target(%arg6 : memref<4096xi32, #tpu.memory_space<vmem>>) target_semaphore(%run_scoped3A : memref<!tpu.dma_semaphore, #tpu.memory_space<semaphore_mem>>)
        %dma_wait3A = tpu.memref_slice %arg2[%mul3A_19] : memref<327680xi32, #tpu.memory_space<hbm>> -> memref<4096xi32, #tpu.memory_space<hbm>>
        %dma_wait3A_39 = tpu.memref_slice %arg2[%mul3A_19] : memref<327680xi32, #tpu.memory_space<hbm>> -> memref<4096xi32, #tpu.memory_space<hbm>>
        tpu.wait_dma2 semaphore(%run_scoped3A : memref<!tpu.dma_semaphore, #tpu.memory_space<semaphore_mem>>) src(%dma_wait3A_39 : memref<4096xi32, #tpu.memory_space<hbm>>) dst(%arg6 : memref<4096xi32, #tpu.memory_space<vmem>>)
        tpu.yield
      }) : () -> ()
      %mul3A_20 = arith.constant 4096 : i32
      %mul3A_21 = arith.muli %scan3A_17, %mul3A_20 : i32
      "tpu.region"() ({
        %run_scoped3A = tpu.sem_alloc : memref<!tpu.dma_semaphore, #tpu.memory_space<semaphore_mem>>
        %dma_start3A = tpu.memref_slice %arg3[%mul3A_21] : memref<327680xi32, #tpu.memory_space<hbm>> -> memref<4096xi32, #tpu.memory_space<hbm>>
        %dma_start3A_38 = tpu.memref_slice %arg3[%mul3A_21] : memref<327680xi32, #tpu.memory_space<hbm>> -> memref<4096xi32, #tpu.memory_space<hbm>>
        tpu.enqueue_dma source(%dma_start3A_38 : memref<4096xi32, #tpu.memory_space<hbm>>) target(%arg7 : memref<4096xi32, #tpu.memory_space<vmem>>) target_semaphore(%run_scoped3A : memref<!tpu.dma_semaphore, #tpu.memory_space<semaphore_mem>>)
        %dma_wait3A = tpu.memref_slice %arg3[%mul3A_21] : memref<327680xi32, #tpu.memory_space<hbm>> -> memref<4096xi32, #tpu.memory_space<hbm>>
        %dma_wait3A_39 = tpu.memref_slice %arg3[%mul3A_21] : memref<327680xi32, #tpu.memory_space<hbm>> -> memref<4096xi32, #tpu.memory_space<hbm>>
        tpu.wait_dma2 semaphore(%run_scoped3A : memref<!tpu.dma_semaphore, #tpu.memory_space<semaphore_mem>>) src(%dma_wait3A_39 : memref<4096xi32, #tpu.memory_space<hbm>>) dst(%arg7 : memref<4096xi32, #tpu.memory_space<vmem>>)
        tpu.yield
      }) : () -> ()
      %iota3A = tpu.iota {dimensions = array<i32: 0>} : vector<16xi32>
      %xor3A = arith.constant 1 : i32
      %xor3A_22 = vector.broadcast %xor3A : i32 to vector<16xi32>
      %xor3A_23 = arith.xori %iota3A, %xor3A_22 : vector<16xi32>
      %xor3A_24 = arith.constant 2 : i32
      %xor3A_25 = vector.broadcast %xor3A_24 : i32 to vector<16xi32>
      %xor3A_26 = arith.xori %iota3A, %xor3A_25 : vector<16xi32>
      %xor3A_27 = arith.constant 4 : i32
      %xor3A_28 = vector.broadcast %xor3A_27 : i32 to vector<16xi32>
      %xor3A_29 = arith.xori %iota3A, %xor3A_28 : vector<16xi32>
      %xor3A_30 = arith.constant 8 : i32
      %xor3A_31 = vector.broadcast %xor3A_30 : i32 to vector<16xi32>
      %xor3A_32 = arith.xori %iota3A, %xor3A_31 : vector<16xi32>
      %scan3A_33 = arith.constant 0 : i32
      %scan3A_34 = arith.constant 256 : i32
      %scan3A_35 = arith.addi %scan3A_33, %scan3A_34 : i32
      %scan3A_36 = arith.constant 1 : i32
      scf.for %scan3A_38 = %scan3A_33 to %scan3A_35 step %scan3A_36  : i32 {
        %mul3A_39 = arith.constant 16 : i32
        %mul3A_40 = arith.muli %scan3A_38, %mul3A_39 : i32
        %get3A = arith.index_cast %mul3A_40 : i32 to index
        %get3A_41 = tpu.vector_load %arg7[%get3A] {strides = array<i32>} : memref<4096xi32, #tpu.memory_space<vmem>>, vector<16xi32>,
        %get3A_42 = vector.shape_cast %get3A_41 : vector<16xi32> to vector<16xi32>
        %mul3A_43 = arith.constant 16 : i32
        %mul3A_44 = arith.muli %scan3A_38, %mul3A_43 : i32
        %get3A_45 = arith.index_cast %mul3A_44 : i32 to index
        %get3A_46 = tpu.vector_load %arg6[%get3A_45] {strides = array<i32>} : memref<4096xi32, #tpu.memory_space<vmem>>, vector<16xi32>,
        %get3A_47 = vector.shape_cast %get3A_46 : vector<16xi32> to vector<16xi32>
        %sub3A = vector.broadcast %mul3A_2 : i32 to vector<16xi32>
        %sub3A_48 = arith.subi %get3A_42, %sub3A : vector<16xi32>
        %ge3A = arith.constant 0 : i32
        %ge3A_49 = vector.broadcast %ge3A : i32 to vector<16xi32>
        %ge3A_50 = arith.cmpi sge, %sub3A_48, %ge3A_49 : vector<16xi32>
        %lt3A = arith.constant 320 : i32
        %lt3A_51 = vector.broadcast %lt3A : i32 to vector<16xi32>
        %lt3A_52 = arith.cmpi slt, %sub3A_48, %lt3A_51 : vector<16xi32>
        %and3A = arith.andi %ge3A_50, %lt3A_52 : vector<16xi1>
        %jit3A = arith.constant 320 : i32
        %broadcast_in_dim3A_53 = vector.broadcast %jit3A : i32 to vector<16xi32>
        %select_n3A = arith.select %and3A, %sub3A_48, %broadcast_in_dim3A_53 : vector<16xi1>, vector<16xi32>
        %lt3A_54 = arith.constant 0 : i32
        %lt3A_55 = vector.broadcast %lt3A_54 : i32 to vector<16xi32>
        %lt3A_56 = arith.cmpi slt, %xor3A_23, %lt3A_55 : vector<16xi32>
        %add3A_57 = arith.constant 16 : i32
        %add3A_58 = vector.broadcast %add3A_57 : i32 to vector<16xi32>
        %add3A_59 = arith.addi %xor3A_23, %add3A_58 : vector<16xi32>
        %select_n3A_60 = arith.select %lt3A_56, %add3A_59, %xor3A_23 : vector<16xi1>, vector<16xi32>
        %reshape3A = vector.shape_cast %select_n3A_60 : vector<16xi32> to vector<16x1xi32>
        %gather3A = vector.shape_cast %reshape3A : vector<16x1xi32> to vector<16xi32>
        %gather3A_61 = tpu.dynamic_gather %select_n3A[%gather3A] in [0] : vector<16xi32>, vector<16xi32> -> vector<16xi32>
        %min3A = arith.minsi %select_n3A, %gather3A_61 : vector<16xi32>
        %lt3A_62 = arith.constant 0 : i32
        %lt3A_63 = vector.broadcast %lt3A_62 : i32 to vector<16xi32>
        %lt3A_64 = arith.cmpi slt, %xor3A_26, %lt3A_63 : vector<16xi32>
        %add3A_65 = arith.constant 16 : i32
        %add3A_66 = vector.broadcast %add3A_65 : i32 to vector<16xi32>
        %add3A_67 = arith.addi %xor3A_26, %add3A_66 : vector<16xi32>
        %select_n3A_68 = arith.select %lt3A_64, %add3A_67, %xor3A_26 : vector<16xi1>, vector<16xi32>
        %reshape3A_69 = vector.shape_cast %select_n3A_68 : vector<16xi32> to vector<16x1xi32>
        %gather3A_70 = vector.shape_cast %reshape3A_69 : vector<16x1xi32> to vector<16xi32>
        %gather3A_71 = tpu.dynamic_gather %min3A[%gather3A_70] in [0] : vector<16xi32>, vector<16xi32> -> vector<16xi32>
        %min3A_72 = arith.minsi %min3A, %gather3A_71 : vector<16xi32>
        %lt3A_73 = arith.constant 0 : i32
        %lt3A_74 = vector.broadcast %lt3A_73 : i32 to vector<16xi32>
        %lt3A_75 = arith.cmpi slt, %xor3A_29, %lt3A_74 : vector<16xi32>
        %add3A_76 = arith.constant 16 : i32
        %add3A_77 = vector.broadcast %add3A_76 : i32 to vector<16xi32>
        %add3A_78 = arith.addi %xor3A_29, %add3A_77 : vector<16xi32>
        %select_n3A_79 = arith.select %lt3A_75, %add3A_78, %xor3A_29 : vector<16xi1>, vector<16xi32>
        %reshape3A_80 = vector.shape_cast %select_n3A_79 : vector<16xi32> to vector<16x1xi32>
        %gather3A_81 = vector.shape_cast %reshape3A_80 : vector<16x1xi32> to vector<16xi32>
        %gather3A_82 = tpu.dynamic_gather %min3A_72[%gather3A_81] in [0] : vector<16xi32>, vector<16xi32> -> vector<16xi32>
        %min3A_83 = arith.minsi %min3A_72, %gather3A_82 : vector<16xi32>
        %lt3A_84 = arith.constant 0 : i32
        %lt3A_85 = vector.broadcast %lt3A_84 : i32 to vector<16xi32>
        %lt3A_86 = arith.cmpi slt, %xor3A_32, %lt3A_85 : vector<16xi32>
        %add3A_87 = arith.constant 16 : i32
        %add3A_88 = vector.broadcast %add3A_87 : i32 to vector<16xi32>
        %add3A_89 = arith.addi %xor3A_32, %add3A_88 : vector<16xi32>
        %select_n3A_90 = arith.select %lt3A_86, %add3A_89, %xor3A_32 : vector<16xi1>, vector<16xi32>
        %reshape3A_91 = vector.shape_cast %select_n3A_90 : vector<16xi32> to vector<16x1xi32>
        %gather3A_92 = vector.shape_cast %reshape3A_91 : vector<16x1xi32> to vector<16xi32>
        %gather3A_93 = tpu.dynamic_gather %min3A_83[%gather3A_92] in [0] : vector<16xi32>, vector<16xi32> -> vector<16xi32>
        %min3A_94 = arith.minsi %min3A_83, %gather3A_93 : vector<16xi32>
        %slice3A = vector.extract_strided_slice %min3A_94 {offsets = [0], sizes = [1], strides = [1]} : vector<16xi32> to vector<1xi32>
        %squeeze3A = vector.extract %slice3A[0] : i32 from vector<1xi32>
        %lt3A_95 = arith.constant 320 : i32
        %lt3A_96 = arith.cmpi slt, %squeeze3A, %lt3A_95 : i32
        %convert_element_type3A = arith.extui %lt3A_96 : i1 to i32
        %cond3A = arith.constant 0 : i32
        %cond3A_97 = arith.cmpi ne, %convert_element_type3A, %cond3A : i32
        scf.if %cond3A_97 {
          %jit3A_98 = arith.constant 10000 : i32
          %broadcast_in_dim3A_99 = vector.broadcast %jit3A_98 : i32 to vector<16xi32>
          %select_n3A_100 = arith.select %and3A, %get3A_47, %broadcast_in_dim3A_99 : vector<16xi1>, vector<16xi32>
          %dma_start3A = arith.constant 0 : i32
          %dma_start3A_101 = arith.constant 0 : i32
          %dma_start3A_102 = tpu.memref_slice %arg4[%dma_start3A, %dma_start3A_101] : memref<10240x128xf32, #tpu.memory_space<hbm>> -> memref<10240x128xf32, #tpu.memory_space<hbm>>
          tpu.enqueue_indirect_dma source(%dma_start3A_102 : memref<10240x128xf32, #tpu.memory_space<hbm>>) target(%arg8 : memref<16x128xf32, #tpu.memory_space<vmem>>) offsets(%select_n3A_100 : vector<16xi32>) semaphore(%arg10 : memref<!tpu.dma_semaphore, #tpu.memory_space<semaphore_mem>>)
          %dma_wait3A = arith.constant 0 : i32
          %dma_wait3A_103 = arith.constant 0 : i32
          %dma_wait3A_104 = tpu.memref_slice %arg4[%dma_wait3A, %dma_wait3A_103] : memref<10240x128xf32, #tpu.memory_space<hbm>> -> memref<10240x128xf32, #tpu.memory_space<hbm>>
          tpu.wait_indirect_dma semaphore(%arg10 : memref<!tpu.dma_semaphore, #tpu.memory_space<semaphore_mem>>) src(%dma_wait3A_104 : memref<10240x128xf32, #tpu.memory_space<hbm>>) dst(%arg8 : memref<16x128xf32, #tpu.memory_space<vmem>>)
          %add3A_105 = arith.constant 1 : i32
          %add3A_106 = vector.broadcast %add3A_105 : i32 to vector<16xi32>
          %add3A_107 = arith.addi %iota3A, %add3A_106 : vector<16xi32>
          %and3A_108 = arith.constant 15 : i32
          %and3A_109 = vector.broadcast %and3A_108 : i32 to vector<16xi32>
          %and3A_110 = arith.andi %add3A_107, %and3A_109 : vector<16xi32>
          %scan3A_111 = arith.constant 0 : i32
          %scan3A_112 = arith.constant 16 : i32
          %scan3A_113 = arith.addi %scan3A_111, %scan3A_112 : i32
          %scan3A_114 = arith.constant 1 : i32
          %scan3A_115 = scf.for %scan3A_117 = %scan3A_111 to %scan3A_113 step %scan3A_114 iter_args(%scan3A_118 = %select_n3A) -> (vector<16xi32>)  : i32 {
            %slice3A_119 = vector.extract_strided_slice %scan3A_118 {offsets = [0], sizes = [1], strides = [1]} : vector<16xi32> to vector<1xi32>
            %squeeze3A_120 = vector.extract %slice3A_119[0] : i32 from vector<1xi32>
            %lt3A_121 = arith.constant 320 : i32
            %lt3A_122 = arith.cmpi slt, %squeeze3A_120, %lt3A_121 : i32
            %convert_element_type3A_123 = arith.extui %lt3A_122 : i1 to i32
            %cond3A_124 = arith.constant 0 : i32
            %cond3A_125 = arith.cmpi ne, %convert_element_type3A_123, %cond3A_124 : i32
            scf.if %cond3A_125 {
              %get3A_136 = arith.index_cast %scan3A_117 : i32 to index
              %get3A_137 = arith.constant 0 : index
              %get3A_138 = tpu.vector_load %arg8[%get3A_136, %get3A_137] {strides = array<i32>} : memref<16x128xf32, #tpu.memory_space<vmem>>, vector<1x16xf32>,
              %get3A_139 = vector.shape_cast %get3A_138 : vector<1x16xf32> to vector<16xf32>
              %swap3A = arith.index_cast %squeeze3A_120 : i32 to index
              %swap3A_140 = arith.constant 0 : index
              %swap3A_141 = tpu.vector_load %arg9[%swap3A, %swap3A_140] {strides = array<i32>} : memref<328x128xf32, #tpu.memory_space<vmem>>, vector<1x16xf32>,
              %swap3A_142 = vector.shape_cast %swap3A_141 : vector<1x16xf32> to vector<16xf32>
              %swap3A_143 = vector.shape_cast %get3A_139 : vector<16xf32> to vector<1x16xf32>
              tpu.vector_store %arg9[%swap3A, %swap3A_140], %swap3A_143 {add = true, strides = array<i32>} : memref<328x128xf32, #tpu.memory_space<vmem>>, vector<1x16xf32>,
              %get3A_144 = arith.index_cast %scan3A_117 : i32 to index
              %get3A_145 = arith.constant 16 : index
              %get3A_146 = tpu.vector_load %arg8[%get3A_144, %get3A_145] {strides = array<i32>} : memref<16x128xf32, #tpu.memory_space<vmem>>, vector<1x16xf32>,
              %get3A_147 = vector.shape_cast %get3A_146 : vector<1x16xf32> to vector<16xf32>
              %swap3A_148 = arith.index_cast %squeeze3A_120 : i32 to index
              %swap3A_149 = arith.constant 16 : index
              %swap3A_150 = tpu.vector_load %arg9[%swap3A_148, %swap3A_149] {strides = array<i32>} : memref<328x128xf32, #tpu.memory_space<vmem>>, vector<1x16xf32>,
              %swap3A_151 = vector.shape_cast %swap3A_150 : vector<1x16xf32> to vector<16xf32>
              %swap3A_152 = vector.shape_cast %get3A_147 : vector<16xf32> to vector<1x16xf32>
              tpu.vector_store %arg9[%swap3A_148, %swap3A_149], %swap3A_152 {add = true, strides = array<i32>} : memref<328x128xf32, #tpu.memory_space<vmem>>, vector<1x16xf32>,
              %get3A_153 = arith.index_cast %scan3A_117 : i32 to index
              %get3A_154 = arith.constant 32 : index
              %get3A_155 = tpu.vector_load %arg8[%get3A_153, %get3A_154] {strides = array<i32>} : memref<16x128xf32, #tpu.memory_space<vmem>>, vector<1x16xf32>,
              %get3A_156 = vector.shape_cast %get3A_155 : vector<1x16xf32> to vector<16xf32>
              %swap3A_157 = arith.index_cast %squeeze3A_120 : i32 to index
              %swap3A_158 = arith.constant 32 : index
              %swap3A_159 = tpu.vector_load %arg9[%swap3A_157, %swap3A_158] {strides = array<i32>} : memref<328x128xf32, #tpu.memory_space<vmem>>, vector<1x16xf32>,
              %swap3A_160 = vector.shape_cast %swap3A_159 : vector<1x16xf32> to vector<16xf32>
              %swap3A_161 = vector.shape_cast %get3A_156 : vector<16xf32> to vector<1x16xf32>
              tpu.vector_store %arg9[%swap3A_157, %swap3A_158], %swap3A_161 {add = true, strides = array<i32>} : memref<328x128xf32, #tpu.memory_space<vmem>>, vector<1x16xf32>,
              %get3A_162 = arith.index_cast %scan3A_117 : i32 to index
              %get3A_163 = arith.constant 48 : index
              %get3A_164 = tpu.vector_load %arg8[%get3A_162, %get3A_163] {strides = array<i32>} : memref<16x128xf32, #tpu.memory_space<vmem>>, vector<1x16xf32>,
              %get3A_165 = vector.shape_cast %get3A_164 : vector<1x16xf32> to vector<16xf32>
              %swap3A_166 = arith.index_cast %squeeze3A_120 : i32 to index
              %swap3A_167 = arith.constant 48 : index
              %swap3A_168 = tpu.vector_load %arg9[%swap3A_166, %swap3A_167] {strides = array<i32>} : memref<328x128xf32, #tpu.memory_space<vmem>>, vector<1x16xf32>,
              %swap3A_169 = vector.shape_cast %swap3A_168 : vector<1x16xf32> to vector<16xf32>
              %swap3A_170 = vector.shape_cast %get3A_165 : vector<16xf32> to vector<1x16xf32>
              tpu.vector_store %arg9[%swap3A_166, %swap3A_167], %swap3A_170 {add = true, strides = array<i32>} : memref<328x128xf32, #tpu.memory_space<vmem>>, vector<1x16xf32>,
              %get3A_171 = arith.index_cast %scan3A_117 : i32 to index
              %get3A_172 = arith.constant 64 : index
              %get3A_173 = tpu.vector_load %arg8[%get3A_171, %get3A_172] {strides = array<i32>} : memref<16x128xf32, #tpu.memory_space<vmem>>, vector<1x16xf32>,
              %get3A_174 = vector.shape_cast %get3A_173 : vector<1x16xf32> to vector<16xf32>
              %swap3A_175 = arith.index_cast %squeeze3A_120 : i32 to index
              %swap3A_176 = arith.constant 64 : index
              %swap3A_177 = tpu.vector_load %arg9[%swap3A_175, %swap3A_176] {strides = array<i32>} : memref<328x128xf32, #tpu.memory_space<vmem>>, vector<1x16xf32>,
              %swap3A_178 = vector.shape_cast %swap3A_177 : vector<1x16xf32> to vector<16xf32>
              %swap3A_179 = vector.shape_cast %get3A_174 : vector<16xf32> to vector<1x16xf32>
              tpu.vector_store %arg9[%swap3A_175, %swap3A_176], %swap3A_179 {add = true, strides = array<i32>} : memref<328x128xf32, #tpu.memory_space<vmem>>, vector<1x16xf32>,
              %get3A_180 = arith.index_cast %scan3A_117 : i32 to index
              %get3A_181 = arith.constant 80 : index
              %get3A_182 = tpu.vector_load %arg8[%get3A_180, %get3A_181] {strides = array<i32>} : memref<16x128xf32, #tpu.memory_space<vmem>>, vector<1x16xf32>,
              %get3A_183 = vector.shape_cast %get3A_182 : vector<1x16xf32> to vector<16xf32>
              %swap3A_184 = arith.index_cast %squeeze3A_120 : i32 to index
              %swap3A_185 = arith.constant 80 : index
              %swap3A_186 = tpu.vector_load %arg9[%swap3A_184, %swap3A_185] {strides = array<i32>} : memref<328x128xf32, #tpu.memory_space<vmem>>, vector<1x16xf32>,
              %swap3A_187 = vector.shape_cast %swap3A_186 : vector<1x16xf32> to vector<16xf32>
              %swap3A_188 = vector.shape_cast %get3A_183 : vector<16xf32> to vector<1x16xf32>
              tpu.vector_store %arg9[%swap3A_184, %swap3A_185], %swap3A_188 {add = true, strides = array<i32>} : memref<328x128xf32, #tpu.memory_space<vmem>>, vector<1x16xf32>,
              %get3A_189 = arith.index_cast %scan3A_117 : i32 to index
              %get3A_190 = arith.constant 96 : index
              %get3A_191 = tpu.vector_load %arg8[%get3A_189, %get3A_190] {strides = array<i32>} : memref<16x128xf32, #tpu.memory_space<vmem>>, vector<1x16xf32>,
              %get3A_192 = vector.shape_cast %get3A_191 : vector<1x16xf32> to vector<16xf32>
              %swap3A_193 = arith.index_cast %squeeze3A_120 : i32 to index
              %swap3A_194 = arith.constant 96 : index
              %swap3A_195 = tpu.vector_load %arg9[%swap3A_193, %swap3A_194] {strides = array<i32>} : memref<328x128xf32, #tpu.memory_space<vmem>>, vector<1x16xf32>,
              %swap3A_196 = vector.shape_cast %swap3A_195 : vector<1x16xf32> to vector<16xf32>
              %swap3A_197 = vector.shape_cast %get3A_192 : vector<16xf32> to vector<1x16xf32>
              tpu.vector_store %arg9[%swap3A_193, %swap3A_194], %swap3A_197 {add = true, strides = array<i32>} : memref<328x128xf32, #tpu.memory_space<vmem>>, vector<1x16xf32>,
              %get3A_198 = arith.index_cast %scan3A_117 : i32 to index
              %get3A_199 = arith.constant 112 : index
              %get3A_200 = tpu.vector_load %arg8[%get3A_198, %get3A_199] {strides = array<i32>} : memref<16x128xf32, #tpu.memory_space<vmem>>, vector<1x16xf32>,
              %get3A_201 = vector.shape_cast %get3A_200 : vector<1x16xf32> to vector<16xf32>
              %swap3A_202 = arith.index_cast %squeeze3A_120 : i32 to index
              %swap3A_203 = arith.constant 112 : index
              %swap3A_204 = tpu.vector_load %arg9[%swap3A_202, %swap3A_203] {strides = array<i32>} : memref<328x128xf32, #tpu.memory_space<vmem>>, vector<1x16xf32>,
              %swap3A_205 = vector.shape_cast %swap3A_204 : vector<1x16xf32> to vector<16xf32>
              %swap3A_206 = vector.shape_cast %get3A_201 : vector<16xf32> to vector<1x16xf32>
              tpu.vector_store %arg9[%swap3A_202, %swap3A_203], %swap3A_206 {add = true, strides = array<i32>} : memref<328x128xf32, #tpu.memory_space<vmem>>, vector<1x16xf32>,
            } else {
            }
            %lt3A_126 = arith.constant 0 : i32
            %lt3A_127 = vector.broadcast %lt3A_126 : i32 to vector<16xi32>
            %lt3A_128 = arith.cmpi slt, %and3A_110, %lt3A_127 : vector<16xi32>
            %add3A_129 = arith.constant 16 : i32
            %add3A_130 = vector.broadcast %add3A_129 : i32 to vector<16xi32>
            %add3A_131 = arith.addi %and3A_110, %add3A_130 : vector<16xi32>
            %select_n3A_132 = arith.select %lt3A_128, %add3A_131, %and3A_110 : vector<16xi1>, vector<16xi32>
            %reshape3A_133 = vector.shape_cast %select_n3A_132 : vector<16xi32> to vector<16x1xi32>
            %gather3A_134 = vector.shape_cast %reshape3A_133 : vector<16x1xi32> to vector<16xi32>
            %gather3A_135 = tpu.dynamic_gather %scan3A_118[%gather3A_134] in [0] : vector<16xi32>, vector<16xi32> -> vector<16xi32>
            scf.yield %gather3A_135 : vector<16xi32>
          }
          %scan3A_116 = arith.constant 16 : i32
        } else {
        }
      }
      %scan3A_37 = arith.constant 256 : i32
    }
    %scan3A_14 = arith.constant 80 : i32
    %mul3A_15 = arith.constant 320 : i32
    %mul3A_16 = arith.muli %add3A, %mul3A_15 : i32
    "tpu.region"() ({
      %run_scoped3A = tpu.sem_alloc : memref<!tpu.dma_semaphore, #tpu.memory_space<semaphore_mem>>
      %dma_start3A = arith.constant 0 : i32
      %dma_start3A_17 = arith.constant 0 : i32
      %dma_start3A_18 = tpu.memref_slice %arg9[%dma_start3A, %dma_start3A_17] : memref<328x128xf32, #tpu.memory_space<vmem>> -> memref<320x128xf32, #tpu.memory_space<vmem>>
      %dma_start3A_19 = arith.constant 0 : i32
      %dma_start3A_20 = tpu.memref_slice %arg5[%mul3A_16, %dma_start3A_19] : memref<10240x128xf32, #tpu.memory_space<hbm>> -> memref<320x128xf32, #tpu.memory_space<hbm>>
      %dma_start3A_21 = arith.constant 0 : i32
      %dma_start3A_22 = tpu.memref_slice %arg5[%mul3A_16, %dma_start3A_21] : memref<10240x128xf32, #tpu.memory_space<hbm>> -> memref<320x128xf32, #tpu.memory_space<hbm>>
      %dma_start3A_23 = arith.constant 0 : i32
      %dma_start3A_24 = arith.constant 0 : i32
      %dma_start3A_25 = tpu.memref_slice %arg9[%dma_start3A_23, %dma_start3A_24] : memref<328x128xf32, #tpu.memory_space<vmem>> -> memref<320x128xf32, #tpu.memory_space<vmem>>
      tpu.enqueue_dma source(%dma_start3A_25 : memref<320x128xf32, #tpu.memory_space<vmem>>) target(%dma_start3A_22 : memref<320x128xf32, #tpu.memory_space<hbm>>) target_semaphore(%run_scoped3A : memref<!tpu.dma_semaphore, #tpu.memory_space<semaphore_mem>>)
      %dma_wait3A = arith.constant 0 : i32
      %dma_wait3A_26 = arith.constant 0 : i32
      %dma_wait3A_27 = tpu.memref_slice %arg9[%dma_wait3A, %dma_wait3A_26] : memref<328x128xf32, #tpu.memory_space<vmem>> -> memref<320x128xf32, #tpu.memory_space<vmem>>
      %dma_wait3A_28 = arith.constant 0 : i32
      %dma_wait3A_29 = tpu.memref_slice %arg5[%mul3A_16, %dma_wait3A_28] : memref<10240x128xf32, #tpu.memory_space<hbm>> -> memref<320x128xf32, #tpu.memory_space<hbm>>
      %dma_wait3A_30 = arith.constant 0 : i32
      %dma_wait3A_31 = tpu.memref_slice %arg5[%mul3A_16, %dma_wait3A_30] : memref<10240x128xf32, #tpu.memory_space<hbm>> -> memref<320x128xf32, #tpu.memory_space<hbm>>
      %dma_wait3A_32 = arith.constant 0 : i32
      %dma_wait3A_33 = arith.constant 0 : i32
      %dma_wait3A_34 = tpu.memref_slice %arg9[%dma_wait3A_32, %dma_wait3A_33] : memref<328x128xf32, #tpu.memory_space<vmem>> -> memref<320x128xf32, #tpu.memory_space<vmem>>
      tpu.wait_dma2 semaphore(%run_scoped3A : memref<!tpu.dma_semaphore, #tpu.memory_space<semaphore_mem>>) src(%dma_wait3A_34 : memref<320x128xf32, #tpu.memory_space<vmem>>) dst(%dma_wait3A_31 : memref<320x128xf32, #tpu.memory_space<hbm>>)
      tpu.yield
    }) : () -> ()
    return
  }
}

#map = affine_map<(d0, d1) -> (0)>
#map1 = affine_map<(d0, d1) -> (0, 0)>
module attributes {stable_mosaic.version = 14 : i64} {
  func.func @_edge_body(%arg0: i32, %arg1: i32, %arg2: memref<327680xi32, #tpu.memory_space<hbm>>, %arg3: memref<327680xi32, #tpu.memory_space<hbm>>, %arg4: memref<10240x128xf32, #tpu.memory_space<hbm>>, %arg5: memref<10240x128xf32, #tpu.memory_space<hbm>>, %arg6: memref<4096xi32, #tpu.memory_space<vmem>>, %arg7: memref<4096xi32, #tpu.memory_space<vmem>>, %arg8: memref<16x128xf32, #tpu.memory_space<vmem>>, %arg9: memref<328x128xf32, #tpu.memory_space<vmem>>, %arg10: memref<!tpu.dma_semaphore, #tpu.memory_space<semaphore_mem>>) attributes {dimension_semantics = [#tpu.dimension_semantics<core_parallel>, #tpu.dimension_semantics<subcore_parallel>], iteration_bounds = array<i64: 2, 16>, scalar_prefetch = 0 : i64, scratch_operands = 5 : i64, tpu.core_type = #tpu.core_type<sc_vector_subcore>, window_params = [{transform_indices = #map}, {transform_indices = #map}, {transform_indices = #map1}, {transform_indices = #map1}]} {
    %mul3A = arith.constant 16 : i32
    %mul3A_0 = arith.muli %arg0, %mul3A : i32
    %add3A = arith.addi %mul3A_0, %arg1 : i32
    %mul3A_1 = arith.constant 320 : i32
    %mul3A_2 = arith.muli %add3A, %mul3A_1 : i32
    %broadcast_in_dim3A = arith.constant 0.000000e+00 : f32
    %broadcast_in_dim3A_3 = vector.broadcast %broadcast_in_dim3A : f32 to vector<16xf32>
    %scan3A = arith.constant 0 : i32
    %scan3A_4 = arith.constant 0 : i32
    %scan3A_5 = arith.constant 328 : i32
    %scan3A_6 = arith.addi %scan3A_4, %scan3A_5 : i32
    %scan3A_7 = arith.constant 1 : i32
    scf.for %scan3A_17 = %scan3A_4 to %scan3A_6 step %scan3A_7  : i32 {
      %swap3A = arith.index_cast %scan3A_17 : i32 to index
      %swap3A_18 = arith.constant 0 : index
      %swap3A_19 = tpu.vector_load %arg9[%swap3A, %swap3A_18] {strides = array<i32>} : memref<328x128xf32, #tpu.memory_space<vmem>>, vector<1x16xf32>,
      %swap3A_20 = vector.shape_cast %swap3A_19 : vector<1x16xf32> to vector<16xf32>
      %swap3A_21 = vector.shape_cast %broadcast_in_dim3A_3 : vector<16xf32> to vector<1x16xf32>
      tpu.vector_store %arg9[%swap3A, %swap3A_18], %swap3A_21 {strides = array<i32>} : memref<328x128xf32, #tpu.memory_space<vmem>>, vector<1x16xf32>,
      %swap3A_22 = arith.index_cast %scan3A_17 : i32 to index
      %swap3A_23 = arith.constant 16 : index
      %swap3A_24 = tpu.vector_load %arg9[%swap3A_22, %swap3A_23] {strides = array<i32>} : memref<328x128xf32, #tpu.memory_space<vmem>>, vector<1x16xf32>,
      %swap3A_25 = vector.shape_cast %swap3A_24 : vector<1x16xf32> to vector<16xf32>
      %swap3A_26 = vector.shape_cast %broadcast_in_dim3A_3 : vector<16xf32> to vector<1x16xf32>
      tpu.vector_store %arg9[%swap3A_22, %swap3A_23], %swap3A_26 {strides = array<i32>} : memref<328x128xf32, #tpu.memory_space<vmem>>, vector<1x16xf32>,
      %swap3A_27 = arith.index_cast %scan3A_17 : i32 to index
      %swap3A_28 = arith.constant 32 : index
      %swap3A_29 = tpu.vector_load %arg9[%swap3A_27, %swap3A_28] {strides = array<i32>} : memref<328x128xf32, #tpu.memory_space<vmem>>, vector<1x16xf32>,
      %swap3A_30 = vector.shape_cast %swap3A_29 : vector<1x16xf32> to vector<16xf32>
      %swap3A_31 = vector.shape_cast %broadcast_in_dim3A_3 : vector<16xf32> to vector<1x16xf32>
      tpu.vector_store %arg9[%swap3A_27, %swap3A_28], %swap3A_31 {strides = array<i32>} : memref<328x128xf32, #tpu.memory_space<vmem>>, vector<1x16xf32>,
      %swap3A_32 = arith.index_cast %scan3A_17 : i32 to index
      %swap3A_33 = arith.constant 48 : index
      %swap3A_34 = tpu.vector_load %arg9[%swap3A_32, %swap3A_33] {strides = array<i32>} : memref<328x128xf32, #tpu.memory_space<vmem>>, vector<1x16xf32>,
      %swap3A_35 = vector.shape_cast %swap3A_34 : vector<1x16xf32> to vector<16xf32>
      %swap3A_36 = vector.shape_cast %broadcast_in_dim3A_3 : vector<16xf32> to vector<1x16xf32>
      tpu.vector_store %arg9[%swap3A_32, %swap3A_33], %swap3A_36 {strides = array<i32>} : memref<328x128xf32, #tpu.memory_space<vmem>>, vector<1x16xf32>,
      %swap3A_37 = arith.index_cast %scan3A_17 : i32 to index
      %swap3A_38 = arith.constant 64 : index
      %swap3A_39 = tpu.vector_load %arg9[%swap3A_37, %swap3A_38] {strides = array<i32>} : memref<328x128xf32, #tpu.memory_space<vmem>>, vector<1x16xf32>,
      %swap3A_40 = vector.shape_cast %swap3A_39 : vector<1x16xf32> to vector<16xf32>
      %swap3A_41 = vector.shape_cast %broadcast_in_dim3A_3 : vector<16xf32> to vector<1x16xf32>
      tpu.vector_store %arg9[%swap3A_37, %swap3A_38], %swap3A_41 {strides = array<i32>} : memref<328x128xf32, #tpu.memory_space<vmem>>, vector<1x16xf32>,
      %swap3A_42 = arith.index_cast %scan3A_17 : i32 to index
      %swap3A_43 = arith.constant 80 : index
      %swap3A_44 = tpu.vector_load %arg9[%swap3A_42, %swap3A_43] {strides = array<i32>} : memref<328x128xf32, #tpu.memory_space<vmem>>, vector<1x16xf32>,
      %swap3A_45 = vector.shape_cast %swap3A_44 : vector<1x16xf32> to vector<16xf32>
      %swap3A_46 = vector.shape_cast %broadcast_in_dim3A_3 : vector<16xf32> to vector<1x16xf32>
      tpu.vector_store %arg9[%swap3A_42, %swap3A_43], %swap3A_46 {strides = array<i32>} : memref<328x128xf32, #tpu.memory_space<vmem>>, vector<1x16xf32>,
      %swap3A_47 = arith.index_cast %scan3A_17 : i32 to index
      %swap3A_48 = arith.constant 96 : index
      %swap3A_49 = tpu.vector_load %arg9[%swap3A_47, %swap3A_48] {strides = array<i32>} : memref<328x128xf32, #tpu.memory_space<vmem>>, vector<1x16xf32>,
      %swap3A_50 = vector.shape_cast %swap3A_49 : vector<1x16xf32> to vector<16xf32>
      %swap3A_51 = vector.shape_cast %broadcast_in_dim3A_3 : vector<16xf32> to vector<1x16xf32>
      tpu.vector_store %arg9[%swap3A_47, %swap3A_48], %swap3A_51 {strides = array<i32>} : memref<328x128xf32, #tpu.memory_space<vmem>>, vector<1x16xf32>,
      %swap3A_52 = arith.index_cast %scan3A_17 : i32 to index
      %swap3A_53 = arith.constant 112 : index
      %swap3A_54 = tpu.vector_load %arg9[%swap3A_52, %swap3A_53] {strides = array<i32>} : memref<328x128xf32, #tpu.memory_space<vmem>>, vector<1x16xf32>,
      %swap3A_55 = vector.shape_cast %swap3A_54 : vector<1x16xf32> to vector<16xf32>
      %swap3A_56 = vector.shape_cast %broadcast_in_dim3A_3 : vector<16xf32> to vector<1x16xf32>
      tpu.vector_store %arg9[%swap3A_52, %swap3A_53], %swap3A_56 {strides = array<i32>} : memref<328x128xf32, #tpu.memory_space<vmem>>, vector<1x16xf32>,
    }
    %scan3A_8 = arith.constant 328 : i32
    %scan3A_9 = arith.constant 0 : i32
    %scan3A_10 = arith.constant 0 : i32
    %scan3A_11 = arith.constant 80 : i32
    %scan3A_12 = arith.addi %scan3A_10, %scan3A_11 : i32
    %scan3A_13 = arith.constant 1 : i32
    scf.for %scan3A_17 = %scan3A_10 to %scan3A_12 step %scan3A_13  : i32 {
      %mul3A_18 = arith.constant 4096 : i32
      %mul3A_19 = arith.muli %scan3A_17, %mul3A_18 : i32
      "tpu.region"() ({
        %run_scoped3A = tpu.sem_alloc : memref<!tpu.dma_semaphore, #tpu.memory_space<semaphore_mem>>
        %dma_start3A = tpu.memref_slice %arg2[%mul3A_19] : memref<327680xi32, #tpu.memory_space<hbm>> -> memref<4096xi32, #tpu.memory_space<hbm>>
        %dma_start3A_38 = tpu.memref_slice %arg2[%mul3A_19] : memref<327680xi32, #tpu.memory_space<hbm>> -> memref<4096xi32, #tpu.memory_space<hbm>>
        tpu.enqueue_dma source(%dma_start3A_38 : memref<4096xi32, #tpu.memory_space<hbm>>) target(%arg6 : memref<4096xi32, #tpu.memory_space<vmem>>) target_semaphore(%run_scoped3A : memref<!tpu.dma_semaphore, #tpu.memory_space<semaphore_mem>>)
        %dma_wait3A = tpu.memref_slice %arg2[%mul3A_19] : memref<327680xi32, #tpu.memory_space<hbm>> -> memref<4096xi32, #tpu.memory_space<hbm>>
        %dma_wait3A_39 = tpu.memref_slice %arg2[%mul3A_19] : memref<327680xi32, #tpu.memory_space<hbm>> -> memref<4096xi32, #tpu.memory_space<hbm>>
        tpu.wait_dma2 semaphore(%run_scoped3A : memref<!tpu.dma_semaphore, #tpu.memory_space<semaphore_mem>>) src(%dma_wait3A_39 : memref<4096xi32, #tpu.memory_space<hbm>>) dst(%arg6 : memref<4096xi32, #tpu.memory_space<vmem>>)
        tpu.yield
      }) : () -> ()
      %mul3A_20 = arith.constant 4096 : i32
      %mul3A_21 = arith.muli %scan3A_17, %mul3A_20 : i32
      "tpu.region"() ({
        %run_scoped3A = tpu.sem_alloc : memref<!tpu.dma_semaphore, #tpu.memory_space<semaphore_mem>>
        %dma_start3A = tpu.memref_slice %arg3[%mul3A_21] : memref<327680xi32, #tpu.memory_space<hbm>> -> memref<4096xi32, #tpu.memory_space<hbm>>
        %dma_start3A_38 = tpu.memref_slice %arg3[%mul3A_21] : memref<327680xi32, #tpu.memory_space<hbm>> -> memref<4096xi32, #tpu.memory_space<hbm>>
        tpu.enqueue_dma source(%dma_start3A_38 : memref<4096xi32, #tpu.memory_space<hbm>>) target(%arg7 : memref<4096xi32, #tpu.memory_space<vmem>>) target_semaphore(%run_scoped3A : memref<!tpu.dma_semaphore, #tpu.memory_space<semaphore_mem>>)
        %dma_wait3A = tpu.memref_slice %arg3[%mul3A_21] : memref<327680xi32, #tpu.memory_space<hbm>> -> memref<4096xi32, #tpu.memory_space<hbm>>
        %dma_wait3A_39 = tpu.memref_slice %arg3[%mul3A_21] : memref<327680xi32, #tpu.memory_space<hbm>> -> memref<4096xi32, #tpu.memory_space<hbm>>
        tpu.wait_dma2 semaphore(%run_scoped3A : memref<!tpu.dma_semaphore, #tpu.memory_space<semaphore_mem>>) src(%dma_wait3A_39 : memref<4096xi32, #tpu.memory_space<hbm>>) dst(%arg7 : memref<4096xi32, #tpu.memory_space<vmem>>)
        tpu.yield
      }) : () -> ()
      %iota3A = tpu.iota {dimensions = array<i32: 0>} : vector<16xi32>
      %xor3A = arith.constant 1 : i32
      %xor3A_22 = vector.broadcast %xor3A : i32 to vector<16xi32>
      %xor3A_23 = arith.xori %iota3A, %xor3A_22 : vector<16xi32>
      %xor3A_24 = arith.constant 2 : i32
      %xor3A_25 = vector.broadcast %xor3A_24 : i32 to vector<16xi32>
      %xor3A_26 = arith.xori %iota3A, %xor3A_25 : vector<16xi32>
      %xor3A_27 = arith.constant 4 : i32
      %xor3A_28 = vector.broadcast %xor3A_27 : i32 to vector<16xi32>
      %xor3A_29 = arith.xori %iota3A, %xor3A_28 : vector<16xi32>
      %xor3A_30 = arith.constant 8 : i32
      %xor3A_31 = vector.broadcast %xor3A_30 : i32 to vector<16xi32>
      %xor3A_32 = arith.xori %iota3A, %xor3A_31 : vector<16xi32>
      %scan3A_33 = arith.constant 0 : i32
      %scan3A_34 = arith.constant 256 : i32
      %scan3A_35 = arith.addi %scan3A_33, %scan3A_34 : i32
      %scan3A_36 = arith.constant 1 : i32
      scf.for %scan3A_38 = %scan3A_33 to %scan3A_35 step %scan3A_36  : i32 {
        %mul3A_39 = arith.constant 16 : i32
        %mul3A_40 = arith.muli %scan3A_38, %mul3A_39 : i32
        %get3A = arith.index_cast %mul3A_40 : i32 to index
        %get3A_41 = tpu.vector_load %arg7[%get3A] {strides = array<i32>} : memref<4096xi32, #tpu.memory_space<vmem>>, vector<16xi32>,
        %get3A_42 = vector.shape_cast %get3A_41 : vector<16xi32> to vector<16xi32>
        %mul3A_43 = arith.constant 16 : i32
        %mul3A_44 = arith.muli %scan3A_38, %mul3A_43 : i32
        %get3A_45 = arith.index_cast %mul3A_44 : i32 to index
        %get3A_46 = tpu.vector_load %arg6[%get3A_45] {strides = array<i32>} : memref<4096xi32, #tpu.memory_space<vmem>>, vector<16xi32>,
        %get3A_47 = vector.shape_cast %get3A_46 : vector<16xi32> to vector<16xi32>
        %sub3A = vector.broadcast %mul3A_2 : i32 to vector<16xi32>
        %sub3A_48 = arith.subi %get3A_42, %sub3A : vector<16xi32>
        %ge3A = arith.constant 0 : i32
        %ge3A_49 = vector.broadcast %ge3A : i32 to vector<16xi32>
        %ge3A_50 = arith.cmpi sge, %sub3A_48, %ge3A_49 : vector<16xi32>
        %lt3A = arith.constant 320 : i32
        %lt3A_51 = vector.broadcast %lt3A : i32 to vector<16xi32>
        %lt3A_52 = arith.cmpi slt, %sub3A_48, %lt3A_51 : vector<16xi32>
        %and3A = arith.andi %ge3A_50, %lt3A_52 : vector<16xi1>
        %jit3A = arith.constant 320 : i32
        %broadcast_in_dim3A_53 = vector.broadcast %jit3A : i32 to vector<16xi32>
        %select_n3A = arith.select %and3A, %sub3A_48, %broadcast_in_dim3A_53 : vector<16xi1>, vector<16xi32>
        %lt3A_54 = arith.constant 0 : i32
        %lt3A_55 = vector.broadcast %lt3A_54 : i32 to vector<16xi32>
        %lt3A_56 = arith.cmpi slt, %xor3A_23, %lt3A_55 : vector<16xi32>
        %add3A_57 = arith.constant 16 : i32
        %add3A_58 = vector.broadcast %add3A_57 : i32 to vector<16xi32>
        %add3A_59 = arith.addi %xor3A_23, %add3A_58 : vector<16xi32>
        %select_n3A_60 = arith.select %lt3A_56, %add3A_59, %xor3A_23 : vector<16xi1>, vector<16xi32>
        %reshape3A = vector.shape_cast %select_n3A_60 : vector<16xi32> to vector<16x1xi32>
        %gather3A = vector.shape_cast %reshape3A : vector<16x1xi32> to vector<16xi32>
        %gather3A_61 = tpu.dynamic_gather %select_n3A[%gather3A] in [0] : vector<16xi32>, vector<16xi32> -> vector<16xi32>
        %min3A = arith.minsi %select_n3A, %gather3A_61 : vector<16xi32>
        %lt3A_62 = arith.constant 0 : i32
        %lt3A_63 = vector.broadcast %lt3A_62 : i32 to vector<16xi32>
        %lt3A_64 = arith.cmpi slt, %xor3A_26, %lt3A_63 : vector<16xi32>
        %add3A_65 = arith.constant 16 : i32
        %add3A_66 = vector.broadcast %add3A_65 : i32 to vector<16xi32>
        %add3A_67 = arith.addi %xor3A_26, %add3A_66 : vector<16xi32>
        %select_n3A_68 = arith.select %lt3A_64, %add3A_67, %xor3A_26 : vector<16xi1>, vector<16xi32>
        %reshape3A_69 = vector.shape_cast %select_n3A_68 : vector<16xi32> to vector<16x1xi32>
        %gather3A_70 = vector.shape_cast %reshape3A_69 : vector<16x1xi32> to vector<16xi32>
        %gather3A_71 = tpu.dynamic_gather %min3A[%gather3A_70] in [0] : vector<16xi32>, vector<16xi32> -> vector<16xi32>
        %min3A_72 = arith.minsi %min3A, %gather3A_71 : vector<16xi32>
        %lt3A_73 = arith.constant 0 : i32
        %lt3A_74 = vector.broadcast %lt3A_73 : i32 to vector<16xi32>
        %lt3A_75 = arith.cmpi slt, %xor3A_29, %lt3A_74 : vector<16xi32>
        %add3A_76 = arith.constant 16 : i32
        %add3A_77 = vector.broadcast %add3A_76 : i32 to vector<16xi32>
        %add3A_78 = arith.addi %xor3A_29, %add3A_77 : vector<16xi32>
        %select_n3A_79 = arith.select %lt3A_75, %add3A_78, %xor3A_29 : vector<16xi1>, vector<16xi32>
        %reshape3A_80 = vector.shape_cast %select_n3A_79 : vector<16xi32> to vector<16x1xi32>
        %gather3A_81 = vector.shape_cast %reshape3A_80 : vector<16x1xi32> to vector<16xi32>
        %gather3A_82 = tpu.dynamic_gather %min3A_72[%gather3A_81] in [0] : vector<16xi32>, vector<16xi32> -> vector<16xi32>
        %min3A_83 = arith.minsi %min3A_72, %gather3A_82 : vector<16xi32>
        %lt3A_84 = arith.constant 0 : i32
        %lt3A_85 = vector.broadcast %lt3A_84 : i32 to vector<16xi32>
        %lt3A_86 = arith.cmpi slt, %xor3A_32, %lt3A_85 : vector<16xi32>
        %add3A_87 = arith.constant 16 : i32
        %add3A_88 = vector.broadcast %add3A_87 : i32 to vector<16xi32>
        %add3A_89 = arith.addi %xor3A_32, %add3A_88 : vector<16xi32>
        %select_n3A_90 = arith.select %lt3A_86, %add3A_89, %xor3A_32 : vector<16xi1>, vector<16xi32>
        %reshape3A_91 = vector.shape_cast %select_n3A_90 : vector<16xi32> to vector<16x1xi32>
        %gather3A_92 = vector.shape_cast %reshape3A_91 : vector<16x1xi32> to vector<16xi32>
        %gather3A_93 = tpu.dynamic_gather %min3A_83[%gather3A_92] in [0] : vector<16xi32>, vector<16xi32> -> vector<16xi32>
        %min3A_94 = arith.minsi %min3A_83, %gather3A_93 : vector<16xi32>
        %slice3A = vector.extract_strided_slice %min3A_94 {offsets = [0], sizes = [1], strides = [1]} : vector<16xi32> to vector<1xi32>
        %squeeze3A = vector.extract %slice3A[0] : i32 from vector<1xi32>
        %lt3A_95 = arith.constant 320 : i32
        %lt3A_96 = arith.cmpi slt, %squeeze3A, %lt3A_95 : i32
        %convert_element_type3A = arith.extui %lt3A_96 : i1 to i32
        %cond3A = arith.constant 0 : i32
        %cond3A_97 = arith.cmpi ne, %convert_element_type3A, %cond3A : i32
        scf.if %cond3A_97 {
          %jit3A_98 = arith.constant 10000 : i32
          %broadcast_in_dim3A_99 = vector.broadcast %jit3A_98 : i32 to vector<16xi32>
          %select_n3A_100 = arith.select %and3A, %get3A_47, %broadcast_in_dim3A_99 : vector<16xi1>, vector<16xi32>
          %dma_start3A = arith.constant 0 : i32
          %dma_start3A_101 = arith.constant 0 : i32
          %dma_start3A_102 = tpu.memref_slice %arg4[%dma_start3A, %dma_start3A_101] : memref<10240x128xf32, #tpu.memory_space<hbm>> -> memref<10240x128xf32, #tpu.memory_space<hbm>>
          tpu.enqueue_indirect_dma source(%dma_start3A_102 : memref<10240x128xf32, #tpu.memory_space<hbm>>) target(%arg8 : memref<16x128xf32, #tpu.memory_space<vmem>>) offsets(%select_n3A_100 : vector<16xi32>) semaphore(%arg10 : memref<!tpu.dma_semaphore, #tpu.memory_space<semaphore_mem>>)
          %dma_wait3A = arith.constant 0 : i32
          %dma_wait3A_103 = arith.constant 0 : i32
          %dma_wait3A_104 = tpu.memref_slice %arg4[%dma_wait3A, %dma_wait3A_103] : memref<10240x128xf32, #tpu.memory_space<hbm>> -> memref<10240x128xf32, #tpu.memory_space<hbm>>
          tpu.wait_indirect_dma semaphore(%arg10 : memref<!tpu.dma_semaphore, #tpu.memory_space<semaphore_mem>>) src(%dma_wait3A_104 : memref<10240x128xf32, #tpu.memory_space<hbm>>) dst(%arg8 : memref<16x128xf32, #tpu.memory_space<vmem>>)
          %add3A_105 = arith.constant 1 : i32
          %add3A_106 = vector.broadcast %add3A_105 : i32 to vector<16xi32>
          %add3A_107 = arith.addi %iota3A, %add3A_106 : vector<16xi32>
          %and3A_108 = arith.constant 15 : i32
          %and3A_109 = vector.broadcast %and3A_108 : i32 to vector<16xi32>
          %and3A_110 = arith.andi %add3A_107, %and3A_109 : vector<16xi32>
          %scan3A_111 = arith.constant 0 : i32
          %scan3A_112 = arith.constant 16 : i32
          %scan3A_113 = arith.addi %scan3A_111, %scan3A_112 : i32
          %scan3A_114 = arith.constant 1 : i32
          %scan3A_115 = scf.for %scan3A_117 = %scan3A_111 to %scan3A_113 step %scan3A_114 iter_args(%scan3A_118 = %select_n3A) -> (vector<16xi32>)  : i32 {
            %slice3A_119 = vector.extract_strided_slice %scan3A_118 {offsets = [0], sizes = [1], strides = [1]} : vector<16xi32> to vector<1xi32>
            %squeeze3A_120 = vector.extract %slice3A_119[0] : i32 from vector<1xi32>
            %lt3A_121 = arith.constant 320 : i32
            %lt3A_122 = arith.cmpi slt, %squeeze3A_120, %lt3A_121 : i32
            %convert_element_type3A_123 = arith.extui %lt3A_122 : i1 to i32
            %cond3A_124 = arith.constant 0 : i32
            %cond3A_125 = arith.cmpi ne, %convert_element_type3A_123, %cond3A_124 : i32
            scf.if %cond3A_125 {
              %get3A_136 = arith.index_cast %scan3A_117 : i32 to index
              %get3A_137 = arith.constant 0 : index
              %get3A_138 = tpu.vector_load %arg8[%get3A_136, %get3A_137] {strides = array<i32>} : memref<16x128xf32, #tpu.memory_space<vmem>>, vector<1x16xf32>,
              %get3A_139 = vector.shape_cast %get3A_138 : vector<1x16xf32> to vector<16xf32>
              %swap3A = arith.index_cast %squeeze3A_120 : i32 to index
              %swap3A_140 = arith.constant 0 : index
              %swap3A_141 = tpu.vector_load %arg9[%swap3A, %swap3A_140] {strides = array<i32>} : memref<328x128xf32, #tpu.memory_space<vmem>>, vector<1x16xf32>,
              %swap3A_142 = vector.shape_cast %swap3A_141 : vector<1x16xf32> to vector<16xf32>
              %swap3A_143 = vector.shape_cast %get3A_139 : vector<16xf32> to vector<1x16xf32>
              tpu.vector_store %arg9[%swap3A, %swap3A_140], %swap3A_143 {add = true, strides = array<i32>} : memref<328x128xf32, #tpu.memory_space<vmem>>, vector<1x16xf32>,
              %get3A_144 = arith.index_cast %scan3A_117 : i32 to index
              %get3A_145 = arith.constant 16 : index
              %get3A_146 = tpu.vector_load %arg8[%get3A_144, %get3A_145] {strides = array<i32>} : memref<16x128xf32, #tpu.memory_space<vmem>>, vector<1x16xf32>,
              %get3A_147 = vector.shape_cast %get3A_146 : vector<1x16xf32> to vector<16xf32>
              %swap3A_148 = arith.index_cast %squeeze3A_120 : i32 to index
              %swap3A_149 = arith.constant 16 : index
              %swap3A_150 = tpu.vector_load %arg9[%swap3A_148, %swap3A_149] {strides = array<i32>} : memref<328x128xf32, #tpu.memory_space<vmem>>, vector<1x16xf32>,
              %swap3A_151 = vector.shape_cast %swap3A_150 : vector<1x16xf32> to vector<16xf32>
              %swap3A_152 = vector.shape_cast %get3A_147 : vector<16xf32> to vector<1x16xf32>
              tpu.vector_store %arg9[%swap3A_148, %swap3A_149], %swap3A_152 {add = true, strides = array<i32>} : memref<328x128xf32, #tpu.memory_space<vmem>>, vector<1x16xf32>,
              %get3A_153 = arith.index_cast %scan3A_117 : i32 to index
              %get3A_154 = arith.constant 32 : index
              %get3A_155 = tpu.vector_load %arg8[%get3A_153, %get3A_154] {strides = array<i32>} : memref<16x128xf32, #tpu.memory_space<vmem>>, vector<1x16xf32>,
              %get3A_156 = vector.shape_cast %get3A_155 : vector<1x16xf32> to vector<16xf32>
              %swap3A_157 = arith.index_cast %squeeze3A_120 : i32 to index
              %swap3A_158 = arith.constant 32 : index
              %swap3A_159 = tpu.vector_load %arg9[%swap3A_157, %swap3A_158] {strides = array<i32>} : memref<328x128xf32, #tpu.memory_space<vmem>>, vector<1x16xf32>,
              %swap3A_160 = vector.shape_cast %swap3A_159 : vector<1x16xf32> to vector<16xf32>
              %swap3A_161 = vector.shape_cast %get3A_156 : vector<16xf32> to vector<1x16xf32>
              tpu.vector_store %arg9[%swap3A_157, %swap3A_158], %swap3A_161 {add = true, strides = array<i32>} : memref<328x128xf32, #tpu.memory_space<vmem>>, vector<1x16xf32>,
              %get3A_162 = arith.index_cast %scan3A_117 : i32 to index
              %get3A_163 = arith.constant 48 : index
              %get3A_164 = tpu.vector_load %arg8[%get3A_162, %get3A_163] {strides = array<i32>} : memref<16x128xf32, #tpu.memory_space<vmem>>, vector<1x16xf32>,
              %get3A_165 = vector.shape_cast %get3A_164 : vector<1x16xf32> to vector<16xf32>
              %swap3A_166 = arith.index_cast %squeeze3A_120 : i32 to index
              %swap3A_167 = arith.constant 48 : index
              %swap3A_168 = tpu.vector_load %arg9[%swap3A_166, %swap3A_167] {strides = array<i32>} : memref<328x128xf32, #tpu.memory_space<vmem>>, vector<1x16xf32>,
              %swap3A_169 = vector.shape_cast %swap3A_168 : vector<1x16xf32> to vector<16xf32>
              %swap3A_170 = vector.shape_cast %get3A_165 : vector<16xf32> to vector<1x16xf32>
              tpu.vector_store %arg9[%swap3A_166, %swap3A_167], %swap3A_170 {add = true, strides = array<i32>} : memref<328x128xf32, #tpu.memory_space<vmem>>, vector<1x16xf32>,
              %get3A_171 = arith.index_cast %scan3A_117 : i32 to index
              %get3A_172 = arith.constant 64 : index
              %get3A_173 = tpu.vector_load %arg8[%get3A_171, %get3A_172] {strides = array<i32>} : memref<16x128xf32, #tpu.memory_space<vmem>>, vector<1x16xf32>,
              %get3A_174 = vector.shape_cast %get3A_173 : vector<1x16xf32> to vector<16xf32>
              %swap3A_175 = arith.index_cast %squeeze3A_120 : i32 to index
              %swap3A_176 = arith.constant 64 : index
              %swap3A_177 = tpu.vector_load %arg9[%swap3A_175, %swap3A_176] {strides = array<i32>} : memref<328x128xf32, #tpu.memory_space<vmem>>, vector<1x16xf32>,
              %swap3A_178 = vector.shape_cast %swap3A_177 : vector<1x16xf32> to vector<16xf32>
              %swap3A_179 = vector.shape_cast %get3A_174 : vector<16xf32> to vector<1x16xf32>
              tpu.vector_store %arg9[%swap3A_175, %swap3A_176], %swap3A_179 {add = true, strides = array<i32>} : memref<328x128xf32, #tpu.memory_space<vmem>>, vector<1x16xf32>,
              %get3A_180 = arith.index_cast %scan3A_117 : i32 to index
              %get3A_181 = arith.constant 80 : index
              %get3A_182 = tpu.vector_load %arg8[%get3A_180, %get3A_181] {strides = array<i32>} : memref<16x128xf32, #tpu.memory_space<vmem>>, vector<1x16xf32>,
              %get3A_183 = vector.shape_cast %get3A_182 : vector<1x16xf32> to vector<16xf32>
              %swap3A_184 = arith.index_cast %squeeze3A_120 : i32 to index
              %swap3A_185 = arith.constant 80 : index
              %swap3A_186 = tpu.vector_load %arg9[%swap3A_184, %swap3A_185] {strides = array<i32>} : memref<328x128xf32, #tpu.memory_space<vmem>>, vector<1x16xf32>,
              %swap3A_187 = vector.shape_cast %swap3A_186 : vector<1x16xf32> to vector<16xf32>
              %swap3A_188 = vector.shape_cast %get3A_183 : vector<16xf32> to vector<1x16xf32>
              tpu.vector_store %arg9[%swap3A_184, %swap3A_185], %swap3A_188 {add = true, strides = array<i32>} : memref<328x128xf32, #tpu.memory_space<vmem>>, vector<1x16xf32>,
              %get3A_189 = arith.index_cast %scan3A_117 : i32 to index
              %get3A_190 = arith.constant 96 : index
              %get3A_191 = tpu.vector_load %arg8[%get3A_189, %get3A_190] {strides = array<i32>} : memref<16x128xf32, #tpu.memory_space<vmem>>, vector<1x16xf32>,
              %get3A_192 = vector.shape_cast %get3A_191 : vector<1x16xf32> to vector<16xf32>
              %swap3A_193 = arith.index_cast %squeeze3A_120 : i32 to index
              %swap3A_194 = arith.constant 96 : index
              %swap3A_195 = tpu.vector_load %arg9[%swap3A_193, %swap3A_194] {strides = array<i32>} : memref<328x128xf32, #tpu.memory_space<vmem>>, vector<1x16xf32>,
              %swap3A_196 = vector.shape_cast %swap3A_195 : vector<1x16xf32> to vector<16xf32>
              %swap3A_197 = vector.shape_cast %get3A_192 : vector<16xf32> to vector<1x16xf32>
              tpu.vector_store %arg9[%swap3A_193, %swap3A_194], %swap3A_197 {add = true, strides = array<i32>} : memref<328x128xf32, #tpu.memory_space<vmem>>, vector<1x16xf32>,
              %get3A_198 = arith.index_cast %scan3A_117 : i32 to index
              %get3A_199 = arith.constant 112 : index
              %get3A_200 = tpu.vector_load %arg8[%get3A_198, %get3A_199] {strides = array<i32>} : memref<16x128xf32, #tpu.memory_space<vmem>>, vector<1x16xf32>,
              %get3A_201 = vector.shape_cast %get3A_200 : vector<1x16xf32> to vector<16xf32>
              %swap3A_202 = arith.index_cast %squeeze3A_120 : i32 to index
              %swap3A_203 = arith.constant 112 : index
              %swap3A_204 = tpu.vector_load %arg9[%swap3A_202, %swap3A_203] {strides = array<i32>} : memref<328x128xf32, #tpu.memory_space<vmem>>, vector<1x16xf32>,
              %swap3A_205 = vector.shape_cast %swap3A_204 : vector<1x16xf32> to vector<16xf32>
              %swap3A_206 = vector.shape_cast %get3A_201 : vector<16xf32> to vector<1x16xf32>
              tpu.vector_store %arg9[%swap3A_202, %swap3A_203], %swap3A_206 {add = true, strides = array<i32>} : memref<328x128xf32, #tpu.memory_space<vmem>>, vector<1x16xf32>,
            } else {
            }
            %lt3A_126 = arith.constant 0 : i32
            %lt3A_127 = vector.broadcast %lt3A_126 : i32 to vector<16xi32>
            %lt3A_128 = arith.cmpi slt, %and3A_110, %lt3A_127 : vector<16xi32>
            %add3A_129 = arith.constant 16 : i32
            %add3A_130 = vector.broadcast %add3A_129 : i32 to vector<16xi32>
            %add3A_131 = arith.addi %and3A_110, %add3A_130 : vector<16xi32>
            %select_n3A_132 = arith.select %lt3A_128, %add3A_131, %and3A_110 : vector<16xi1>, vector<16xi32>
            %reshape3A_133 = vector.shape_cast %select_n3A_132 : vector<16xi32> to vector<16x1xi32>
            %gather3A_134 = vector.shape_cast %reshape3A_133 : vector<16x1xi32> to vector<16xi32>
            %gather3A_135 = tpu.dynamic_gather %scan3A_118[%gather3A_134] in [0] : vector<16xi32>, vector<16xi32> -> vector<16xi32>
            scf.yield %gather3A_135 : vector<16xi32>
          }
          %scan3A_116 = arith.constant 16 : i32
        } else {
        }
      }
      %scan3A_37 = arith.constant 256 : i32
    }
    %scan3A_14 = arith.constant 80 : i32
    %mul3A_15 = arith.constant 320 : i32
    %mul3A_16 = arith.muli %add3A, %mul3A_15 : i32
    "tpu.region"() ({
      %run_scoped3A = tpu.sem_alloc : memref<!tpu.dma_semaphore, #tpu.memory_space<semaphore_mem>>
      %dma_start3A = arith.constant 0 : i32
      %dma_start3A_17 = arith.constant 0 : i32
      %dma_start3A_18 = tpu.memref_slice %arg9[%dma_start3A, %dma_start3A_17] : memref<328x128xf32, #tpu.memory_space<vmem>> -> memref<320x128xf32, #tpu.memory_space<vmem>>
      %dma_start3A_19 = arith.constant 0 : i32
      %dma_start3A_20 = tpu.memref_slice %arg5[%mul3A_16, %dma_start3A_19] : memref<10240x128xf32, #tpu.memory_space<hbm>> -> memref<320x128xf32, #tpu.memory_space<hbm>>
      %dma_start3A_21 = arith.constant 0 : i32
      %dma_start3A_22 = tpu.memref_slice %arg5[%mul3A_16, %dma_start3A_21] : memref<10240x128xf32, #tpu.memory_space<hbm>> -> memref<320x128xf32, #tpu.memory_space<hbm>>
      %dma_start3A_23 = arith.constant 0 : i32
      %dma_start3A_24 = arith.constant 0 : i32
      %dma_start3A_25 = tpu.memref_slice %arg9[%dma_start3A_23, %dma_start3A_24] : memref<328x128xf32, #tpu.memory_space<vmem>> -> memref<320x128xf32, #tpu.memory_space<vmem>>
      tpu.enqueue_dma source(%dma_start3A_25 : memref<320x128xf32, #tpu.memory_space<vmem>>) target(%dma_start3A_22 : memref<320x128xf32, #tpu.memory_space<hbm>>) target_semaphore(%run_scoped3A : memref<!tpu.dma_semaphore, #tpu.memory_space<semaphore_mem>>)
      %dma_wait3A = arith.constant 0 : i32
      %dma_wait3A_26 = arith.constant 0 : i32
      %dma_wait3A_27 = tpu.memref_slice %arg9[%dma_wait3A, %dma_wait3A_26] : memref<328x128xf32, #tpu.memory_space<vmem>> -> memref<320x128xf32, #tpu.memory_space<vmem>>
      %dma_wait3A_28 = arith.constant 0 : i32
      %dma_wait3A_29 = tpu.memref_slice %arg5[%mul3A_16, %dma_wait3A_28] : memref<10240x128xf32, #tpu.memory_space<hbm>> -> memref<320x128xf32, #tpu.memory_space<hbm>>
      %dma_wait3A_30 = arith.constant 0 : i32
      %dma_wait3A_31 = tpu.memref_slice %arg5[%mul3A_16, %dma_wait3A_30] : memref<10240x128xf32, #tpu.memory_space<hbm>> -> memref<320x128xf32, #tpu.memory_space<hbm>>
      %dma_wait3A_32 = arith.constant 0 : i32
      %dma_wait3A_33 = arith.constant 0 : i32
      %dma_wait3A_34 = tpu.memref_slice %arg9[%dma_wait3A_32, %dma_wait3A_33] : memref<328x128xf32, #tpu.memory_space<vmem>> -> memref<320x128xf32, #tpu.memory_space<vmem>>
      tpu.wait_dma2 semaphore(%run_scoped3A : memref<!tpu.dma_semaphore, #tpu.memory_space<semaphore_mem>>) src(%dma_wait3A_34 : memref<320x128xf32, #tpu.memory_space<vmem>>) dst(%dma_wait3A_31 : memref<320x128xf32, #tpu.memory_space<hbm>>)
      tpu.yield
    }) : () -> ()
    return
  }
}

#map = affine_map<(d0, d1) -> (0)>
#map1 = affine_map<(d0, d1) -> (0, 0)>
module attributes {stable_mosaic.version = 14 : i64} {
  func.func @_edge_body(%arg0: i32, %arg1: i32, %arg2: memref<327680xi32, #tpu.memory_space<hbm>>, %arg3: memref<327680xi32, #tpu.memory_space<hbm>>, %arg4: memref<10240x128xf32, #tpu.memory_space<hbm>>, %arg5: memref<10240x128xf32, #tpu.memory_space<hbm>>, %arg6: memref<4096xi32, #tpu.memory_space<vmem>>, %arg7: memref<4096xi32, #tpu.memory_space<vmem>>, %arg8: memref<16x128xf32, #tpu.memory_space<vmem>>, %arg9: memref<328x128xf32, #tpu.memory_space<vmem>>, %arg10: memref<!tpu.dma_semaphore, #tpu.memory_space<semaphore_mem>>) attributes {dimension_semantics = [#tpu.dimension_semantics<core_parallel>, #tpu.dimension_semantics<subcore_parallel>], iteration_bounds = array<i64: 2, 16>, scalar_prefetch = 0 : i64, scratch_operands = 5 : i64, tpu.core_type = #tpu.core_type<sc_vector_subcore>, window_params = [{transform_indices = #map}, {transform_indices = #map}, {transform_indices = #map1}, {transform_indices = #map1}]} {
    %mul3A = arith.constant 16 : i32
    %mul3A_0 = arith.muli %arg0, %mul3A : i32
    %add3A = arith.addi %mul3A_0, %arg1 : i32
    %mul3A_1 = arith.constant 320 : i32
    %mul3A_2 = arith.muli %add3A, %mul3A_1 : i32
    %broadcast_in_dim3A = arith.constant 0.000000e+00 : f32
    %broadcast_in_dim3A_3 = vector.broadcast %broadcast_in_dim3A : f32 to vector<16xf32>
    %scan3A = arith.constant 0 : i32
    %scan3A_4 = arith.constant 0 : i32
    %scan3A_5 = arith.constant 328 : i32
    %scan3A_6 = arith.addi %scan3A_4, %scan3A_5 : i32
    %scan3A_7 = arith.constant 1 : i32
    scf.for %scan3A_17 = %scan3A_4 to %scan3A_6 step %scan3A_7  : i32 {
      %swap3A = arith.index_cast %scan3A_17 : i32 to index
      %swap3A_18 = arith.constant 0 : index
      %swap3A_19 = tpu.vector_load %arg9[%swap3A, %swap3A_18] {strides = array<i32>} : memref<328x128xf32, #tpu.memory_space<vmem>>, vector<1x16xf32>,
      %swap3A_20 = vector.shape_cast %swap3A_19 : vector<1x16xf32> to vector<16xf32>
      %swap3A_21 = vector.shape_cast %broadcast_in_dim3A_3 : vector<16xf32> to vector<1x16xf32>
      tpu.vector_store %arg9[%swap3A, %swap3A_18], %swap3A_21 {strides = array<i32>} : memref<328x128xf32, #tpu.memory_space<vmem>>, vector<1x16xf32>,
      %swap3A_22 = arith.index_cast %scan3A_17 : i32 to index
      %swap3A_23 = arith.constant 16 : index
      %swap3A_24 = tpu.vector_load %arg9[%swap3A_22, %swap3A_23] {strides = array<i32>} : memref<328x128xf32, #tpu.memory_space<vmem>>, vector<1x16xf32>,
      %swap3A_25 = vector.shape_cast %swap3A_24 : vector<1x16xf32> to vector<16xf32>
      %swap3A_26 = vector.shape_cast %broadcast_in_dim3A_3 : vector<16xf32> to vector<1x16xf32>
      tpu.vector_store %arg9[%swap3A_22, %swap3A_23], %swap3A_26 {strides = array<i32>} : memref<328x128xf32, #tpu.memory_space<vmem>>, vector<1x16xf32>,
      %swap3A_27 = arith.index_cast %scan3A_17 : i32 to index
      %swap3A_28 = arith.constant 32 : index
      %swap3A_29 = tpu.vector_load %arg9[%swap3A_27, %swap3A_28] {strides = array<i32>} : memref<328x128xf32, #tpu.memory_space<vmem>>, vector<1x16xf32>,
      %swap3A_30 = vector.shape_cast %swap3A_29 : vector<1x16xf32> to vector<16xf32>
      %swap3A_31 = vector.shape_cast %broadcast_in_dim3A_3 : vector<16xf32> to vector<1x16xf32>
      tpu.vector_store %arg9[%swap3A_27, %swap3A_28], %swap3A_31 {strides = array<i32>} : memref<328x128xf32, #tpu.memory_space<vmem>>, vector<1x16xf32>,
      %swap3A_32 = arith.index_cast %scan3A_17 : i32 to index
      %swap3A_33 = arith.constant 48 : index
      %swap3A_34 = tpu.vector_load %arg9[%swap3A_32, %swap3A_33] {strides = array<i32>} : memref<328x128xf32, #tpu.memory_space<vmem>>, vector<1x16xf32>,
      %swap3A_35 = vector.shape_cast %swap3A_34 : vector<1x16xf32> to vector<16xf32>
      %swap3A_36 = vector.shape_cast %broadcast_in_dim3A_3 : vector<16xf32> to vector<1x16xf32>
      tpu.vector_store %arg9[%swap3A_32, %swap3A_33], %swap3A_36 {strides = array<i32>} : memref<328x128xf32, #tpu.memory_space<vmem>>, vector<1x16xf32>,
      %swap3A_37 = arith.index_cast %scan3A_17 : i32 to index
      %swap3A_38 = arith.constant 64 : index
      %swap3A_39 = tpu.vector_load %arg9[%swap3A_37, %swap3A_38] {strides = array<i32>} : memref<328x128xf32, #tpu.memory_space<vmem>>, vector<1x16xf32>,
      %swap3A_40 = vector.shape_cast %swap3A_39 : vector<1x16xf32> to vector<16xf32>
      %swap3A_41 = vector.shape_cast %broadcast_in_dim3A_3 : vector<16xf32> to vector<1x16xf32>
      tpu.vector_store %arg9[%swap3A_37, %swap3A_38], %swap3A_41 {strides = array<i32>} : memref<328x128xf32, #tpu.memory_space<vmem>>, vector<1x16xf32>,
      %swap3A_42 = arith.index_cast %scan3A_17 : i32 to index
      %swap3A_43 = arith.constant 80 : index
      %swap3A_44 = tpu.vector_load %arg9[%swap3A_42, %swap3A_43] {strides = array<i32>} : memref<328x128xf32, #tpu.memory_space<vmem>>, vector<1x16xf32>,
      %swap3A_45 = vector.shape_cast %swap3A_44 : vector<1x16xf32> to vector<16xf32>
      %swap3A_46 = vector.shape_cast %broadcast_in_dim3A_3 : vector<16xf32> to vector<1x16xf32>
      tpu.vector_store %arg9[%swap3A_42, %swap3A_43], %swap3A_46 {strides = array<i32>} : memref<328x128xf32, #tpu.memory_space<vmem>>, vector<1x16xf32>,
      %swap3A_47 = arith.index_cast %scan3A_17 : i32 to index
      %swap3A_48 = arith.constant 96 : index
      %swap3A_49 = tpu.vector_load %arg9[%swap3A_47, %swap3A_48] {strides = array<i32>} : memref<328x128xf32, #tpu.memory_space<vmem>>, vector<1x16xf32>,
      %swap3A_50 = vector.shape_cast %swap3A_49 : vector<1x16xf32> to vector<16xf32>
      %swap3A_51 = vector.shape_cast %broadcast_in_dim3A_3 : vector<16xf32> to vector<1x16xf32>
      tpu.vector_store %arg9[%swap3A_47, %swap3A_48], %swap3A_51 {strides = array<i32>} : memref<328x128xf32, #tpu.memory_space<vmem>>, vector<1x16xf32>,
      %swap3A_52 = arith.index_cast %scan3A_17 : i32 to index
      %swap3A_53 = arith.constant 112 : index
      %swap3A_54 = tpu.vector_load %arg9[%swap3A_52, %swap3A_53] {strides = array<i32>} : memref<328x128xf32, #tpu.memory_space<vmem>>, vector<1x16xf32>,
      %swap3A_55 = vector.shape_cast %swap3A_54 : vector<1x16xf32> to vector<16xf32>
      %swap3A_56 = vector.shape_cast %broadcast_in_dim3A_3 : vector<16xf32> to vector<1x16xf32>
      tpu.vector_store %arg9[%swap3A_52, %swap3A_53], %swap3A_56 {strides = array<i32>} : memref<328x128xf32, #tpu.memory_space<vmem>>, vector<1x16xf32>,
    }
    %scan3A_8 = arith.constant 328 : i32
    %scan3A_9 = arith.constant 0 : i32
    %scan3A_10 = arith.constant 0 : i32
    %scan3A_11 = arith.constant 80 : i32
    %scan3A_12 = arith.addi %scan3A_10, %scan3A_11 : i32
    %scan3A_13 = arith.constant 1 : i32
    scf.for %scan3A_17 = %scan3A_10 to %scan3A_12 step %scan3A_13  : i32 {
      %mul3A_18 = arith.constant 4096 : i32
      %mul3A_19 = arith.muli %scan3A_17, %mul3A_18 : i32
      "tpu.region"() ({
        %run_scoped3A = tpu.sem_alloc : memref<!tpu.dma_semaphore, #tpu.memory_space<semaphore_mem>>
        %dma_start3A = tpu.memref_slice %arg2[%mul3A_19] : memref<327680xi32, #tpu.memory_space<hbm>> -> memref<4096xi32, #tpu.memory_space<hbm>>
        %dma_start3A_38 = tpu.memref_slice %arg2[%mul3A_19] : memref<327680xi32, #tpu.memory_space<hbm>> -> memref<4096xi32, #tpu.memory_space<hbm>>
        tpu.enqueue_dma source(%dma_start3A_38 : memref<4096xi32, #tpu.memory_space<hbm>>) target(%arg6 : memref<4096xi32, #tpu.memory_space<vmem>>) target_semaphore(%run_scoped3A : memref<!tpu.dma_semaphore, #tpu.memory_space<semaphore_mem>>)
        %dma_wait3A = tpu.memref_slice %arg2[%mul3A_19] : memref<327680xi32, #tpu.memory_space<hbm>> -> memref<4096xi32, #tpu.memory_space<hbm>>
        %dma_wait3A_39 = tpu.memref_slice %arg2[%mul3A_19] : memref<327680xi32, #tpu.memory_space<hbm>> -> memref<4096xi32, #tpu.memory_space<hbm>>
        tpu.wait_dma2 semaphore(%run_scoped3A : memref<!tpu.dma_semaphore, #tpu.memory_space<semaphore_mem>>) src(%dma_wait3A_39 : memref<4096xi32, #tpu.memory_space<hbm>>) dst(%arg6 : memref<4096xi32, #tpu.memory_space<vmem>>)
        tpu.yield
      }) : () -> ()
      %mul3A_20 = arith.constant 4096 : i32
      %mul3A_21 = arith.muli %scan3A_17, %mul3A_20 : i32
      "tpu.region"() ({
        %run_scoped3A = tpu.sem_alloc : memref<!tpu.dma_semaphore, #tpu.memory_space<semaphore_mem>>
        %dma_start3A = tpu.memref_slice %arg3[%mul3A_21] : memref<327680xi32, #tpu.memory_space<hbm>> -> memref<4096xi32, #tpu.memory_space<hbm>>
        %dma_start3A_38 = tpu.memref_slice %arg3[%mul3A_21] : memref<327680xi32, #tpu.memory_space<hbm>> -> memref<4096xi32, #tpu.memory_space<hbm>>
        tpu.enqueue_dma source(%dma_start3A_38 : memref<4096xi32, #tpu.memory_space<hbm>>) target(%arg7 : memref<4096xi32, #tpu.memory_space<vmem>>) target_semaphore(%run_scoped3A : memref<!tpu.dma_semaphore, #tpu.memory_space<semaphore_mem>>)
        %dma_wait3A = tpu.memref_slice %arg3[%mul3A_21] : memref<327680xi32, #tpu.memory_space<hbm>> -> memref<4096xi32, #tpu.memory_space<hbm>>
        %dma_wait3A_39 = tpu.memref_slice %arg3[%mul3A_21] : memref<327680xi32, #tpu.memory_space<hbm>> -> memref<4096xi32, #tpu.memory_space<hbm>>
        tpu.wait_dma2 semaphore(%run_scoped3A : memref<!tpu.dma_semaphore, #tpu.memory_space<semaphore_mem>>) src(%dma_wait3A_39 : memref<4096xi32, #tpu.memory_space<hbm>>) dst(%arg7 : memref<4096xi32, #tpu.memory_space<vmem>>)
        tpu.yield
      }) : () -> ()
      %iota3A = tpu.iota {dimensions = array<i32: 0>} : vector<16xi32>
      %xor3A = arith.constant 1 : i32
      %xor3A_22 = vector.broadcast %xor3A : i32 to vector<16xi32>
      %xor3A_23 = arith.xori %iota3A, %xor3A_22 : vector<16xi32>
      %xor3A_24 = arith.constant 2 : i32
      %xor3A_25 = vector.broadcast %xor3A_24 : i32 to vector<16xi32>
      %xor3A_26 = arith.xori %iota3A, %xor3A_25 : vector<16xi32>
      %xor3A_27 = arith.constant 4 : i32
      %xor3A_28 = vector.broadcast %xor3A_27 : i32 to vector<16xi32>
      %xor3A_29 = arith.xori %iota3A, %xor3A_28 : vector<16xi32>
      %xor3A_30 = arith.constant 8 : i32
      %xor3A_31 = vector.broadcast %xor3A_30 : i32 to vector<16xi32>
      %xor3A_32 = arith.xori %iota3A, %xor3A_31 : vector<16xi32>
      %scan3A_33 = arith.constant 0 : i32
      %scan3A_34 = arith.constant 256 : i32
      %scan3A_35 = arith.addi %scan3A_33, %scan3A_34 : i32
      %scan3A_36 = arith.constant 1 : i32
      scf.for %scan3A_38 = %scan3A_33 to %scan3A_35 step %scan3A_36  : i32 {
        %mul3A_39 = arith.constant 16 : i32
        %mul3A_40 = arith.muli %scan3A_38, %mul3A_39 : i32
        %get3A = arith.index_cast %mul3A_40 : i32 to index
        %get3A_41 = tpu.vector_load %arg7[%get3A] {strides = array<i32>} : memref<4096xi32, #tpu.memory_space<vmem>>, vector<16xi32>,
        %get3A_42 = vector.shape_cast %get3A_41 : vector<16xi32> to vector<16xi32>
        %mul3A_43 = arith.constant 16 : i32
        %mul3A_44 = arith.muli %scan3A_38, %mul3A_43 : i32
        %get3A_45 = arith.index_cast %mul3A_44 : i32 to index
        %get3A_46 = tpu.vector_load %arg6[%get3A_45] {strides = array<i32>} : memref<4096xi32, #tpu.memory_space<vmem>>, vector<16xi32>,
        %get3A_47 = vector.shape_cast %get3A_46 : vector<16xi32> to vector<16xi32>
        %sub3A = vector.broadcast %mul3A_2 : i32 to vector<16xi32>
        %sub3A_48 = arith.subi %get3A_42, %sub3A : vector<16xi32>
        %ge3A = arith.constant 0 : i32
        %ge3A_49 = vector.broadcast %ge3A : i32 to vector<16xi32>
        %ge3A_50 = arith.cmpi sge, %sub3A_48, %ge3A_49 : vector<16xi32>
        %lt3A = arith.constant 320 : i32
        %lt3A_51 = vector.broadcast %lt3A : i32 to vector<16xi32>
        %lt3A_52 = arith.cmpi slt, %sub3A_48, %lt3A_51 : vector<16xi32>
        %and3A = arith.andi %ge3A_50, %lt3A_52 : vector<16xi1>
        %jit3A = arith.constant 320 : i32
        %broadcast_in_dim3A_53 = vector.broadcast %jit3A : i32 to vector<16xi32>
        %select_n3A = arith.select %and3A, %sub3A_48, %broadcast_in_dim3A_53 : vector<16xi1>, vector<16xi32>
        %lt3A_54 = arith.constant 0 : i32
        %lt3A_55 = vector.broadcast %lt3A_54 : i32 to vector<16xi32>
        %lt3A_56 = arith.cmpi slt, %xor3A_23, %lt3A_55 : vector<16xi32>
        %add3A_57 = arith.constant 16 : i32
        %add3A_58 = vector.broadcast %add3A_57 : i32 to vector<16xi32>
        %add3A_59 = arith.addi %xor3A_23, %add3A_58 : vector<16xi32>
        %select_n3A_60 = arith.select %lt3A_56, %add3A_59, %xor3A_23 : vector<16xi1>, vector<16xi32>
        %reshape3A = vector.shape_cast %select_n3A_60 : vector<16xi32> to vector<16x1xi32>
        %gather3A = vector.shape_cast %reshape3A : vector<16x1xi32> to vector<16xi32>
        %gather3A_61 = tpu.dynamic_gather %select_n3A[%gather3A] in [0] : vector<16xi32>, vector<16xi32> -> vector<16xi32>
        %min3A = arith.minsi %select_n3A, %gather3A_61 : vector<16xi32>
        %lt3A_62 = arith.constant 0 : i32
        %lt3A_63 = vector.broadcast %lt3A_62 : i32 to vector<16xi32>
        %lt3A_64 = arith.cmpi slt, %xor3A_26, %lt3A_63 : vector<16xi32>
        %add3A_65 = arith.constant 16 : i32
        %add3A_66 = vector.broadcast %add3A_65 : i32 to vector<16xi32>
        %add3A_67 = arith.addi %xor3A_26, %add3A_66 : vector<16xi32>
        %select_n3A_68 = arith.select %lt3A_64, %add3A_67, %xor3A_26 : vector<16xi1>, vector<16xi32>
        %reshape3A_69 = vector.shape_cast %select_n3A_68 : vector<16xi32> to vector<16x1xi32>
        %gather3A_70 = vector.shape_cast %reshape3A_69 : vector<16x1xi32> to vector<16xi32>
        %gather3A_71 = tpu.dynamic_gather %min3A[%gather3A_70] in [0] : vector<16xi32>, vector<16xi32> -> vector<16xi32>
        %min3A_72 = arith.minsi %min3A, %gather3A_71 : vector<16xi32>
        %lt3A_73 = arith.constant 0 : i32
        %lt3A_74 = vector.broadcast %lt3A_73 : i32 to vector<16xi32>
        %lt3A_75 = arith.cmpi slt, %xor3A_29, %lt3A_74 : vector<16xi32>
        %add3A_76 = arith.constant 16 : i32
        %add3A_77 = vector.broadcast %add3A_76 : i32 to vector<16xi32>
        %add3A_78 = arith.addi %xor3A_29, %add3A_77 : vector<16xi32>
        %select_n3A_79 = arith.select %lt3A_75, %add3A_78, %xor3A_29 : vector<16xi1>, vector<16xi32>
        %reshape3A_80 = vector.shape_cast %select_n3A_79 : vector<16xi32> to vector<16x1xi32>
        %gather3A_81 = vector.shape_cast %reshape3A_80 : vector<16x1xi32> to vector<16xi32>
        %gather3A_82 = tpu.dynamic_gather %min3A_72[%gather3A_81] in [0] : vector<16xi32>, vector<16xi32> -> vector<16xi32>
        %min3A_83 = arith.minsi %min3A_72, %gather3A_82 : vector<16xi32>
        %lt3A_84 = arith.constant 0 : i32
        %lt3A_85 = vector.broadcast %lt3A_84 : i32 to vector<16xi32>
        %lt3A_86 = arith.cmpi slt, %xor3A_32, %lt3A_85 : vector<16xi32>
        %add3A_87 = arith.constant 16 : i32
        %add3A_88 = vector.broadcast %add3A_87 : i32 to vector<16xi32>
        %add3A_89 = arith.addi %xor3A_32, %add3A_88 : vector<16xi32>
        %select_n3A_90 = arith.select %lt3A_86, %add3A_89, %xor3A_32 : vector<16xi1>, vector<16xi32>
        %reshape3A_91 = vector.shape_cast %select_n3A_90 : vector<16xi32> to vector<16x1xi32>
        %gather3A_92 = vector.shape_cast %reshape3A_91 : vector<16x1xi32> to vector<16xi32>
        %gather3A_93 = tpu.dynamic_gather %min3A_83[%gather3A_92] in [0] : vector<16xi32>, vector<16xi32> -> vector<16xi32>
        %min3A_94 = arith.minsi %min3A_83, %gather3A_93 : vector<16xi32>
        %slice3A = vector.extract_strided_slice %min3A_94 {offsets = [0], sizes = [1], strides = [1]} : vector<16xi32> to vector<1xi32>
        %squeeze3A = vector.extract %slice3A[0] : i32 from vector<1xi32>
        %lt3A_95 = arith.constant 320 : i32
        %lt3A_96 = arith.cmpi slt, %squeeze3A, %lt3A_95 : i32
        %convert_element_type3A = arith.extui %lt3A_96 : i1 to i32
        %cond3A = arith.constant 0 : i32
        %cond3A_97 = arith.cmpi ne, %convert_element_type3A, %cond3A : i32
        scf.if %cond3A_97 {
          %jit3A_98 = arith.constant 10000 : i32
          %broadcast_in_dim3A_99 = vector.broadcast %jit3A_98 : i32 to vector<16xi32>
          %select_n3A_100 = arith.select %and3A, %get3A_47, %broadcast_in_dim3A_99 : vector<16xi1>, vector<16xi32>
          %dma_start3A = arith.constant 0 : i32
          %dma_start3A_101 = arith.constant 0 : i32
          %dma_start3A_102 = tpu.memref_slice %arg4[%dma_start3A, %dma_start3A_101] : memref<10240x128xf32, #tpu.memory_space<hbm>> -> memref<10240x128xf32, #tpu.memory_space<hbm>>
          tpu.enqueue_indirect_dma source(%dma_start3A_102 : memref<10240x128xf32, #tpu.memory_space<hbm>>) target(%arg8 : memref<16x128xf32, #tpu.memory_space<vmem>>) offsets(%select_n3A_100 : vector<16xi32>) semaphore(%arg10 : memref<!tpu.dma_semaphore, #tpu.memory_space<semaphore_mem>>)
          %dma_wait3A = arith.constant 0 : i32
          %dma_wait3A_103 = arith.constant 0 : i32
          %dma_wait3A_104 = tpu.memref_slice %arg4[%dma_wait3A, %dma_wait3A_103] : memref<10240x128xf32, #tpu.memory_space<hbm>> -> memref<10240x128xf32, #tpu.memory_space<hbm>>
          tpu.wait_indirect_dma semaphore(%arg10 : memref<!tpu.dma_semaphore, #tpu.memory_space<semaphore_mem>>) src(%dma_wait3A_104 : memref<10240x128xf32, #tpu.memory_space<hbm>>) dst(%arg8 : memref<16x128xf32, #tpu.memory_space<vmem>>)
          %add3A_105 = arith.constant 1 : i32
          %add3A_106 = vector.broadcast %add3A_105 : i32 to vector<16xi32>
          %add3A_107 = arith.addi %iota3A, %add3A_106 : vector<16xi32>
          %and3A_108 = arith.constant 15 : i32
          %and3A_109 = vector.broadcast %and3A_108 : i32 to vector<16xi32>
          %and3A_110 = arith.andi %add3A_107, %and3A_109 : vector<16xi32>
          %scan3A_111 = arith.constant 0 : i32
          %scan3A_112 = arith.constant 16 : i32
          %scan3A_113 = arith.addi %scan3A_111, %scan3A_112 : i32
          %scan3A_114 = arith.constant 1 : i32
          %scan3A_115 = scf.for %scan3A_117 = %scan3A_111 to %scan3A_113 step %scan3A_114 iter_args(%scan3A_118 = %select_n3A) -> (vector<16xi32>)  : i32 {
            %slice3A_119 = vector.extract_strided_slice %scan3A_118 {offsets = [0], sizes = [1], strides = [1]} : vector<16xi32> to vector<1xi32>
            %squeeze3A_120 = vector.extract %slice3A_119[0] : i32 from vector<1xi32>
            %lt3A_121 = arith.constant 320 : i32
            %lt3A_122 = arith.cmpi slt, %squeeze3A_120, %lt3A_121 : i32
            %convert_element_type3A_123 = arith.extui %lt3A_122 : i1 to i32
            %cond3A_124 = arith.constant 0 : i32
            %cond3A_125 = arith.cmpi ne, %convert_element_type3A_123, %cond3A_124 : i32
            scf.if %cond3A_125 {
              %get3A_136 = arith.index_cast %scan3A_117 : i32 to index
              %get3A_137 = arith.constant 0 : index
              %get3A_138 = tpu.vector_load %arg8[%get3A_136, %get3A_137] {strides = array<i32>} : memref<16x128xf32, #tpu.memory_space<vmem>>, vector<1x16xf32>,
              %get3A_139 = vector.shape_cast %get3A_138 : vector<1x16xf32> to vector<16xf32>
              %swap3A = arith.index_cast %squeeze3A_120 : i32 to index
              %swap3A_140 = arith.constant 0 : index
              %swap3A_141 = tpu.vector_load %arg9[%swap3A, %swap3A_140] {strides = array<i32>} : memref<328x128xf32, #tpu.memory_space<vmem>>, vector<1x16xf32>,
              %swap3A_142 = vector.shape_cast %swap3A_141 : vector<1x16xf32> to vector<16xf32>
              %swap3A_143 = vector.shape_cast %get3A_139 : vector<16xf32> to vector<1x16xf32>
              tpu.vector_store %arg9[%swap3A, %swap3A_140], %swap3A_143 {add = true, strides = array<i32>} : memref<328x128xf32, #tpu.memory_space<vmem>>, vector<1x16xf32>,
              %get3A_144 = arith.index_cast %scan3A_117 : i32 to index
              %get3A_145 = arith.constant 16 : index
              %get3A_146 = tpu.vector_load %arg8[%get3A_144, %get3A_145] {strides = array<i32>} : memref<16x128xf32, #tpu.memory_space<vmem>>, vector<1x16xf32>,
              %get3A_147 = vector.shape_cast %get3A_146 : vector<1x16xf32> to vector<16xf32>
              %swap3A_148 = arith.index_cast %squeeze3A_120 : i32 to index
              %swap3A_149 = arith.constant 16 : index
              %swap3A_150 = tpu.vector_load %arg9[%swap3A_148, %swap3A_149] {strides = array<i32>} : memref<328x128xf32, #tpu.memory_space<vmem>>, vector<1x16xf32>,
              %swap3A_151 = vector.shape_cast %swap3A_150 : vector<1x16xf32> to vector<16xf32>
              %swap3A_152 = vector.shape_cast %get3A_147 : vector<16xf32> to vector<1x16xf32>
              tpu.vector_store %arg9[%swap3A_148, %swap3A_149], %swap3A_152 {add = true, strides = array<i32>} : memref<328x128xf32, #tpu.memory_space<vmem>>, vector<1x16xf32>,
              %get3A_153 = arith.index_cast %scan3A_117 : i32 to index
              %get3A_154 = arith.constant 32 : index
              %get3A_155 = tpu.vector_load %arg8[%get3A_153, %get3A_154] {strides = array<i32>} : memref<16x128xf32, #tpu.memory_space<vmem>>, vector<1x16xf32>,
              %get3A_156 = vector.shape_cast %get3A_155 : vector<1x16xf32> to vector<16xf32>
              %swap3A_157 = arith.index_cast %squeeze3A_120 : i32 to index
              %swap3A_158 = arith.constant 32 : index
              %swap3A_159 = tpu.vector_load %arg9[%swap3A_157, %swap3A_158] {strides = array<i32>} : memref<328x128xf32, #tpu.memory_space<vmem>>, vector<1x16xf32>,
              %swap3A_160 = vector.shape_cast %swap3A_159 : vector<1x16xf32> to vector<16xf32>
              %swap3A_161 = vector.shape_cast %get3A_156 : vector<16xf32> to vector<1x16xf32>
              tpu.vector_store %arg9[%swap3A_157, %swap3A_158], %swap3A_161 {add = true, strides = array<i32>} : memref<328x128xf32, #tpu.memory_space<vmem>>, vector<1x16xf32>,
              %get3A_162 = arith.index_cast %scan3A_117 : i32 to index
              %get3A_163 = arith.constant 48 : index
              %get3A_164 = tpu.vector_load %arg8[%get3A_162, %get3A_163] {strides = array<i32>} : memref<16x128xf32, #tpu.memory_space<vmem>>, vector<1x16xf32>,
              %get3A_165 = vector.shape_cast %get3A_164 : vector<1x16xf32> to vector<16xf32>
              %swap3A_166 = arith.index_cast %squeeze3A_120 : i32 to index
              %swap3A_167 = arith.constant 48 : index
              %swap3A_168 = tpu.vector_load %arg9[%swap3A_166, %swap3A_167] {strides = array<i32>} : memref<328x128xf32, #tpu.memory_space<vmem>>, vector<1x16xf32>,
              %swap3A_169 = vector.shape_cast %swap3A_168 : vector<1x16xf32> to vector<16xf32>
              %swap3A_170 = vector.shape_cast %get3A_165 : vector<16xf32> to vector<1x16xf32>
              tpu.vector_store %arg9[%swap3A_166, %swap3A_167], %swap3A_170 {add = true, strides = array<i32>} : memref<328x128xf32, #tpu.memory_space<vmem>>, vector<1x16xf32>,
              %get3A_171 = arith.index_cast %scan3A_117 : i32 to index
              %get3A_172 = arith.constant 64 : index
              %get3A_173 = tpu.vector_load %arg8[%get3A_171, %get3A_172] {strides = array<i32>} : memref<16x128xf32, #tpu.memory_space<vmem>>, vector<1x16xf32>,
              %get3A_174 = vector.shape_cast %get3A_173 : vector<1x16xf32> to vector<16xf32>
              %swap3A_175 = arith.index_cast %squeeze3A_120 : i32 to index
              %swap3A_176 = arith.constant 64 : index
              %swap3A_177 = tpu.vector_load %arg9[%swap3A_175, %swap3A_176] {strides = array<i32>} : memref<328x128xf32, #tpu.memory_space<vmem>>, vector<1x16xf32>,
              %swap3A_178 = vector.shape_cast %swap3A_177 : vector<1x16xf32> to vector<16xf32>
              %swap3A_179 = vector.shape_cast %get3A_174 : vector<16xf32> to vector<1x16xf32>
              tpu.vector_store %arg9[%swap3A_175, %swap3A_176], %swap3A_179 {add = true, strides = array<i32>} : memref<328x128xf32, #tpu.memory_space<vmem>>, vector<1x16xf32>,
              %get3A_180 = arith.index_cast %scan3A_117 : i32 to index
              %get3A_181 = arith.constant 80 : index
              %get3A_182 = tpu.vector_load %arg8[%get3A_180, %get3A_181] {strides = array<i32>} : memref<16x128xf32, #tpu.memory_space<vmem>>, vector<1x16xf32>,
              %get3A_183 = vector.shape_cast %get3A_182 : vector<1x16xf32> to vector<16xf32>
              %swap3A_184 = arith.index_cast %squeeze3A_120 : i32 to index
              %swap3A_185 = arith.constant 80 : index
              %swap3A_186 = tpu.vector_load %arg9[%swap3A_184, %swap3A_185] {strides = array<i32>} : memref<328x128xf32, #tpu.memory_space<vmem>>, vector<1x16xf32>,
              %swap3A_187 = vector.shape_cast %swap3A_186 : vector<1x16xf32> to vector<16xf32>
              %swap3A_188 = vector.shape_cast %get3A_183 : vector<16xf32> to vector<1x16xf32>
              tpu.vector_store %arg9[%swap3A_184, %swap3A_185], %swap3A_188 {add = true, strides = array<i32>} : memref<328x128xf32, #tpu.memory_space<vmem>>, vector<1x16xf32>,
              %get3A_189 = arith.index_cast %scan3A_117 : i32 to index
              %get3A_190 = arith.constant 96 : index
              %get3A_191 = tpu.vector_load %arg8[%get3A_189, %get3A_190] {strides = array<i32>} : memref<16x128xf32, #tpu.memory_space<vmem>>, vector<1x16xf32>,
              %get3A_192 = vector.shape_cast %get3A_191 : vector<1x16xf32> to vector<16xf32>
              %swap3A_193 = arith.index_cast %squeeze3A_120 : i32 to index
              %swap3A_194 = arith.constant 96 : index
              %swap3A_195 = tpu.vector_load %arg9[%swap3A_193, %swap3A_194] {strides = array<i32>} : memref<328x128xf32, #tpu.memory_space<vmem>>, vector<1x16xf32>,
              %swap3A_196 = vector.shape_cast %swap3A_195 : vector<1x16xf32> to vector<16xf32>
              %swap3A_197 = vector.shape_cast %get3A_192 : vector<16xf32> to vector<1x16xf32>
              tpu.vector_store %arg9[%swap3A_193, %swap3A_194], %swap3A_197 {add = true, strides = array<i32>} : memref<328x128xf32, #tpu.memory_space<vmem>>, vector<1x16xf32>,
              %get3A_198 = arith.index_cast %scan3A_117 : i32 to index
              %get3A_199 = arith.constant 112 : index
              %get3A_200 = tpu.vector_load %arg8[%get3A_198, %get3A_199] {strides = array<i32>} : memref<16x128xf32, #tpu.memory_space<vmem>>, vector<1x16xf32>,
              %get3A_201 = vector.shape_cast %get3A_200 : vector<1x16xf32> to vector<16xf32>
              %swap3A_202 = arith.index_cast %squeeze3A_120 : i32 to index
              %swap3A_203 = arith.constant 112 : index
              %swap3A_204 = tpu.vector_load %arg9[%swap3A_202, %swap3A_203] {strides = array<i32>} : memref<328x128xf32, #tpu.memory_space<vmem>>, vector<1x16xf32>,
              %swap3A_205 = vector.shape_cast %swap3A_204 : vector<1x16xf32> to vector<16xf32>
              %swap3A_206 = vector.shape_cast %get3A_201 : vector<16xf32> to vector<1x16xf32>
              tpu.vector_store %arg9[%swap3A_202, %swap3A_203], %swap3A_206 {add = true, strides = array<i32>} : memref<328x128xf32, #tpu.memory_space<vmem>>, vector<1x16xf32>,
            } else {
            }
            %lt3A_126 = arith.constant 0 : i32
            %lt3A_127 = vector.broadcast %lt3A_126 : i32 to vector<16xi32>
            %lt3A_128 = arith.cmpi slt, %and3A_110, %lt3A_127 : vector<16xi32>
            %add3A_129 = arith.constant 16 : i32
            %add3A_130 = vector.broadcast %add3A_129 : i32 to vector<16xi32>
            %add3A_131 = arith.addi %and3A_110, %add3A_130 : vector<16xi32>
            %select_n3A_132 = arith.select %lt3A_128, %add3A_131, %and3A_110 : vector<16xi1>, vector<16xi32>
            %reshape3A_133 = vector.shape_cast %select_n3A_132 : vector<16xi32> to vector<16x1xi32>
            %gather3A_134 = vector.shape_cast %reshape3A_133 : vector<16x1xi32> to vector<16xi32>
            %gather3A_135 = tpu.dynamic_gather %scan3A_118[%gather3A_134] in [0] : vector<16xi32>, vector<16xi32> -> vector<16xi32>
            scf.yield %gather3A_135 : vector<16xi32>
          }
          %scan3A_116 = arith.constant 16 : i32
        } else {
        }
      }
      %scan3A_37 = arith.constant 256 : i32
    }
    %scan3A_14 = arith.constant 80 : i32
    %mul3A_15 = arith.constant 320 : i32
    %mul3A_16 = arith.muli %add3A, %mul3A_15 : i32
    "tpu.region"() ({
      %run_scoped3A = tpu.sem_alloc : memref<!tpu.dma_semaphore, #tpu.memory_space<semaphore_mem>>
      %dma_start3A = arith.constant 0 : i32
      %dma_start3A_17 = arith.constant 0 : i32
      %dma_start3A_18 = tpu.memref_slice %arg9[%dma_start3A, %dma_start3A_17] : memref<328x128xf32, #tpu.memory_space<vmem>> -> memref<320x128xf32, #tpu.memory_space<vmem>>
      %dma_start3A_19 = arith.constant 0 : i32
      %dma_start3A_20 = tpu.memref_slice %arg5[%mul3A_16, %dma_start3A_19] : memref<10240x128xf32, #tpu.memory_space<hbm>> -> memref<320x128xf32, #tpu.memory_space<hbm>>
      %dma_start3A_21 = arith.constant 0 : i32
      %dma_start3A_22 = tpu.memref_slice %arg5[%mul3A_16, %dma_start3A_21] : memref<10240x128xf32, #tpu.memory_space<hbm>> -> memref<320x128xf32, #tpu.memory_space<hbm>>
      %dma_start3A_23 = arith.constant 0 : i32
      %dma_start3A_24 = arith.constant 0 : i32
      %dma_start3A_25 = tpu.memref_slice %arg9[%dma_start3A_23, %dma_start3A_24] : memref<328x128xf32, #tpu.memory_space<vmem>> -> memref<320x128xf32, #tpu.memory_space<vmem>>
      tpu.enqueue_dma source(%dma_start3A_25 : memref<320x128xf32, #tpu.memory_space<vmem>>) target(%dma_start3A_22 : memref<320x128xf32, #tpu.memory_space<hbm>>) target_semaphore(%run_scoped3A : memref<!tpu.dma_semaphore, #tpu.memory_space<semaphore_mem>>)
      %dma_wait3A = arith.constant 0 : i32
      %dma_wait3A_26 = arith.constant 0 : i32
      %dma_wait3A_27 = tpu.memref_slice %arg9[%dma_wait3A, %dma_wait3A_26] : memref<328x128xf32, #tpu.memory_space<vmem>> -> memref<320x128xf32, #tpu.memory_space<vmem>>
      %dma_wait3A_28 = arith.constant 0 : i32
      %dma_wait3A_29 = tpu.memref_slice %arg5[%mul3A_16, %dma_wait3A_28] : memref<10240x128xf32, #tpu.memory_space<hbm>> -> memref<320x128xf32, #tpu.memory_space<hbm>>
      %dma_wait3A_30 = arith.constant 0 : i32
      %dma_wait3A_31 = tpu.memref_slice %arg5[%mul3A_16, %dma_wait3A_30] : memref<10240x128xf32, #tpu.memory_space<hbm>> -> memref<320x128xf32, #tpu.memory_space<hbm>>
      %dma_wait3A_32 = arith.constant 0 : i32
      %dma_wait3A_33 = arith.constant 0 : i32
      %dma_wait3A_34 = tpu.memref_slice %arg9[%dma_wait3A_32, %dma_wait3A_33] : memref<328x128xf32, #tpu.memory_space<vmem>> -> memref<320x128xf32, #tpu.memory_space<vmem>>
      tpu.wait_dma2 semaphore(%run_scoped3A : memref<!tpu.dma_semaphore, #tpu.memory_space<semaphore_mem>>) src(%dma_wait3A_34 : memref<320x128xf32, #tpu.memory_space<vmem>>) dst(%dma_wait3A_31 : memref<320x128xf32, #tpu.memory_space<hbm>>)
      tpu.yield
    }) : () -> ()
    return
  }
}

module attributes {stable_mosaic.version = 14 : i64} {
  func.func @_dinv_body(%arg0: i32, %arg1: memref<1024x1xf32, #tpu.memory_space<vmem>>, %arg2: memref<1024x1xf32, #tpu.memory_space<vmem>>) attributes {dimension_semantics = [#tpu.dimension_semantics<arbitrary>], iteration_bounds = array<i64: 10>, scalar_prefetch = 0 : i64, scratch_operands = 0 : i64, tpu.core_type = #tpu.core_type<tc>, window_params = [{transform_indices = @transform_0, window_bounds = array<i64: 1024, 1>}, {transform_indices = @transform_1, window_bounds = array<i64: 1024, 1>}]} {
    %get3A = arith.constant 0 : index
    %get3A_0 = arith.constant 0 : index
    %get3A_1 = vector.load %arg1[%get3A, %get3A_0] : memref<1024x1xf32, #tpu.memory_space<vmem>>, vector<1024x1xf32>
    %add3A = arith.constant 1.000000e+00 : f32
    %add3A_2 = vector.broadcast %add3A : f32 to vector<1024x1xf32>
    %add3A_3 = arith.addf %get3A_1, %add3A_2 : vector<1024x1xf32>
    %rsqrt3A = math.rsqrt %add3A_3 : vector<1024x1xf32>
    %swap3A = arith.constant 0 : index
    %swap3A_4 = arith.constant 0 : index
    %swap3A_5 = vector.load %arg2[%swap3A, %swap3A_4] : memref<1024x1xf32, #tpu.memory_space<vmem>>, vector<1024x1xf32>
    tpu.vector_store %arg2[%swap3A, %swap3A_4], %rsqrt3A {strides = array<i32>} : memref<1024x1xf32, #tpu.memory_space<vmem>>, vector<1024x1xf32>,
    return
  }
  func.func @transform_0(%arg0: i32) -> (i32, i32) {
    %c0_i32 = arith.constant 0 : i32
    %c0_i32_0 = arith.constant 0 : i32
    return %arg0, %c0_i32 : i32, i32
  }
  func.func @transform_1(%arg0: i32) -> (i32, i32) {
    %c0_i32 = arith.constant 0 : i32
    %c0_i32_0 = arith.constant 0 : i32
    return %arg0, %c0_i32 : i32, i32
  }
}

module attributes {stable_mosaic.version = 14 : i64} {
  func.func @_mm_first_body(%arg0: i32, %arg1: memref<1024x128xf32, #tpu.memory_space<vmem>>, %arg2: memref<128x128xf32, #tpu.memory_space<vmem>>, %arg3: memref<1024x1xf32, #tpu.memory_space<vmem>>, %arg4: memref<1024x128xf32, #tpu.memory_space<vmem>>) attributes {dimension_semantics = [#tpu.dimension_semantics<arbitrary>], iteration_bounds = array<i64: 10>, scalar_prefetch = 0 : i64, scratch_operands = 0 : i64, tpu.core_type = #tpu.core_type<tc>, window_params = [{transform_indices = @transform_0, window_bounds = array<i64: 1024, 128>}, {pipeline_mode = #tpu.pipeline_mode<synchronous>, transform_indices = @transform_1, window_bounds = array<i64: 128, 128>}, {transform_indices = @transform_2, window_bounds = array<i64: 1024, 1>}, {transform_indices = @transform_3, window_bounds = array<i64: 1024, 128>}]} {
    %get3A = arith.constant 0 : index
    %get3A_0 = arith.constant 0 : index
    %get3A_1 = vector.load %arg1[%get3A, %get3A_0] : memref<1024x128xf32, #tpu.memory_space<vmem>>, vector<1024x128xf32>
    %get3A_2 = arith.constant 0 : index
    %get3A_3 = arith.constant 0 : index
    %get3A_4 = vector.load %arg2[%get3A_2, %get3A_3] : memref<128x128xf32, #tpu.memory_space<vmem>>, vector<128x128xf32>
    %dot_general3A = arith.constant dense<0.000000e+00> : vector<1024x128xf32>
    %dot_general3A_5 = tpu.matmul %get3A_1, %get3A_4, %dot_general3A {dimension_numbers = #tpu.dot_dimension_numbers<[1], [1], [0], [0], [0, 0, 1, 0], [], []>, transpose_lhs_hint = false} : vector<1024x128xf32>, vector<128x128xf32>, vector<1024x128xf32> -> vector<1024x128xf32>
    %get3A_6 = arith.constant 0 : index
    %get3A_7 = arith.constant 0 : index
    %get3A_8 = vector.load %arg3[%get3A_6, %get3A_7] : memref<1024x1xf32, #tpu.memory_space<vmem>>, vector<1024x1xf32>
    %mul3A = vector.broadcast %get3A_8 : vector<1024x1xf32> to vector<1024x128xf32>
    %mul3A_9 = arith.mulf %dot_general3A_5, %mul3A : vector<1024x128xf32>
    %swap3A = arith.constant 0 : index
    %swap3A_10 = arith.constant 0 : index
    %swap3A_11 = vector.load %arg4[%swap3A, %swap3A_10] : memref<1024x128xf32, #tpu.memory_space<vmem>>, vector<1024x128xf32>
    tpu.vector_store %arg4[%swap3A, %swap3A_10], %mul3A_9 {strides = array<i32>} : memref<1024x128xf32, #tpu.memory_space<vmem>>, vector<1024x128xf32>,
    return
  }
  func.func @transform_0(%arg0: i32) -> (i32, i32) {
    %c0_i32 = arith.constant 0 : i32
    %c0_i32_0 = arith.constant 0 : i32
    return %arg0, %c0_i32 : i32, i32
  }
  func.func @transform_1(%arg0: i32) -> (i32, i32) {
    %c0_i32 = arith.constant 0 : i32
    %c0_i32_0 = arith.constant 0 : i32
    %c0_i32_1 = arith.constant 0 : i32
    return %c0_i32, %c0_i32_0 : i32, i32
  }
  func.func @transform_2(%arg0: i32) -> (i32, i32) {
    %c0_i32 = arith.constant 0 : i32
    %c0_i32_0 = arith.constant 0 : i32
    return %arg0, %c0_i32 : i32, i32
  }
  func.func @transform_3(%arg0: i32) -> (i32, i32) {
    %c0_i32 = arith.constant 0 : i32
    %c0_i32_0 = arith.constant 0 : i32
    return %arg0, %c0_i32 : i32, i32
  }
}

module attributes {stable_mosaic.version = 14 : i64} {
  func.func @_mid_body(%arg0: i32, %arg1: memref<1024x128xf32, #tpu.memory_space<vmem>>, %arg2: memref<1024x128xf32, #tpu.memory_space<vmem>>, %arg3: memref<1024x1xf32, #tpu.memory_space<vmem>>, %arg4: memref<1x128xf32, #tpu.memory_space<vmem>>, %arg5: memref<1x128xf32, #tpu.memory_space<vmem>>, %arg6: memref<128x128xf32, #tpu.memory_space<vmem>>, %arg7: memref<1024x128xf32, #tpu.memory_space<vmem>>) attributes {dimension_semantics = [#tpu.dimension_semantics<arbitrary>], iteration_bounds = array<i64: 10>, scalar_prefetch = 0 : i64, scratch_operands = 0 : i64, tpu.core_type = #tpu.core_type<tc>, window_params = [{transform_indices = @transform_0, window_bounds = array<i64: 1024, 128>}, {transform_indices = @transform_1, window_bounds = array<i64: 1024, 128>}, {transform_indices = @transform_2, window_bounds = array<i64: 1024, 1>}, {pipeline_mode = #tpu.pipeline_mode<synchronous>, transform_indices = @transform_3, window_bounds = array<i64: 1, 128>}, {pipeline_mode = #tpu.pipeline_mode<synchronous>, transform_indices = @transform_4, window_bounds = array<i64: 1, 128>}, {pipeline_mode = #tpu.pipeline_mode<synchronous>, transform_indices = @transform_5, window_bounds = array<i64: 128, 128>}, {transform_indices = @transform_6, window_bounds = array<i64: 1024, 128>}]} {
    %get3A = arith.constant 0 : index
    %get3A_0 = arith.constant 0 : index
    %get3A_1 = vector.load %arg3[%get3A, %get3A_0] : memref<1024x1xf32, #tpu.memory_space<vmem>>, vector<1024x1xf32>
    %get3A_2 = arith.constant 0 : index
    %get3A_3 = arith.constant 0 : index
    %get3A_4 = vector.load %arg1[%get3A_2, %get3A_3] : memref<1024x128xf32, #tpu.memory_space<vmem>>, vector<1024x128xf32>
    %get3A_5 = arith.constant 0 : index
    %get3A_6 = arith.constant 0 : index
    %get3A_7 = vector.load %arg2[%get3A_5, %get3A_6] : memref<1024x128xf32, #tpu.memory_space<vmem>>, vector<1024x128xf32>
    %add3A = arith.addf %get3A_4, %get3A_7 : vector<1024x128xf32>
    %mul3A = vector.broadcast %get3A_1 : vector<1024x1xf32> to vector<1024x128xf32>
    %mul3A_8 = arith.mulf %add3A, %mul3A : vector<1024x128xf32>
    %get3A_9 = arith.constant 0 : index
    %get3A_10 = arith.constant 0 : index
    %get3A_11 = vector.load %arg4[%get3A_9, %get3A_10] : memref<1x128xf32, #tpu.memory_space<vmem>>, vector<1x128xf32>
    %mul3A_12 = vector.broadcast %get3A_11 : vector<1x128xf32> to vector<1024x128xf32>
    %mul3A_13 = arith.mulf %mul3A_8, %mul3A_12 : vector<1024x128xf32>
    %get3A_14 = arith.constant 0 : index
    %get3A_15 = arith.constant 0 : index
    %get3A_16 = vector.load %arg5[%get3A_14, %get3A_15] : memref<1x128xf32, #tpu.memory_space<vmem>>, vector<1x128xf32>
    %add3A_17 = vector.broadcast %get3A_16 : vector<1x128xf32> to vector<1024x128xf32>
    %add3A_18 = arith.addf %mul3A_13, %add3A_17 : vector<1024x128xf32>
    %max3A = arith.constant 0.000000e+00 : f32
    %max3A_19 = vector.broadcast %max3A : f32 to vector<1024x128xf32>
    %max3A_20 = arith.maximumf %add3A_18, %max3A_19 : vector<1024x128xf32>
    %get3A_21 = arith.constant 0 : index
    %get3A_22 = arith.constant 0 : index
    %get3A_23 = vector.load %arg6[%get3A_21, %get3A_22] : memref<128x128xf32, #tpu.memory_space<vmem>>, vector<128x128xf32>
    %dot_general3A = arith.constant dense<0.000000e+00> : vector<1024x128xf32>
    %dot_general3A_24 = tpu.matmul %max3A_20, %get3A_23, %dot_general3A {dimension_numbers = #tpu.dot_dimension_numbers<[1], [1], [0], [0], [0, 0, 1, 0], [], []>, transpose_lhs_hint = false} : vector<1024x128xf32>, vector<128x128xf32>, vector<1024x128xf32> -> vector<1024x128xf32>
    %mul3A_25 = vector.broadcast %get3A_1 : vector<1024x1xf32> to vector<1024x128xf32>
    %mul3A_26 = arith.mulf %dot_general3A_24, %mul3A_25 : vector<1024x128xf32>
    %swap3A = arith.constant 0 : index
    %swap3A_27 = arith.constant 0 : index
    %swap3A_28 = vector.load %arg7[%swap3A, %swap3A_27] : memref<1024x128xf32, #tpu.memory_space<vmem>>, vector<1024x128xf32>
    tpu.vector_store %arg7[%swap3A, %swap3A_27], %mul3A_26 {strides = array<i32>} : memref<1024x128xf32, #tpu.memory_space<vmem>>, vector<1024x128xf32>,
    return
  }
  func.func @transform_0(%arg0: i32) -> (i32, i32) {
    %c0_i32 = arith.constant 0 : i32
    %c0_i32_0 = arith.constant 0 : i32
    return %arg0, %c0_i32 : i32, i32
  }
  func.func @transform_1(%arg0: i32) -> (i32, i32) {
    %c0_i32 = arith.constant 0 : i32
    %c0_i32_0 = arith.constant 0 : i32
    return %arg0, %c0_i32 : i32, i32
  }
  func.func @transform_2(%arg0: i32) -> (i32, i32) {
    %c0_i32 = arith.constant 0 : i32
    %c0_i32_0 = arith.constant 0 : i32
    return %arg0, %c0_i32 : i32, i32
  }
  func.func @transform_3(%arg0: i32) -> (i32, i32) {
    %c0_i32 = arith.constant 0 : i32
    %c0_i32_0 = arith.constant 0 : i32
    %c0_i32_1 = arith.constant 0 : i32
    return %c0_i32, %c0_i32_0 : i32, i32
  }
  func.func @transform_4(%arg0: i32) -> (i32, i32) {
    %c0_i32 = arith.constant 0 : i32
    %c0_i32_0 = arith.constant 0 : i32
    %c0_i32_1 = arith.constant 0 : i32
    return %c0_i32, %c0_i32_0 : i32, i32
  }
  func.func @transform_5(%arg0: i32) -> (i32, i32) {
    %c0_i32 = arith.constant 0 : i32
    %c0_i32_0 = arith.constant 0 : i32
    %c0_i32_1 = arith.constant 0 : i32
    return %c0_i32, %c0_i32_0 : i32, i32
  }
  func.func @transform_6(%arg0: i32) -> (i32, i32) {
    %c0_i32 = arith.constant 0 : i32
    %c0_i32_0 = arith.constant 0 : i32
    return %arg0, %c0_i32 : i32, i32
  }
}

module attributes {stable_mosaic.version = 14 : i64} {
  func.func @_final_body(%arg0: i32, %arg1: memref<1024x128xf32, #tpu.memory_space<vmem>>, %arg2: memref<1024x128xf32, #tpu.memory_space<vmem>>, %arg3: memref<1024x1xf32, #tpu.memory_space<vmem>>, %arg4: memref<1x128xf32, #tpu.memory_space<vmem>>, %arg5: memref<1x128xf32, #tpu.memory_space<vmem>>, %arg6: memref<128x128xf32, #tpu.memory_space<vmem>>, %arg7: memref<1x128xf32, #tpu.memory_space<vmem>>, %arg8: memref<1024x128xf32, #tpu.memory_space<vmem>>) attributes {dimension_semantics = [#tpu.dimension_semantics<arbitrary>], iteration_bounds = array<i64: 10>, scalar_prefetch = 0 : i64, scratch_operands = 0 : i64, tpu.core_type = #tpu.core_type<tc>, window_params = [{transform_indices = @transform_0, window_bounds = array<i64: 1024, 128>}, {transform_indices = @transform_1, window_bounds = array<i64: 1024, 128>}, {transform_indices = @transform_2, window_bounds = array<i64: 1024, 1>}, {pipeline_mode = #tpu.pipeline_mode<synchronous>, transform_indices = @transform_3, window_bounds = array<i64: 1, 128>}, {pipeline_mode = #tpu.pipeline_mode<synchronous>, transform_indices = @transform_4, window_bounds = array<i64: 1, 128>}, {pipeline_mode = #tpu.pipeline_mode<synchronous>, transform_indices = @transform_5, window_bounds = array<i64: 128, 128>}, {pipeline_mode = #tpu.pipeline_mode<synchronous>, transform_indices = @transform_6, window_bounds = array<i64: 1, 128>}, {transform_indices = @transform_7, window_bounds = array<i64: 1024, 128>}]} {
    %get3A = arith.constant 0 : index
    %get3A_0 = arith.constant 0 : index
    %get3A_1 = vector.load %arg1[%get3A, %get3A_0] : memref<1024x128xf32, #tpu.memory_space<vmem>>, vector<1024x128xf32>
    %get3A_2 = arith.constant 0 : index
    %get3A_3 = arith.constant 0 : index
    %get3A_4 = vector.load %arg2[%get3A_2, %get3A_3] : memref<1024x128xf32, #tpu.memory_space<vmem>>, vector<1024x128xf32>
    %add3A = arith.addf %get3A_1, %get3A_4 : vector<1024x128xf32>
    %get3A_5 = arith.constant 0 : index
    %get3A_6 = arith.constant 0 : index
    %get3A_7 = vector.load %arg3[%get3A_5, %get3A_6] : memref<1024x1xf32, #tpu.memory_space<vmem>>, vector<1024x1xf32>
    %mul3A = vector.broadcast %get3A_7 : vector<1024x1xf32> to vector<1024x128xf32>
    %mul3A_8 = arith.mulf %add3A, %mul3A : vector<1024x128xf32>
    %get3A_9 = arith.constant 0 : index
    %get3A_10 = arith.constant 0 : index
    %get3A_11 = vector.load %arg4[%get3A_9, %get3A_10] : memref<1x128xf32, #tpu.memory_space<vmem>>, vector<1x128xf32>
    %mul3A_12 = vector.broadcast %get3A_11 : vector<1x128xf32> to vector<1024x128xf32>
    %mul3A_13 = arith.mulf %mul3A_8, %mul3A_12 : vector<1024x128xf32>
    %get3A_14 = arith.constant 0 : index
    %get3A_15 = arith.constant 0 : index
    %get3A_16 = vector.load %arg5[%get3A_14, %get3A_15] : memref<1x128xf32, #tpu.memory_space<vmem>>, vector<1x128xf32>
    %add3A_17 = vector.broadcast %get3A_16 : vector<1x128xf32> to vector<1024x128xf32>
    %add3A_18 = arith.addf %mul3A_13, %add3A_17 : vector<1024x128xf32>
    %max3A = arith.constant 0.000000e+00 : f32
    %max3A_19 = vector.broadcast %max3A : f32 to vector<1024x128xf32>
    %max3A_20 = arith.maximumf %add3A_18, %max3A_19 : vector<1024x128xf32>
    %get3A_21 = arith.constant 0 : index
    %get3A_22 = arith.constant 0 : index
    %get3A_23 = vector.load %arg6[%get3A_21, %get3A_22] : memref<128x128xf32, #tpu.memory_space<vmem>>, vector<128x128xf32>
    %dot_general3A = arith.constant dense<0.000000e+00> : vector<1024x128xf32>
    %dot_general3A_24 = tpu.matmul %max3A_20, %get3A_23, %dot_general3A {dimension_numbers = #tpu.dot_dimension_numbers<[1], [1], [0], [0], [0, 0, 1, 0], [], []>, transpose_lhs_hint = false} : vector<1024x128xf32>, vector<128x128xf32>, vector<1024x128xf32> -> vector<1024x128xf32>
    %get3A_25 = arith.constant 0 : index
    %get3A_26 = arith.constant 0 : index
    %get3A_27 = vector.load %arg7[%get3A_25, %get3A_26] : memref<1x128xf32, #tpu.memory_space<vmem>>, vector<1x128xf32>
    %add3A_28 = vector.broadcast %get3A_27 : vector<1x128xf32> to vector<1024x128xf32>
    %add3A_29 = arith.addf %dot_general3A_24, %add3A_28 : vector<1024x128xf32>
    %swap3A = arith.constant 0 : index
    %swap3A_30 = arith.constant 0 : index
    %swap3A_31 = vector.load %arg8[%swap3A, %swap3A_30] : memref<1024x128xf32, #tpu.memory_space<vmem>>, vector<1024x128xf32>
    tpu.vector_store %arg8[%swap3A, %swap3A_30], %add3A_29 {strides = array<i32>} : memref<1024x128xf32, #tpu.memory_space<vmem>>, vector<1024x128xf32>,
    return
  }
  func.func @transform_0(%arg0: i32) -> (i32, i32) {
    %c0_i32 = arith.constant 0 : i32
    %c0_i32_0 = arith.constant 0 : i32
    return %arg0, %c0_i32 : i32, i32
  }
  func.func @transform_1(%arg0: i32) -> (i32, i32) {
    %c0_i32 = arith.constant 0 : i32
    %c0_i32_0 = arith.constant 0 : i32
    return %arg0, %c0_i32 : i32, i32
  }
  func.func @transform_2(%arg0: i32) -> (i32, i32) {
    %c0_i32 = arith.constant 0 : i32
    %c0_i32_0 = arith.constant 0 : i32
    return %arg0, %c0_i32 : i32, i32
  }
  func.func @transform_3(%arg0: i32) -> (i32, i32) {
    %c0_i32 = arith.constant 0 : i32
    %c0_i32_0 = arith.constant 0 : i32
    %c0_i32_1 = arith.constant 0 : i32
    return %c0_i32, %c0_i32_0 : i32, i32
  }
  func.func @transform_4(%arg0: i32) -> (i32, i32) {
    %c0_i32 = arith.constant 0 : i32
    %c0_i32_0 = arith.constant 0 : i32
    %c0_i32_1 = arith.constant 0 : i32
    return %c0_i32, %c0_i32_0 : i32, i32
  }
  func.func @transform_5(%arg0: i32) -> (i32, i32) {
    %c0_i32 = arith.constant 0 : i32
    %c0_i32_0 = arith.constant 0 : i32
    %c0_i32_1 = arith.constant 0 : i32
    return %c0_i32, %c0_i32_0 : i32, i32
  }
  func.func @transform_6(%arg0: i32) -> (i32, i32) {
    %c0_i32 = arith.constant 0 : i32
    %c0_i32_0 = arith.constant 0 : i32
    %c0_i32_1 = arith.constant 0 : i32
    return %c0_i32, %c0_i32_0 : i32, i32
  }
  func.func @transform_7(%arg0: i32) -> (i32, i32) {
    %c0_i32 = arith.constant 0 : i32
    %c0_i32_0 = arith.constant 0 : i32
    return %arg0, %c0_i32 : i32, i32
  }
}

</mosaic_0001>

<sc_bundles>
// kernel: kernel.11.cloned.1.call-start
scs
__scs_entry_jumppad:
0x0: {  	(pc) =	sbr.rel $0x88, $3  }
0x1: {  	(tag) =	ssettag $0x0;
	lr =	simm.s32 $0x1  }
0x2: {  	[smem:$0x3F91] =	sst lr;
	_ =	strace $0xD0000000  }
0x3: {  	_ = 	snop  }
0x4: {  	_ = 	snop  }
0x5: {  	_ = 	snop  }
0x6: {  	_ = 	snop  }
0x7: {  	_ = 	snop  }
__scs_overlays_trampoline_lowered:
0x8: {  	[smem:$0x3FA0] =	sst s0  }
0x9: {  	[smem:$0x3FA1] =	sst s1  }
0xa: {  	[smem:$0x3FA2] =	sst s2  }
0xb: {  	[smem:$0x3FA3] =	sst s3  }
0xc: {  	[smem:$0x3FA4] =	sst s4  }
0xd: {  	[smem:$0x3FA5] =	sst s5  }
0xe: {  	[smem:$0x3FA6] =	sst s6  }
0xf: {  	[smem:$0x3FA7] =	sst s7  }
0x10: {  	[smem:$0x3FA8] =	sst s8  }
0x11: {  	[smem:$0x3FA9] =	sst s9;
	s0 =	simm.s32 @!p0 $0x0  }
0x12: {  	s1 =	sld [smem:$0x3F8F];
	s0 =	simm.s32 @p0 $0x1  }
0x13: {  	[smem:$0x3FAA] =	sst s0;
	s0 =	simm.s32 @!p1 $0x0  }
0x14: {  	s2 =	sld [smem:$0x3F8E];
	s0 =	simm.s32 @p1 $0x1  }
0x15: {  	[smem:$0x3FAB] =	sst s0;
	s0 =	simm.s32 @!p2 $0x0  }
0x16: {  	s3 =	sld [smem:$0x3FDB];
	s0 =	simm.s32 @p2 $0x1  }
0x17: {  	s4 =	simm.s32 $0x1BF5;
	[smem:$0x3FAD] =	sst s0  }
0x18: {  	s0 =	sld [smem:$0x3F90];
	_ =	swait.ge [sflag:s4], $0x0  }
0x19: {  	s7 =	sld [smem:$0x3F91]  }
0x1a: {  	s8 =	sadd.s32 $0xFFFFE003, lr  }
0x1b: {  	s9 =	sadd.s32 $0xFFFFFEF7, lr;
	s5 =	simm.s32 $0xFFFFFFFF;
	p2 =	slt.u32 s8, $0xFFFFF086  }
0x1c: {  	p1 =	slt.u32 s9, $0xF7A;
	s5 =	simm.s32 @!p2 $0x0  }
0x1d: {  	s5 =	simm.s32 @p1 $0x1;
	p0 =	seq.s32 s7, s2  }
0x1e: {  	s7 =	smul.u32 @!p0 $0xF7A, s2;
	p2 =	seq.s32 @!p0 s5, $0x0  }
0x1f: {  	s9 =	smul.u32 $0xF7A, s1;
	s8 =	simm.s32 @!p0 $0x1BF5;
	p2 =	por !p2, p0  }
0x20: {  	[sflag:s8] =	ssyncset.s32 @!p0 $0xFFFFF086;
	s6 =	sadd.s32 @!p0 s3, s7;
	s7 =	simm.s32 @!p0 $0x108  }
0x21: {  	s3 =	sadd.s32 s3, s9;
	s6 =	sadd.s32 @!p0 $0x88, s6;
	s7 =	simm.s32 @p2 $0x1082  }
0x22: {  	[simem:s7], [sflag:s8] =	dma.local @!p0 [hbm:s6], $0xF7A  }
0x23: {  	s9 =	sor.u32 $0xD0000000, s2;
	s6 =	simm.s32 $0x108;
	_ =	swait.ge @!p0 [sflag:s8], $0x0  }
0x24: {  	s3 =	sadd.s32 $0x88, s3;
	s6 =	simm.s32 @!p1 $0x1082;
	[sflag:s4] =	ssyncset.s32 $0xFFFFF086  }
0x25: {  	[simem:s6], [sflag:s4] =	dma.local [hbm:s3], $0xF7A  }
0x26: {  	[smem:$0x3F91] =	sst s1;
	(tag) =	ssettag s2;
	_ =	strace s9  }
0x27: {  	s1 =	sld [smem:$0x3FA1]  }
0x28: {  	s2 =	sld [smem:$0x3FA2]  }
0x29: {  	s4 =	sld [smem:$0x3FA4]  }
0x2a: {  	p0 =	seq.s32 s5, $0x0;
	s5 =	sld [smem:$0x3FA5]  }
0x2b: {  	s6 =	sld [smem:$0x3FA6]  }
0x2c: {  	s7 =	sld [smem:$0x3FA7]  }
0x2d: {  	s3 =	simm.s32 $0x108;
	s8 =	sld [smem:$0x3FA8]  }
0x2e: {  	s3 =	simm.s32 @!p0 $0x1082;
	s9 =	sld [smem:$0x3FA9]  }
0x2f: {  	lr =	sadd.s32 s0, s3;
	s0 =	sld [smem:$0x3FA0]  }
0x30: {  	s3 =	sld [smem:$0x3FA3]  }
0x31: {  	[smem:$0x3FAC] =	sst s10  }
0x32: {  	s10 =	sld [smem:$0x3FAA];
	_ =	sdelay $0x3  }
0x33: {  	p0 =	seq.s32 s10, $0x1;
	s10 =	sld [smem:$0x3FAC];
	_ =	sdelay $0x3  }
0x34: {  	[smem:$0x3FAC] =	sst s10  }
0x35: {  	s10 =	sld [smem:$0x3FAB];
	_ =	sdelay $0x3  }
0x36: {  	p1 =	seq.s32 s10, $0x1;
	s10 =	sld [smem:$0x3FAC];
	_ =	sdelay $0x3  }
0x37: {  	[smem:$0x3FAC] =	sst s10  }
0x38: {  	s10 =	sld [smem:$0x3FAD]  }
0x39: {  	_ = 	snop;
	(pc) =	sbr.ind lr, $3  }
0x3a: {  	_ = 	snop  }
0x3b: {  	_ = 	snop  }
0x3c: {  	p2 =	seq.s32 s10, $0x1;
	s10 =	sld [smem:$0x3FAC]  }
0x3d: {  	_ =	shalt  }
0x3e: {  	_ =	shalt  }
0x3f: {  	_ =	shalt  }
0x40: {  	_ =	shalt  }
0x41: {  	_ =	shalt  }
0x42: {  	_ =	shalt  }
0x43: {  	_ =	shalt  }
0x44: {  	_ =	shalt  }
0x45: {  	_ =	shalt  }
0x46: {  	_ =	shalt  }
0x47: {  	_ =	shalt  }
0x48: {  	_ =	shalt  }
0x49: {  	_ =	shalt  }
0x4a: {  	_ =	shalt  }
0x4b: {  	_ =	shalt  }
0x4c: {  	_ =	shalt  }
0x4d: {  	_ =	shalt  }
0x4e: {  	_ =	shalt  }
0x4f: {  	_ =	shalt  }
0x50: {  	_ =	shalt  }
0x51: {  	_ =	shalt  }
0x52: {  	_ =	shalt  }
0x53: {  	_ =	shalt  }
0x54: {  	_ =	shalt  }
0x55: {  	_ =	shalt  }
0x56: {  	_ =	shalt  }
0x57: {  	_ =	shalt  }
0x58: {  	_ =	shalt  }
0x59: {  	_ =	shalt  }
0x5a: {  	_ =	shalt  }
0x5b: {  	_ =	shalt  }
0x5c: {  	_ =	shalt  }
0x5d: {  	_ =	shalt  }
0x5e: {  	_ =	shalt  }
0x5f: {  	_ =	shalt  }
0x60: {  	_ =	shalt  }
0x61: {  	_ =	shalt  }
0x62: {  	_ =	shalt  }
0x63: {  	_ =	shalt  }
0x64: {  	_ =	shalt  }
0x65: {  	_ =	shalt  }
0x66: {  	_ =	shalt  }
0x67: {  	_ =	shalt  }
0x68: {  	_ =	shalt  }
0x69: {  	_ =	shalt  }
0x6a: {  	_ =	shalt  }
0x6b: {  	_ =	shalt  }
0x6c: {  	_ =	shalt  }
0x6d: {  	_ =	shalt  }
0x6e: {  	_ =	shalt  }
0x6f: {  	_ =	shalt  }
0x70: {  	_ =	shalt  }
0x71: {  	_ =	shalt  }
0x72: {  	_ =	shalt  }
0x73: {  	_ =	shalt  }
0x74: {  	_ =	shalt  }
0x75: {  	_ =	shalt  }
0x76: {  	_ =	shalt  }
0x77: {  	_ =	shalt  }
0x78: {  	_ =	shalt  }
0x79: {  	_ =	shalt  }
0x7a: {  	_ =	shalt  }
0x7b: {  	_ =	shalt  }
0x7c: {  	_ =	shalt  }
0x7d: {  	_ =	shalt  }
0x7e: {  	_ =	shalt  }
0x7f: {  	_ =	shalt  }
0x80: {  	_ =	shalt  }
0x81: {  	_ =	shalt  }
0x82: {  	_ =	shalt  }
0x83: {  	_ =	shalt  }
0x84: {  	_ =	shalt  }
0x85: {  	_ =	shalt  }
0x86: {  	_ =	shalt  }
0x87: {  	_ =	shalt  }
.Lfunc_end0:
.L_simem_size_0:
called_computation_lowered:
.L_overlay_start_0:
0x88: {  	s2 =	sld [smem:$0x3FD9]  }
0x89: {  	s3 =	sld [smem:$0x3FFE];
	_ =	sdelay $0x1  }
0x8a: {  	s1 =	srdreg.scid  }
0x8b: {  	s0 =	sand.u32 $0x1, s1  }
0x8c: {  	s16 =	sshll.u32 s0, $0xA;
	s2 =	sadd.s32 s3, s2  }
0x8d: {  	s2 =	sadd.s32 s2, s16  }
0x8e: {  	[smem:$0x3FB8] =	sst s2  }
0x8f: {  	_ = 	snop  }
0x90: {  	(tm) =	ssettm $0x1  }
0x91: {  	s17 =	sld [smem:$0x3FFB];
	_ =	sdelay $0x3  }
0x92: {  	_ =	strace s17  }
0x93: {  	s2 =	sld [smem:$0x3FFC];
	_ =	sdelay $0x3  }
0x94: {  	_ =	strace s2  }
0x95: {  	s2 =	sld [smem:$0x3FFD];
	_ =	sdelay $0x3  }
0x96: {  	_ =	strace s2  }
0x97: {  	_ =	strace $0x8FFFFFFF  }
0x98: {  	s18 =	sld [smem:$0x3FDB];
	_ =	sdelay $0x1  }
0x99: {  	s19 =	simm.s32 $_scs_section_size  }
0x9a: {  	s4 =	simm.s32 $_size__tile_overlayer_lowered;
	s5 =	simm.s32 $_tile_overlayer_lowered  }
0x9b: {  	s22 =	simm.s32 $0x1BFF;
	s21 =	sshll.u32 s5, $0x1;
	s2 =	sadd.s32 s19, s18  }
0x9c: {  	s6 =	simm.s32 $0x0;
	s20 =	sshll.u32 s4, $0x1;
	s4 =	sadd.s32 s21, s2  }
0x9d: {  	[timem:s6], [sflag:s22] =	dma.local [hbm:s4], s20  }
0x9e: {  	_ =	swait.ge [sflag:s22], s20  }
0x9f: {  	s3 =	ssub.s32 $0x0, s20;
	[sflag:s22] =	ssyncset.done $0x0  }
0xa0: {  	[sflag:s22] =	ssyncadd.s32 s3;
	_ =	sdelay $0x1  }
0xa1: {  	s23 =	simm.s32 $0x1B8B  }
0xa2: {  	_ =	swait.ge [sflag:s23], $0x1  }
0xa3: {  	[sflag:s23] =	ssyncset.done $0x0  }
0xa4: {  	s25 =	simm.s32 $0x1B8E;
	s24 =	sld [smem:$0x3FFE];
	[sflag:s23] =	ssyncadd.s32 $0xFFFFFFFF  }
0xa5: {  	s26 =	simm.s32 $execute0_lowered;
	[smem:$0x3FD2] =	sst s25  }
0xa6: {  	s4 =	sshll.u32 s26, $0x1;
	_ =	strace $0x80000046;
	[dreg:$0x1] =	wrdreg $0xFFFFFFFF  }
0xa7: {  	s28 =	simm.s32 $_size_execute0_lowered;
	s2 =	sadd.s32 s2, s4;
	[dreg:$0x0] =	wrdreg $0x0  }
0xa8: {  	s4 =	sshll.u32 s28, $0x1;
	[dreg:$0x2] =	wrdreg s2  }
0xa9: {  	[dreg:$0x3] =	wrdreg s4  }
0xaa: {  	[dreg:$0x4] =	wrdreg $0xC0  }
0xab: {  	_ =	task [dreg:s6], $0x5FFFF  }
0xac: {  	[dreg:$0x1] =	wrdreg $0xFFFFFFFF  }
0xad: {  	[dreg:$0x0] =	wrdreg $0x60  }
0xae: {  	[dreg:$0x2] =	wrdreg s24  }
0xaf: {  	[dreg:$0x3] =	wrdreg $0x9  }
0xb0: {  	_ =	task.clear_ibuf [dreg:s6], $0x4FFFF;
	_ =	strace $0x90000046  }
0xb1: {  	s29 =	simm.s32 $0x9;
	_ =	strace $0x80000048  }
0xb2: {  	_ =	swait.ge [sflag:s29], $0x1  }
0xb3: {  	[sflag:s29] =	ssyncadd.s32 $0xFFFFFFFF  }
0xb4: {  	_ =	strace $0x90000048  }
0xb5: {  	_ =	sfence  }
0xb6: {  	s30 =	sld [smem:$0x0];
	_ =	sdelay $0x2  }
0xb7: {  	s31 =	sshll.u32 s1, $0xD;
	s1 =	sshrl.u32 s1, $0x2  }
0xb8: {  	s3 =	sand.u32 $0x4000, s31;
	s1 =	sadd.s32 s1, s30  }
0xb9: {  	s0 =	sor.u32 s3, s0;
	s1 =	sshll.u32 s1, $0x11  }
0xba: {  	s0 =	sor.u32 s1, s0  }
0xbb: {  	s0 =	sadd.s32 $0x8F2B, s0  }
0xbc: {  	[sflag:s0] =	ssyncadd.remote.s32 $0x1  }
0xbd: {  	_ =	sfence.sel $0xFFFF  }
0xbe: {  	[dreg:$0x0] =	wrdreg $0xFFFFFFFF;
	(pc) =	sbr.abs _section_cstart, $3  }
0xbf: {  	[dreg:$0x1] =	wrdreg $0xFFFFFFFF  }
0xc0: {  	_ =	task.clear_ibuf [dreg:s6], $0x2FFFF;
	_ =	strace $0x9FFFFFFF  }
0xc1: {  	(tm) =	ssettm $0x7FFFFFFF  }
tec
execute0_lowered:
.L_overlay_start_1:
0x0: {  	(tag) =	ssettag $0x1  }
0x1: {  	v0 =	vimm.s32 $0xEFCDAB89;
	v1 =	vimm.s32 $0x67452301;
	v2 =	vimm.s32 $0xDCFE98BA  }
0x2: {  	v3 =	vimm.s32 $0x54761032;
	v4 =	vimm.s32 $0xFEDCBA98;
	v5 =	vimm.s32 $0x76543210  }
0x3: {  	v6 =	vimm.s32 $0xFEDCBA9;
	v0 =	vunpack.c.l.s4.s8 v0;
	v1 =	vunpack.c.l.s4.s8 v1  }
0x4: {  	s5 =	rddreg [dreg:$0x0];
	v7 =	vimm.s32 $0x87654321;
	v2 =	vunpack.c.l.s4.s8 v2;
	v3 =	vunpack.c.l.s4.s8 v3  }
0x5: {  	s2 =	srdreg.scid;
	s0 =	rddreg [dreg:$0x1];
	s1 =	simm.s32 $0x0;
	v4 =	vunpack.c.l.s4.s8 v4;
	v0 =	vunpack.c.0.s8.s32 v0;
	v1 =	vunpack.c.0.s8.s32 v1  }
0x6: {  	s10 =	simm.s32 $0x2000;
	s11 =	simm.s32 $0x1;
	s12 =	simm.s32 $0x2800;
	v5 =	vunpack.c.l.s4.s8 v5;
	v2 =	vunpack.c.0.s8.s32 v2;
	v3 =	vunpack.c.0.s8.s32 v3  }
0x7: {  	s13 =	simm.s32 $0x0;
	s3 =	sand.u32 $0x1, s2;
	[smem:$0x7FF] =	sst s1;
	v6 =	vunpack.c.l.s4.s8 v6;
	v7 =	vunpack.c.l.s4.s8 v7;
	v0 =	vcombine.low v1, v0  }
0x8: {  	s2 =	stileid.u32;
	s4 =	sshll.u32 s3, $0x4;
	_ =	strace $0x80000047;
	v1 =	vcombine.low v3, v2;
	v2 =	vimm.s32 $0xBA98FEDC;
	v3 =	vimm.s32 $0x32107654  }
.Ltmp0:
0x9: {  	s8 =	ssub.s32 $0x2, s3;
	s6 =	sor.u32 s2, s4;
	v4 =	vunpack.c.0.s8.s32 v4;
	v2 =	vunpack.c.l.s4.s8 v2;
	v3 =	vunpack.c.l.s4.s8 v3;
	(pc) =	sbr.rel .LBB2_1-.Ltmp0, $4  }
0xa: {  	s3 =	sadd.s32 $0x4600, s5;
	s9 =	sshrl.u32 s8, $0x1;
	v5 =	vunpack.c.0.s8.s32 v5;
	v6 =	vunpack.c.0.s8.s32 v6;
	v7 =	vunpack.c.0.s8.s32 v7;
	s7 =	smul.u32 $0x1400, s6  }
0xb: {  	s4 =	sadd.s32 $0xE600, s5;
	s8 =	ssub.s32 s8, s9;
	s31 =	smul.u32 $0xFFFFFEC0, s6;
	v4 =	vand.u32 $0xF, v4;
	v2 =	vunpack.c.0.s8.s32 v2;
	v3 =	vunpack.c.0.s8.s32 v3  }
0xc: {  	vm0 =	vmmov $0xffff;
	s9 =	simm.s32 $0x1000;
	v6 =	vcombine.low v7, v6;
	s7 =	sadd.s32 s7, s5;
	s5 =	sadd.s32 $0x18600, s5;
	v4 =	vcombine.low v4, v5  }
0xd: {  	v5 =	vimm.f32 $0.0e+00;
	s6 =	sadd.s32 $0x40600, s7;
	s7 =	smax.u32 s8, $0x1;
	s8 =	simm.s32 $0x2;
	v2 =	vcombine.low v3, v2;
	v3 =	vmov s31  }
.LBB2_11:
0xe: {  	s13 =	sadd.s32 $0x1, s13  }
0xf: {  	p0 =	sne.s32 s13, s7  }
.Ltmp1:
0x10: {  	_ = 	snop;
	(pc) =	sbr.rel @!p0 .LBB2_12-.Ltmp1, $4  }
0x11: {  	[hbm4b:s6+s1] =	stream.linear.scatter [tilespmem:s12], [sflag:$0x2], $0xA000, $0x38;
	[tilespmem:$0xCC00] =	vst v63  }
0x12: {  	_ =	swait.ge [sflag:s8], $0xA000  }
0x13: {  	[sflag:s8] =	ssyncset.done $0x0  }
0x14: {  	[sflag:s8] =	ssyncadd.s32 $0xFFFF6000  }
.LBB2_1:
0x15: {  	s15 =	simm.s32 $0x0;
	s14 =	simm.s32 $0x200  }
.LBB2_2:
0x16: {  	p0 =	sne.s32 s14, $0x28E00;
	[tilespmem:s15+$0x2870] =	vst v5  }
0x17: {  	[tilespmem:s15+$0x2800] =	vst v5  }
0x18: {  	[tilespmem:s15+$0x2810] =	vst v5  }
.Ltmp2:
0x19: {  	[tilespmem:s15+$0x2820] =	vst v5;
	(pc) =	sbr.rel @p0 .LBB2_2-.Ltmp2, $4  }
0x1a: {  	[tilespmem:s15+$0x2830] =	vst v5  }
0x1b: {  	[tilespmem:s15+$0x2840] =	vst v5  }
0x1c: {  	[tilespmem:s15+$0x2850] =	vst v5  }
0x1d: {  	[tilespmem:s15+$0x2860] =	vst v5;
	s15 =	sshra.s32 s14, $0x2;
	s14 =	sadd.s32 $0x200, s14  }
0x1e: {  	[tilespmem:s15+$0x2870] =	vst v5  }
0x1f: {  	[tilespmem:s15+$0x2800] =	vst v5  }
0x20: {  	[tilespmem:s15+$0x2810] =	vst v5  }
.Ltmp3:
0x21: {  	[tilespmem:s15+$0x2820] =	vst v5;
	(pc) =	sbr.rel .LBB2_4-.Ltmp3, $4  }
0x22: {  	[tilespmem:s15+$0x2830] =	vst v5  }
0x23: {  	[tilespmem:s15+$0x2840] =	vst v5  }
0x24: {  	[tilespmem:s15+$0x2850] =	vst v5  }
0x25: {  	s14 =	simm.s32 $0x0;
	[tilespmem:s15+$0x2860] =	vst v5;
	s15 =	simm.s32 $0x0  }
.LBB2_10:
0x26: {  	s15 =	sadd.s32 $0x1, s15  }
0x27: {  	p0 =	sne.s32 s15, $0x50  }
.Ltmp4:
0x28: {  	_ = 	snop;
	(pc) =	sbr.rel @!p0 .LBB2_11-.Ltmp4, $1  }
0x29: {  	_ =	sdelay $0x3  }
.LBB2_4:
0x2a: {  	s16 =	sshll.u32 s15, $0x9  }
0x2b: {  	s17 =	sadd.s32 s3, s16  }
0x2c: {  	[tilespmem:s14], [sflag:$0x2] =	stream.linear.gather [hbm4b:s17+s14], $0x1000, $0x38;
	[tilespmem:$0xCC00] =	vst v63  }
0x2d: {  	_ =	swait.ge [sflag:s8], $0x1000  }
0x2e: {  	[sflag:s8] =	ssyncset.done $0x0  }
.Ltmp5:
0x2f: {  	s16 =	sadd.s32 s4, s16;
	[sflag:s8] =	ssyncadd.s32 $0xFFFFF000;
	(pc) =	sbr.rel .LBB2_5-.Ltmp5, $4  }
0x30: {  	[tilespmem:s9], [sflag:$0x2] =	stream.linear.gather [hbm4b:s16+s14], $0x1000, $0x38;
	[tilespmem:$0xCC00] =	vst v63  }
0x31: {  	_ =	swait.ge [sflag:s8], $0x1000  }
0x32: {  	[sflag:s8] =	ssyncset.done $0x0  }
0x33: {  	s16 =	simm.s32 $0x0;
	[sflag:s8] =	ssyncadd.s32 $0xFFFFF000  }
.LBB2_8:
0x34: {  	v7 =	vld @!p0 [tilespmem:s17+$0x2050];
	_ =	sdelay $0x4  }
0x35: {  	[tilespmem:s18+$0x2850] =	vst.add.f32.msk @!p0 $0xffff, v7  }
0x36: {  	v7 =	vld @!p0 [tilespmem:s17+$0x2060];
	_ =	sdelay $0x4  }
0x37: {  	[tilespmem:s18+$0x2860] =	vst.add.f32.msk @!p0 $0xffff, v7  }
0x38: {  	v7 =	vld @!p0 [tilespmem:s17+$0x2070];
	_ =	sdelay $0x4  }
0x39: {  	[tilespmem:s18+$0x2870] =	vst.add.f32.msk @!p0 $0xffff, v7  }
.LBB2_9:
0x3a: {  	s16 =	sadd.s32 $0x1, s16  }
0x3b: {  	p0 =	sne.s32 s16, $0x100  }
.Ltmp6:
0x3c: {  	_ = 	snop;
	(pc) =	sbr.rel @!p0 .LBB2_10-.Ltmp6, $1  }
0x3d: {  	_ =	sdelay $0x3  }
.LBB2_5:
0x3e: {  	s17 =	sshll.u32 s16, $0x4  }
0x3f: {  	v7 =	vld [tilespmem:s17+$0x1000];
	_ =	sdelay $0x4  }
0x40: {  	v8 =	vadd.s32 v3, v7  }
0x41: {  	v7 =	vmin.u32 v8, $0x140  }
0x42: {  	v9 =	vperm.xlane v7, v0;
	_ =	sdelay $0x1  }
0x43: {  	vm1 =	vlt.s32 v7, v9  }
0x44: {  	v9 =	vsel vm1, v7, v9  }
0x45: {  	v10 =	vperm.xlane v9, v1;
	_ =	sdelay $0x1  }
0x46: {  	vm1 =	vlt.s32 v9, v10  }
0x47: {  	v9 =	vsel vm1, v9, v10  }
0x48: {  	v10 =	vperm.xlane v9, v2;
	_ =	sdelay $0x1  }
0x49: {  	vm1 =	vlt.s32 v9, v10  }
0x4a: {  	v9 =	vsel vm1, v9, v10  }
0x4b: {  	v10 =	vperm.xlane v9, v4;
	_ =	sdelay $0x1  }
0x4c: {  	vm1 =	vlt.s32 v9, v10  }
0x4d: {  	v9 =	vsel vm1, v9, v10  }
0x4e: {  	(v2sf) =	vpush v9, $0x0;
	_ =	sdelay $0xe  }
0x4f: {  	s18 =	spop (v2sf)  }
0x50: {  	p0 =	sgt.s32 s18, $0x13F  }
.Ltmp7:
0x51: {  	_ = 	snop;
	(pc) =	sbr.rel @p0 .LBB2_9-.Ltmp7, $1  }
0x52: {  	_ =	sdelay $0x3  }
0x53: {  	v9 =	vld [tilespmem:s17+$0x0];
	_ =	sdelay $0x3  }
0x54: {  	vm1 =	vlt.u32 v8, $0x140  }
0x55: {  	v8 =	vnsel vm1, $0x2710, v9;
	_ =	sdelay $0x3  }
0x56: {  	s31 =	simm.s32 $0x0  }
0x57: {  	[tilespmem:s10], [sflag:$0x1] =	stream.indirect_vreg.gather [hbm4b:s5+s31], $0x80, v8, vm0, $0xb8;
	[tilespmem:$0xCC00] =	vst v63  }
0x58: {  	_ =	swait.ge [sflag:s11], $0x800  }
0x59: {  	(v2sf) =	vpush v7, $0x0;
	_ =	sdelay $0xe  }
0x5a: {  	s18 =	spop (v2sf)  }
0x5b: {  	[sflag:s11] =	ssyncset.done $0x0;
	p0 =	sgt.s32 s18, $0x13F  }
0x5c: {  	[sflag:s11] =	ssyncadd.s32 $0xFFFFF800;
	s17 =	simm.s32 @!p0 $0x0;
	p0 =	por p0, p0  }
0x5d: {  	v8 =	vld @!p0 [tilespmem:s17+$0x2000];
	_ =	sdelay $0x2  }
0x5e: {  	s18 =	sshll.u32 @!p0 s18, $0x9  }
0x5f: {  	s18 =	sshra.s32 @!p0 s18, $0x2  }
0x60: {  	[tilespmem:s18+$0x2800] =	vst.add.f32.msk @!p0 $0xffff, v8  }
0x61: {  	v8 =	vld @!p0 [tilespmem:s17+$0x2010];
	_ =	sdelay $0x4  }
0x62: {  	[tilespmem:s18+$0x2810] =	vst.add.f32.msk @!p0 $0xffff, v8  }
0x63: {  	v8 =	vld @!p0 [tilespmem:s17+$0x2020];
	_ =	sdelay $0x4  }
0x64: {  	[tilespmem:s18+$0x2820] =	vst.add.f32.msk @!p0 $0xffff, v8  }
0x65: {  	v8 =	vld @!p0 [tilespmem:s17+$0x2030];
	_ =	sdelay $0x4  }
0x66: {  	[tilespmem:s18+$0x2830] =	vst.add.f32.msk @!p0 $0xffff, v8  }
0x67: {  	v8 =	vld @!p0 [tilespmem:s17+$0x2040];
	_ =	sdelay $0x3  }
0x68: {  	v7 =	vperm.xlane v7, v6  }
0x69: {  	s19 =	simm.s32 $0x200;
	[tilespmem:s18+$0x2840] =	vst.add.f32.msk @!p0 $0xffff, v8  }
.LBB2_7:
0x6a: {  	(v2sf) =	vpush v7, $0x0;
	v8 =	vld @!p0 [tilespmem:s17+$0x2050];
	s20 =	smov.u32 s19;
	s19 =	sadd.s32 $0x200, s19  }
0x6b: {  	p1 =	sne.s32 s19, $0x2000;
	_ =	sdelay $0x3  }
0x6c: {  	[tilespmem:s18+$0x2850] =	vst.add.f32.msk @!p0 $0xffff, v8  }
0x6d: {  	v8 =	vld @!p0 [tilespmem:s17+$0x2060];
	_ =	sdelay $0x4  }
0x6e: {  	[tilespmem:s18+$0x2860] =	vst.add.f32.msk @!p0 $0xffff, v8  }
0x6f: {  	v8 =	vld @!p0 [tilespmem:s17+$0x2070];
	_ =	sdelay $0x2  }
0x70: {  	s21 =	spop (v2sf)  }
0x71: {  	p2 =	sgt.s32 s21, $0x13F  }
0x72: {  	s17 =	sshra.s32 @!p2 s20, $0x2;
	[tilespmem:s18+$0x2870] =	vst.add.f32.msk @!p0 $0xffff, v8;
	p0 =	por p2, p2  }
0x73: {  	v8 =	vld @!p0 [tilespmem:s17+$0x2000];
	_ =	sdelay $0x2  }
0x74: {  	s18 =	sshll.u32 @!p0 s21, $0x9  }
0x75: {  	s18 =	sshra.s32 @!p0 s18, $0x2  }
0x76: {  	[tilespmem:s18+$0x2800] =	vst.add.f32.msk @!p0 $0xffff, v8  }
0x77: {  	v8 =	vld @!p0 [tilespmem:s17+$0x2010];
	_ =	sdelay $0x4  }
0x78: {  	[tilespmem:s18+$0x2810] =	vst.add.f32.msk @!p0 $0xffff, v8  }
0x79: {  	v8 =	vld @!p0 [tilespmem:s17+$0x2020];
	_ =	sdelay $0x4  }
0x7a: {  	[tilespmem:s18+$0x2820] =	vst.add.f32.msk @!p0 $0xffff, v8  }
0x7b: {  	v8 =	vld @!p0 [tilespmem:s17+$0x2030];
	_ =	sdelay $0x4  }
0x7c: {  	[tilespmem:s18+$0x2830] =	vst.add.f32.msk @!p0 $0xffff, v8  }
0x7d: {  	v8 =	vld @!p0 [tilespmem:s17+$0x2040]  }
.Ltmp8:
0x7e: {  	(pc) =	sbr.rel @p1 .LBB2_7-.Ltmp8, $3  }
0x7f: {  	_ =	sdelay $0x1  }
0x80: {  	v7 =	vperm.xlane v7, v6  }
0x81: {  	[tilespmem:s18+$0x2840] =	vst.add.f32.msk @!p0 $0xffff, v8  }
.Ltmp9:
0x82: {  	_ = 	snop;
	(pc) =	sbr.rel .LBB2_8-.Ltmp9, $1  }
0x83: {  	_ =	sdelay $0x3  }
.LBB2_12:
0x84: {  	_ =	sfence.sel $0x180000  }
0x85: {  	[bflag:$0x0] =	sbarrier.arrive $0xFFFF  }
0x86: {  	p0 =	sne.s32 s2, $0x0;
	_ =	strace $0x90000047  }
0x87: {  	s0 =	sadd.s32 @!p0 $0x100000, s0;
	[bflag:$0x2] =	sbarrier.arrive $0xFFFF  }
0x88: {  	[sflag:s0] =	ssyncadd.tile.s32 @!p0 $0x1;
	_ =	shalt  }
.Lfunc_end2:
_tile_overlayer_lowered:
.L_overlay_start_2:
0x89: {  	(tag) =	ssettag $0x2  }
0x8a: {  	s0 =	rddreg [dreg:$0x0];
	s2 =	stileid.u32  }
0x8b: {  	s1 =	rddreg [dreg:$0x1];
	p0 =	sne.s32 s2, $0x0  }
0x8c: {  	s3 =	rddreg [dreg:$0x2];
	[bflag:$0x3] =	sbarrier.arrive $0xFFFF;
	s2 =	simm.s32 @!p0 $0x1C02  }
0x8d: {  	[timem:s3], [sflag:s2] =	dma.local @!p0 [hbm:s0], s1  }
0x8e: {  	s0 =	simm.s32 @!p0 $0x2  }
0x8f: {  	_ =	swait.ge @!p0 [sflag:s0], s1  }
0x90: {  	s1 =	ssub.s32 @!p0 $0x0, s1;
	[sflag:s0] =	ssyncset.done @!p0 $0x0  }
0x91: {  	[sflag:s0] =	ssyncadd.s32 @!p0 s1  }
0x92: {  	[bflag:$0x3] =	sbarrier.arrive $0xFFFF  }
0x93: {  	_ =	shalt  }

// kernel: kernel.14.cloned.1.call-start
scs
__scs_entry_jumppad:
0x0: {  	(pc) =	sbr.rel $0x88, $3  }
0x1: {  	(tag) =	ssettag $0x0;
	lr =	simm.s32 $0x1  }
0x2: {  	[smem:$0x3F91] =	sst lr;
	_ =	strace $0xD0000000  }
0x3: {  	_ = 	snop  }
0x4: {  	_ = 	snop  }
0x5: {  	_ = 	snop  }
0x6: {  	_ = 	snop  }
0x7: {  	_ = 	snop  }
__scs_overlays_trampoline_lowered:
0x8: {  	[smem:$0x3FA0] =	sst s0  }
0x9: {  	[smem:$0x3FA1] =	sst s1  }
0xa: {  	[smem:$0x3FA2] =	sst s2  }
0xb: {  	[smem:$0x3FA3] =	sst s3  }
0xc: {  	[smem:$0x3FA4] =	sst s4  }
0xd: {  	[smem:$0x3FA5] =	sst s5  }
0xe: {  	[smem:$0x3FA6] =	sst s6  }
0xf: {  	[smem:$0x3FA7] =	sst s7  }
0x10: {  	[smem:$0x3FA8] =	sst s8  }
0x11: {  	[smem:$0x3FA9] =	sst s9;
	s0 =	simm.s32 @!p0 $0x0  }
0x12: {  	s1 =	sld [smem:$0x3F8F];
	s0 =	simm.s32 @p0 $0x1  }
0x13: {  	[smem:$0x3FAA] =	sst s0;
	s0 =	simm.s32 @!p1 $0x0  }
0x14: {  	s2 =	sld [smem:$0x3F8E];
	s0 =	simm.s32 @p1 $0x1  }
0x15: {  	[smem:$0x3FAB] =	sst s0;
	s0 =	simm.s32 @!p2 $0x0  }
0x16: {  	s3 =	sld [smem:$0x3FDB];
	s0 =	simm.s32 @p2 $0x1  }
0x17: {  	s4 =	simm.s32 $0x1BF5;
	[smem:$0x3FAD] =	sst s0  }
0x18: {  	s0 =	sld [smem:$0x3F90];
	_ =	swait.ge [sflag:s4], $0x0  }
0x19: {  	s7 =	sld [smem:$0x3F91]  }
0x1a: {  	s8 =	sadd.s32 $0xFFFFE003, lr  }
0x1b: {  	s9 =	sadd.s32 $0xFFFFFEF7, lr;
	s5 =	simm.s32 $0xFFFFFFFF;
	p2 =	slt.u32 s8, $0xFFFFF086  }
0x1c: {  	p1 =	slt.u32 s9, $0xF7A;
	s5 =	simm.s32 @!p2 $0x0  }
0x1d: {  	s5 =	simm.s32 @p1 $0x1;
	p0 =	seq.s32 s7, s2  }
0x1e: {  	s7 =	smul.u32 @!p0 $0xF7A, s2;
	p2 =	seq.s32 @!p0 s5, $0x0  }
0x1f: {  	s9 =	smul.u32 $0xF7A, s1;
	s8 =	simm.s32 @!p0 $0x1BF5;
	p2 =	por !p2, p0  }
0x20: {  	[sflag:s8] =	ssyncset.s32 @!p0 $0xFFFFF086;
	s6 =	sadd.s32 @!p0 s3, s7;
	s7 =	simm.s32 @!p0 $0x108  }
0x21: {  	s3 =	sadd.s32 s3, s9;
	s6 =	sadd.s32 @!p0 $0x88, s6;
	s7 =	simm.s32 @p2 $0x1082  }
0x22: {  	[simem:s7], [sflag:s8] =	dma.local @!p0 [hbm:s6], $0xF7A  }
0x23: {  	s9 =	sor.u32 $0xD0000000, s2;
	s6 =	simm.s32 $0x108;
	_ =	swait.ge @!p0 [sflag:s8], $0x0  }
0x24: {  	s3 =	sadd.s32 $0x88, s3;
	s6 =	simm.s32 @!p1 $0x1082;
	[sflag:s4] =	ssyncset.s32 $0xFFFFF086  }
0x25: {  	[simem:s6], [sflag:s4] =	dma.local [hbm:s3], $0xF7A  }
0x26: {  	[smem:$0x3F91] =	sst s1;
	(tag) =	ssettag s2;
	_ =	strace s9  }
0x27: {  	s1 =	sld [smem:$0x3FA1]  }
0x28: {  	s2 =	sld [smem:$0x3FA2]  }
0x29: {  	s4 =	sld [smem:$0x3FA4]  }
0x2a: {  	p0 =	seq.s32 s5, $0x0;
	s5 =	sld [smem:$0x3FA5]  }
0x2b: {  	s6 =	sld [smem:$0x3FA6]  }
0x2c: {  	s7 =	sld [smem:$0x3FA7]  }
0x2d: {  	s3 =	simm.s32 $0x108;
	s8 =	sld [smem:$0x3FA8]  }
0x2e: {  	s3 =	simm.s32 @!p0 $0x1082;
	s9 =	sld [smem:$0x3FA9]  }
0x2f: {  	lr =	sadd.s32 s0, s3;
	s0 =	sld [smem:$0x3FA0]  }
0x30: {  	s3 =	sld [smem:$0x3FA3]  }
0x31: {  	[smem:$0x3FAC] =	sst s10  }
0x32: {  	s10 =	sld [smem:$0x3FAA];
	_ =	sdelay $0x3  }
0x33: {  	p0 =	seq.s32 s10, $0x1;
	s10 =	sld [smem:$0x3FAC];
	_ =	sdelay $0x3  }
0x34: {  	[smem:$0x3FAC] =	sst s10  }
0x35: {  	s10 =	sld [smem:$0x3FAB];
	_ =	sdelay $0x3  }
0x36: {  	p1 =	seq.s32 s10, $0x1;
	s10 =	sld [smem:$0x3FAC];
	_ =	sdelay $0x3  }
0x37: {  	[smem:$0x3FAC] =	sst s10  }
0x38: {  	s10 =	sld [smem:$0x3FAD]  }
0x39: {  	_ = 	snop;
	(pc) =	sbr.ind lr, $3  }
0x3a: {  	_ = 	snop  }
0x3b: {  	_ = 	snop  }
0x3c: {  	p2 =	seq.s32 s10, $0x1;
	s10 =	sld [smem:$0x3FAC]  }
0x3d: {  	_ =	shalt  }
0x3e: {  	_ =	shalt  }
0x3f: {  	_ =	shalt  }
0x40: {  	_ =	shalt  }
0x41: {  	_ =	shalt  }
0x42: {  	_ =	shalt  }
0x43: {  	_ =	shalt  }
0x44: {  	_ =	shalt  }
0x45: {  	_ =	shalt  }
0x46: {  	_ =	shalt  }
0x47: {  	_ =	shalt  }
0x48: {  	_ =	shalt  }
0x49: {  	_ =	shalt  }
0x4a: {  	_ =	shalt  }
0x4b: {  	_ =	shalt  }
0x4c: {  	_ =	shalt  }
0x4d: {  	_ =	shalt  }
0x4e: {  	_ =	shalt  }
0x4f: {  	_ =	shalt  }
0x50: {  	_ =	shalt  }
0x51: {  	_ =	shalt  }
0x52: {  	_ =	shalt  }
0x53: {  	_ =	shalt  }
0x54: {  	_ =	shalt  }
0x55: {  	_ =	shalt  }
0x56: {  	_ =	shalt  }
0x57: {  	_ =	shalt  }
0x58: {  	_ =	shalt  }
0x59: {  	_ =	shalt  }
0x5a: {  	_ =	shalt  }
0x5b: {  	_ =	shalt  }
0x5c: {  	_ =	shalt  }
0x5d: {  	_ =	shalt  }
0x5e: {  	_ =	shalt  }
0x5f: {  	_ =	shalt  }
0x60: {  	_ =	shalt  }
0x61: {  	_ =	shalt  }
0x62: {  	_ =	shalt  }
0x63: {  	_ =	shalt  }
0x64: {  	_ =	shalt  }
0x65: {  	_ =	shalt  }
0x66: {  	_ =	shalt  }
0x67: {  	_ =	shalt  }
0x68: {  	_ =	shalt  }
0x69: {  	_ =	shalt  }
0x6a: {  	_ =	shalt  }
0x6b: {  	_ =	shalt  }
0x6c: {  	_ =	shalt  }
0x6d: {  	_ =	shalt  }
0x6e: {  	_ =	shalt  }
0x6f: {  	_ =	shalt  }
0x70: {  	_ =	shalt  }
0x71: {  	_ =	shalt  }
0x72: {  	_ =	shalt  }
0x73: {  	_ =	shalt  }
0x74: {  	_ =	shalt  }
0x75: {  	_ =	shalt  }
0x76: {  	_ =	shalt  }
0x77: {  	_ =	shalt  }
0x78: {  	_ =	shalt  }
0x79: {  	_ =	shalt  }
0x7a: {  	_ =	shalt  }
0x7b: {  	_ =	shalt  }
0x7c: {  	_ =	shalt  }
0x7d: {  	_ =	shalt  }
0x7e: {  	_ =	shalt  }
0x7f: {  	_ =	shalt  }
0x80: {  	_ =	shalt  }
0x81: {  	_ =	shalt  }
0x82: {  	_ =	shalt  }
0x83: {  	_ =	shalt  }
0x84: {  	_ =	shalt  }
0x85: {  	_ =	shalt  }
0x86: {  	_ =	shalt  }
0x87: {  	_ =	shalt  }
.Lfunc_end0:
.L_simem_size_0:
called_computation.1_lowered:
.L_overlay_start_0:
0x88: {  	s2 =	sld [smem:$0x3FD9]  }
0x89: {  	s3 =	sld [smem:$0x3FFE];
	_ =	sdelay $0x1  }
0x8a: {  	s1 =	srdreg.scid  }
0x8b: {  	s0 =	sand.u32 $0x1, s1  }
0x8c: {  	s16 =	sshll.u32 s0, $0xA;
	s2 =	sadd.s32 s3, s2  }
0x8d: {  	s2 =	sadd.s32 s2, s16  }
0x8e: {  	[smem:$0x3FB8] =	sst s2  }
0x8f: {  	_ = 	snop  }
0x90: {  	(tm) =	ssettm $0x1  }
0x91: {  	s17 =	sld [smem:$0x3FFB];
	_ =	sdelay $0x3  }
0x92: {  	_ =	strace s17  }
0x93: {  	s2 =	sld [smem:$0x3FFC];
	_ =	sdelay $0x3  }
0x94: {  	_ =	strace s2  }
0x95: {  	s2 =	sld [smem:$0x3FFD];
	_ =	sdelay $0x3  }
0x96: {  	_ =	strace s2  }
0x97: {  	_ =	strace $0x8FFFFFFF  }
0x98: {  	s18 =	sld [smem:$0x3FDB];
	_ =	sdelay $0x1  }
0x99: {  	s19 =	simm.s32 $_scs_section_size  }
0x9a: {  	s4 =	simm.s32 $_size__tile_overlayer_lowered;
	s5 =	simm.s32 $_tile_overlayer_lowered  }
0x9b: {  	s22 =	simm.s32 $0x1BFF;
	s21 =	sshll.u32 s5, $0x1;
	s2 =	sadd.s32 s19, s18  }
0x9c: {  	s6 =	simm.s32 $0x0;
	s20 =	sshll.u32 s4, $0x1;
	s4 =	sadd.s32 s21, s2  }
0x9d: {  	[timem:s6], [sflag:s22] =	dma.local [hbm:s4], s20  }
0x9e: {  	_ =	swait.ge [sflag:s22], s20  }
0x9f: {  	s3 =	ssub.s32 $0x0, s20;
	[sflag:s22] =	ssyncset.done $0x0  }
0xa0: {  	[sflag:s22] =	ssyncadd.s32 s3;
	_ =	sdelay $0x1  }
0xa1: {  	s23 =	simm.s32 $0x1B8B  }
0xa2: {  	_ =	swait.ge [sflag:s23], $0x1  }
0xa3: {  	[sflag:s23] =	ssyncset.done $0x0  }
0xa4: {  	s25 =	simm.s32 $0x1B8E;
	s24 =	sld [smem:$0x3FFE];
	[sflag:s23] =	ssyncadd.s32 $0xFFFFFFFF  }
0xa5: {  	s26 =	simm.s32 $execute0_lowered;
	[smem:$0x3FD2] =	sst s25  }
0xa6: {  	s4 =	sshll.u32 s26, $0x1;
	_ =	strace $0x80000049;
	[dreg:$0x1] =	wrdreg $0xFFFFFFFF  }
0xa7: {  	s28 =	simm.s32 $_size_execute0_lowered;
	s2 =	sadd.s32 s2, s4;
	[dreg:$0x0] =	wrdreg $0x0  }
0xa8: {  	s4 =	sshll.u32 s28, $0x1;
	[dreg:$0x2] =	wrdreg s2  }
0xa9: {  	[dreg:$0x3] =	wrdreg s4  }
0xaa: {  	[dreg:$0x4] =	wrdreg $0xC0  }
0xab: {  	_ =	task [dreg:s6], $0x5FFFF  }
0xac: {  	[dreg:$0x1] =	wrdreg $0xFFFFFFFF  }
0xad: {  	[dreg:$0x0] =	wrdreg $0x60  }
0xae: {  	[dreg:$0x2] =	wrdreg s24  }
0xaf: {  	[dreg:$0x3] =	wrdreg $0x9  }
0xb0: {  	_ =	task.clear_ibuf [dreg:s6], $0x4FFFF;
	_ =	strace $0x90000049  }
0xb1: {  	s29 =	simm.s32 $0x9;
	_ =	strace $0x8000004B  }
0xb2: {  	_ =	swait.ge [sflag:s29], $0x1  }
0xb3: {  	[sflag:s29] =	ssyncadd.s32 $0xFFFFFFFF  }
0xb4: {  	_ =	strace $0x9000004B  }
0xb5: {  	_ =	sfence  }
0xb6: {  	s30 =	sld [smem:$0x0];
	_ =	sdelay $0x2  }
0xb7: {  	s31 =	sshll.u32 s1, $0xD;
	s1 =	sshrl.u32 s1, $0x2  }
0xb8: {  	s3 =	sand.u32 $0x4000, s31;
	s1 =	sadd.s32 s1, s30  }
0xb9: {  	s0 =	sor.u32 s3, s0;
	s1 =	sshll.u32 s1, $0x11  }
0xba: {  	s0 =	sor.u32 s1, s0  }
0xbb: {  	s0 =	sadd.s32 $0x8F2B, s0  }
0xbc: {  	[sflag:s0] =	ssyncadd.remote.s32 $0x1  }
0xbd: {  	_ =	sfence.sel $0xFFFF  }
0xbe: {  	[dreg:$0x0] =	wrdreg $0xFFFFFFFF;
	(pc) =	sbr.abs _section_cstart, $3  }
0xbf: {  	[dreg:$0x1] =	wrdreg $0xFFFFFFFF  }
0xc0: {  	_ =	task.clear_ibuf [dreg:s6], $0x2FFFF;
	_ =	strace $0x9FFFFFFF  }
0xc1: {  	(tm) =	ssettm $0x7FFFFFFF  }
tec
execute0_lowered:
.L_overlay_start_1:
0x0: {  	(tag) =	ssettag $0x1  }
0x1: {  	v0 =	vimm.s32 $0xEFCDAB89;
	v1 =	vimm.s32 $0x67452301;
	v2 =	vimm.s32 $0xDCFE98BA  }
0x2: {  	v3 =	vimm.s32 $0x54761032;
	v4 =	vimm.s32 $0xFEDCBA98;
	v5 =	vimm.s32 $0x76543210  }
0x3: {  	v6 =	vimm.s32 $0xFEDCBA9;
	v0 =	vunpack.c.l.s4.s8 v0;
	v1 =	vunpack.c.l.s4.s8 v1  }
0x4: {  	s5 =	rddreg [dreg:$0x0];
	v7 =	vimm.s32 $0x87654321;
	v2 =	vunpack.c.l.s4.s8 v2;
	v3 =	vunpack.c.l.s4.s8 v3  }
0x5: {  	s2 =	srdreg.scid;
	s0 =	rddreg [dreg:$0x1];
	s1 =	simm.s32 $0x0;
	v4 =	vunpack.c.l.s4.s8 v4;
	v0 =	vunpack.c.0.s8.s32 v0;
	v1 =	vunpack.c.0.s8.s32 v1  }
0x6: {  	s10 =	simm.s32 $0x2000;
	s11 =	simm.s32 $0x1;
	s12 =	simm.s32 $0x2800;
	v5 =	vunpack.c.l.s4.s8 v5;
	v2 =	vunpack.c.0.s8.s32 v2;
	v3 =	vunpack.c.0.s8.s32 v3  }
0x7: {  	s13 =	simm.s32 $0x0;
	s3 =	sand.u32 $0x1, s2;
	[smem:$0x7FF] =	sst s1;
	v6 =	vunpack.c.l.s4.s8 v6;
	v7 =	vunpack.c.l.s4.s8 v7;
	v0 =	vcombine.low v1, v0  }
0x8: {  	s2 =	stileid.u32;
	s4 =	sshll.u32 s3, $0x4;
	_ =	strace $0x8000004A;
	v1 =	vcombine.low v3, v2;
	v2 =	vimm.s32 $0xBA98FEDC;
	v3 =	vimm.s32 $0x32107654  }
.Ltmp0:
0x9: {  	s8 =	ssub.s32 $0x2, s3;
	s6 =	sor.u32 s2, s4;
	v4 =	vunpack.c.0.s8.s32 v4;
	v2 =	vunpack.c.l.s4.s8 v2;
	v3 =	vunpack.c.l.s4.s8 v3;
	(pc) =	sbr.rel .LBB2_1-.Ltmp0, $4  }
0xa: {  	s3 =	sadd.s32 $0x4600, s5;
	s9 =	sshrl.u32 s8, $0x1;
	v5 =	vunpack.c.0.s8.s32 v5;
	v6 =	vunpack.c.0.s8.s32 v6;
	v7 =	vunpack.c.0.s8.s32 v7;
	s7 =	smul.u32 $0x1400, s6  }
0xb: {  	s4 =	sadd.s32 $0xE600, s5;
	s8 =	ssub.s32 s8, s9;
	s31 =	smul.u32 $0xFFFFFEC0, s6;
	v4 =	vand.u32 $0xF, v4;
	v2 =	vunpack.c.0.s8.s32 v2;
	v3 =	vunpack.c.0.s8.s32 v3  }
0xc: {  	vm0 =	vmmov $0xffff;
	s9 =	simm.s32 $0x1000;
	v6 =	vcombine.low v7, v6;
	s7 =	sadd.s32 s7, s5;
	s5 =	sadd.s32 $0x18600, s5;
	v4 =	vcombine.low v4, v5  }
0xd: {  	v5 =	vimm.f32 $0.0e+00;
	s6 =	sadd.s32 $0x40600, s7;
	s7 =	smax.u32 s8, $0x1;
	s8 =	simm.s32 $0x2;
	v2 =	vcombine.low v3, v2;
	v3 =	vmov s31  }
.LBB2_11:
0xe: {  	s13 =	sadd.s32 $0x1, s13  }
0xf: {  	p0 =	sne.s32 s13, s7  }
.Ltmp1:
0x10: {  	_ = 	snop;
	(pc) =	sbr.rel @!p0 .LBB2_12-.Ltmp1, $4  }
0x11: {  	[hbm4b:s6+s1] =	stream.linear.scatter [tilespmem:s12], [sflag:$0x2], $0xA000, $0x38;
	[tilespmem:$0xCC00] =	vst v63  }
0x12: {  	_ =	swait.ge [sflag:s8], $0xA000  }
0x13: {  	[sflag:s8] =	ssyncset.done $0x0  }
0x14: {  	[sflag:s8] =	ssyncadd.s32 $0xFFFF6000  }
.LBB2_1:
0x15: {  	s15 =	simm.s32 $0x0;
	s14 =	simm.s32 $0x200  }
.LBB2_2:
0x16: {  	p0 =	sne.s32 s14, $0x28E00;
	[tilespmem:s15+$0x2870] =	vst v5  }
0x17: {  	[tilespmem:s15+$0x2800] =	vst v5  }
0x18: {  	[tilespmem:s15+$0x2810] =	vst v5  }
.Ltmp2:
0x19: {  	[tilespmem:s15+$0x2820] =	vst v5;
	(pc) =	sbr.rel @p0 .LBB2_2-.Ltmp2, $4  }
0x1a: {  	[tilespmem:s15+$0x2830] =	vst v5  }
0x1b: {  	[tilespmem:s15+$0x2840] =	vst v5  }
0x1c: {  	[tilespmem:s15+$0x2850] =	vst v5  }
0x1d: {  	[tilespmem:s15+$0x2860] =	vst v5;
	s15 =	sshra.s32 s14, $0x2;
	s14 =	sadd.s32 $0x200, s14  }
0x1e: {  	[tilespmem:s15+$0x2870] =	vst v5  }
0x1f: {  	[tilespmem:s15+$0x2800] =	vst v5  }
0x20: {  	[tilespmem:s15+$0x2810] =	vst v5  }
.Ltmp3:
0x21: {  	[tilespmem:s15+$0x2820] =	vst v5;
	(pc) =	sbr.rel .LBB2_4-.Ltmp3, $4  }
0x22: {  	[tilespmem:s15+$0x2830] =	vst v5  }
0x23: {  	[tilespmem:s15+$0x2840] =	vst v5  }
0x24: {  	[tilespmem:s15+$0x2850] =	vst v5  }
0x25: {  	s14 =	simm.s32 $0x0;
	[tilespmem:s15+$0x2860] =	vst v5;
	s15 =	simm.s32 $0x0  }
.LBB2_10:
0x26: {  	s15 =	sadd.s32 $0x1, s15  }
0x27: {  	p0 =	sne.s32 s15, $0x50  }
.Ltmp4:
0x28: {  	_ = 	snop;
	(pc) =	sbr.rel @!p0 .LBB2_11-.Ltmp4, $1  }
0x29: {  	_ =	sdelay $0x3  }
.LBB2_4:
0x2a: {  	s16 =	sshll.u32 s15, $0x9  }
0x2b: {  	s17 =	sadd.s32 s3, s16  }
0x2c: {  	[tilespmem:s14], [sflag:$0x2] =	stream.linear.gather [hbm4b:s17+s14], $0x1000, $0x38;
	[tilespmem:$0xCC00] =	vst v63  }
0x2d: {  	_ =	swait.ge [sflag:s8], $0x1000  }
0x2e: {  	[sflag:s8] =	ssyncset.done $0x0  }
.Ltmp5:
0x2f: {  	s16 =	sadd.s32 s4, s16;
	[sflag:s8] =	ssyncadd.s32 $0xFFFFF000;
	(pc) =	sbr.rel .LBB2_5-.Ltmp5, $4  }
0x30: {  	[tilespmem:s9], [sflag:$0x2] =	stream.linear.gather [hbm4b:s16+s14], $0x1000, $0x38;
	[tilespmem:$0xCC00] =	vst v63  }
0x31: {  	_ =	swait.ge [sflag:s8], $0x1000  }
0x32: {  	[sflag:s8] =	ssyncset.done $0x0  }
0x33: {  	s16 =	simm.s32 $0x0;
	[sflag:s8] =	ssyncadd.s32 $0xFFFFF000  }
.LBB2_8:
0x34: {  	v7 =	vld @!p0 [tilespmem:s17+$0x2050];
	_ =	sdelay $0x4  }
0x35: {  	[tilespmem:s18+$0x2850] =	vst.add.f32.msk @!p0 $0xffff, v7  }
0x36: {  	v7 =	vld @!p0 [tilespmem:s17+$0x2060];
	_ =	sdelay $0x4  }
0x37: {  	[tilespmem:s18+$0x2860] =	vst.add.f32.msk @!p0 $0xffff, v7  }
0x38: {  	v7 =	vld @!p0 [tilespmem:s17+$0x2070];
	_ =	sdelay $0x4  }
0x39: {  	[tilespmem:s18+$0x2870] =	vst.add.f32.msk @!p0 $0xffff, v7  }
.LBB2_9:
0x3a: {  	s16 =	sadd.s32 $0x1, s16  }
0x3b: {  	p0 =	sne.s32 s16, $0x100  }
.Ltmp6:
0x3c: {  	_ = 	snop;
	(pc) =	sbr.rel @!p0 .LBB2_10-.Ltmp6, $1  }
0x3d: {  	_ =	sdelay $0x3  }
.LBB2_5:
0x3e: {  	s17 =	sshll.u32 s16, $0x4  }
0x3f: {  	v7 =	vld [tilespmem:s17+$0x1000];
	_ =	sdelay $0x4  }
0x40: {  	v8 =	vadd.s32 v3, v7  }
0x41: {  	v7 =	vmin.u32 v8, $0x140  }
0x42: {  	v9 =	vperm.xlane v7, v0;
	_ =	sdelay $0x1  }
0x43: {  	vm1 =	vlt.s32 v7, v9  }
0x44: {  	v9 =	vsel vm1, v7, v9  }
0x45: {  	v10 =	vperm.xlane v9, v1;
	_ =	sdelay $0x1  }
0x46: {  	vm1 =	vlt.s32 v9, v10  }
0x47: {  	v9 =	vsel vm1, v9, v10  }
0x48: {  	v10 =	vperm.xlane v9, v2;
	_ =	sdelay $0x1  }
0x49: {  	vm1 =	vlt.s32 v9, v10  }
0x4a: {  	v9 =	vsel vm1, v9, v10  }
0x4b: {  	v10 =	vperm.xlane v9, v4;
	_ =	sdelay $0x1  }
0x4c: {  	vm1 =	vlt.s32 v9, v10  }
0x4d: {  	v9 =	vsel vm1, v9, v10  }
0x4e: {  	(v2sf) =	vpush v9, $0x0;
	_ =	sdelay $0xe  }
0x4f: {  	s18 =	spop (v2sf)  }
0x50: {  	p0 =	sgt.s32 s18, $0x13F  }
.Ltmp7:
0x51: {  	_ = 	snop;
	(pc) =	sbr.rel @p0 .LBB2_9-.Ltmp7, $1  }
0x52: {  	_ =	sdelay $0x3  }
0x53: {  	v9 =	vld [tilespmem:s17+$0x0];
	_ =	sdelay $0x3  }
0x54: {  	vm1 =	vlt.u32 v8, $0x140  }
0x55: {  	v8 =	vnsel vm1, $0x2710, v9;
	_ =	sdelay $0x3  }
0x56: {  	s31 =	simm.s32 $0x0  }
0x57: {  	[tilespmem:s10], [sflag:$0x1] =	stream.indirect_vreg.gather [hbm4b:s5+s31], $0x80, v8, vm0, $0xb8;
	[tilespmem:$0xCC00] =	vst v63  }
0x58: {  	_ =	swait.ge [sflag:s11], $0x800  }
0x59: {  	(v2sf) =	vpush v7, $0x0;
	_ =	sdelay $0xe  }
0x5a: {  	s18 =	spop (v2sf)  }
0x5b: {  	[sflag:s11] =	ssyncset.done $0x0;
	p0 =	sgt.s32 s18, $0x13F  }
0x5c: {  	[sflag:s11] =	ssyncadd.s32 $0xFFFFF800;
	s17 =	simm.s32 @!p0 $0x0;
	p0 =	por p0, p0  }
0x5d: {  	v8 =	vld @!p0 [tilespmem:s17+$0x2000];
	_ =	sdelay $0x2  }
0x5e: {  	s18 =	sshll.u32 @!p0 s18, $0x9  }
0x5f: {  	s18 =	sshra.s32 @!p0 s18, $0x2  }
0x60: {  	[tilespmem:s18+$0x2800] =	vst.add.f32.msk @!p0 $0xffff, v8  }
0x61: {  	v8 =	vld @!p0 [tilespmem:s17+$0x2010];
	_ =	sdelay $0x4  }
0x62: {  	[tilespmem:s18+$0x2810] =	vst.add.f32.msk @!p0 $0xffff, v8  }
0x63: {  	v8 =	vld @!p0 [tilespmem:s17+$0x2020];
	_ =	sdelay $0x4  }
0x64: {  	[tilespmem:s18+$0x2820] =	vst.add.f32.msk @!p0 $0xffff, v8  }
0x65: {  	v8 =	vld @!p0 [tilespmem:s17+$0x2030];
	_ =	sdelay $0x4  }
0x66: {  	[tilespmem:s18+$0x2830] =	vst.add.f32.msk @!p0 $0xffff, v8  }
0x67: {  	v8 =	vld @!p0 [tilespmem:s17+$0x2040];
	_ =	sdelay $0x3  }
0x68: {  	v7 =	vperm.xlane v7, v6  }
0x69: {  	s19 =	simm.s32 $0x200;
	[tilespmem:s18+$0x2840] =	vst.add.f32.msk @!p0 $0xffff, v8  }
.LBB2_7:
0x6a: {  	(v2sf) =	vpush v7, $0x0;
	v8 =	vld @!p0 [tilespmem:s17+$0x2050];
	s20 =	smov.u32 s19;
	s19 =	sadd.s32 $0x200, s19  }
0x6b: {  	p1 =	sne.s32 s19, $0x2000;
	_ =	sdelay $0x3  }
0x6c: {  	[tilespmem:s18+$0x2850] =	vst.add.f32.msk @!p0 $0xffff, v8  }
0x6d: {  	v8 =	vld @!p0 [tilespmem:s17+$0x2060];
	_ =	sdelay $0x4  }
0x6e: {  	[tilespmem:s18+$0x2860] =	vst.add.f32.msk @!p0 $0xffff, v8  }
0x6f: {  	v8 =	vld @!p0 [tilespmem:s17+$0x2070];
	_ =	sdelay $0x2  }
0x70: {  	s21 =	spop (v2sf)  }
0x71: {  	p2 =	sgt.s32 s21, $0x13F  }
0x72: {  	s17 =	sshra.s32 @!p2 s20, $0x2;
	[tilespmem:s18+$0x2870] =	vst.add.f32.msk @!p0 $0xffff, v8;
	p0 =	por p2, p2  }
0x73: {  	v8 =	vld @!p0 [tilespmem:s17+$0x2000];
	_ =	sdelay $0x2  }
0x74: {  	s18 =	sshll.u32 @!p0 s21, $0x9  }
0x75: {  	s18 =	sshra.s32 @!p0 s18, $0x2  }
0x76: {  	[tilespmem:s18+$0x2800] =	vst.add.f32.msk @!p0 $0xffff, v8  }
0x77: {  	v8 =	vld @!p0 [tilespmem:s17+$0x2010];
	_ =	sdelay $0x4  }
0x78: {  	[tilespmem:s18+$0x2810] =	vst.add.f32.msk @!p0 $0xffff, v8  }
0x79: {  	v8 =	vld @!p0 [tilespmem:s17+$0x2020];
	_ =	sdelay $0x4  }
0x7a: {  	[tilespmem:s18+$0x2820] =	vst.add.f32.msk @!p0 $0xffff, v8  }
0x7b: {  	v8 =	vld @!p0 [tilespmem:s17+$0x2030];
	_ =	sdelay $0x4  }
0x7c: {  	[tilespmem:s18+$0x2830] =	vst.add.f32.msk @!p0 $0xffff, v8  }
0x7d: {  	v8 =	vld @!p0 [tilespmem:s17+$0x2040]  }
.Ltmp8:
0x7e: {  	(pc) =	sbr.rel @p1 .LBB2_7-.Ltmp8, $3  }
0x7f: {  	_ =	sdelay $0x1  }
0x80: {  	v7 =	vperm.xlane v7, v6  }
0x81: {  	[tilespmem:s18+$0x2840] =	vst.add.f32.msk @!p0 $0xffff, v8  }
.Ltmp9:
0x82: {  	_ = 	snop;
	(pc) =	sbr.rel .LBB2_8-.Ltmp9, $1  }
0x83: {  	_ =	sdelay $0x3  }
.LBB2_12:
0x84: {  	_ =	sfence.sel $0x180000  }
0x85: {  	[bflag:$0x0] =	sbarrier.arrive $0xFFFF  }
0x86: {  	p0 =	sne.s32 s2, $0x0;
	_ =	strace $0x9000004A  }
0x87: {  	s0 =	sadd.s32 @!p0 $0x100000, s0;
	[bflag:$0x2] =	sbarrier.arrive $0xFFFF  }
0x88: {  	[sflag:s0] =	ssyncadd.tile.s32 @!p0 $0x1;
	_ =	shalt  }
.Lfunc_end2:
_tile_overlayer_lowered:
.L_overlay_start_2:
0x89: {  	(tag) =	ssettag $0x2  }
0x8a: {  	s0 =	rddreg [dreg:$0x0];
	s2 =	stileid.u32  }
0x8b: {  	s1 =	rddreg [dreg:$0x1];
	p0 =	sne.s32 s2, $0x0  }
0x8c: {  	s3 =	rddreg [dreg:$0x2];
	[bflag:$0x3] =	sbarrier.arrive $0xFFFF;
	s2 =	simm.s32 @!p0 $0x1C02  }
0x8d: {  	[timem:s3], [sflag:s2] =	dma.local @!p0 [hbm:s0], s1  }
0x8e: {  	s0 =	simm.s32 @!p0 $0x2  }
0x8f: {  	_ =	swait.ge @!p0 [sflag:s0], s1  }
0x90: {  	s1 =	ssub.s32 @!p0 $0x0, s1;
	[sflag:s0] =	ssyncset.done @!p0 $0x0  }
0x91: {  	[sflag:s0] =	ssyncadd.s32 @!p0 s1  }
0x92: {  	[bflag:$0x3] =	sbarrier.arrive $0xFFFF  }
0x93: {  	_ =	shalt  }

// kernel: kernel.17.cloned.1.call-start
scs
__scs_entry_jumppad:
0x0: {  	(pc) =	sbr.rel $0x88, $3  }
0x1: {  	(tag) =	ssettag $0x0;
	lr =	simm.s32 $0x1  }
0x2: {  	[smem:$0x3F91] =	sst lr;
	_ =	strace $0xD0000000  }
0x3: {  	_ = 	snop  }
0x4: {  	_ = 	snop  }
0x5: {  	_ = 	snop  }
0x6: {  	_ = 	snop  }
0x7: {  	_ = 	snop  }
__scs_overlays_trampoline_lowered:
0x8: {  	[smem:$0x3FA0] =	sst s0  }
0x9: {  	[smem:$0x3FA1] =	sst s1  }
0xa: {  	[smem:$0x3FA2] =	sst s2  }
0xb: {  	[smem:$0x3FA3] =	sst s3  }
0xc: {  	[smem:$0x3FA4] =	sst s4  }
0xd: {  	[smem:$0x3FA5] =	sst s5  }
0xe: {  	[smem:$0x3FA6] =	sst s6  }
0xf: {  	[smem:$0x3FA7] =	sst s7  }
0x10: {  	[smem:$0x3FA8] =	sst s8  }
0x11: {  	[smem:$0x3FA9] =	sst s9;
	s0 =	simm.s32 @!p0 $0x0  }
0x12: {  	s1 =	sld [smem:$0x3F8F];
	s0 =	simm.s32 @p0 $0x1  }
0x13: {  	[smem:$0x3FAA] =	sst s0;
	s0 =	simm.s32 @!p1 $0x0  }
0x14: {  	s2 =	sld [smem:$0x3F8E];
	s0 =	simm.s32 @p1 $0x1  }
0x15: {  	[smem:$0x3FAB] =	sst s0;
	s0 =	simm.s32 @!p2 $0x0  }
0x16: {  	s3 =	sld [smem:$0x3FDB];
	s0 =	simm.s32 @p2 $0x1  }
0x17: {  	s4 =	simm.s32 $0x1BF5;
	[smem:$0x3FAD] =	sst s0  }
0x18: {  	s0 =	sld [smem:$0x3F90];
	_ =	swait.ge [sflag:s4], $0x0  }
0x19: {  	s7 =	sld [smem:$0x3F91]  }
0x1a: {  	s8 =	sadd.s32 $0xFFFFE003, lr  }
0x1b: {  	s9 =	sadd.s32 $0xFFFFFEF7, lr;
	s5 =	simm.s32 $0xFFFFFFFF;
	p2 =	slt.u32 s8, $0xFFFFF086  }
0x1c: {  	p1 =	slt.u32 s9, $0xF7A;
	s5 =	simm.s32 @!p2 $0x0  }
0x1d: {  	s5 =	simm.s32 @p1 $0x1;
	p0 =	seq.s32 s7, s2  }
0x1e: {  	s7 =	smul.u32 @!p0 $0xF7A, s2;
	p2 =	seq.s32 @!p0 s5, $0x0  }
0x1f: {  	s9 =	smul.u32 $0xF7A, s1;
	s8 =	simm.s32 @!p0 $0x1BF5;
	p2 =	por !p2, p0  }
0x20: {  	[sflag:s8] =	ssyncset.s32 @!p0 $0xFFFFF086;
	s6 =	sadd.s32 @!p0 s3, s7;
	s7 =	simm.s32 @!p0 $0x108  }
0x21: {  	s3 =	sadd.s32 s3, s9;
	s6 =	sadd.s32 @!p0 $0x88, s6;
	s7 =	simm.s32 @p2 $0x1082  }
0x22: {  	[simem:s7], [sflag:s8] =	dma.local @!p0 [hbm:s6], $0xF7A  }
0x23: {  	s9 =	sor.u32 $0xD0000000, s2;
	s6 =	simm.s32 $0x108;
	_ =	swait.ge @!p0 [sflag:s8], $0x0  }
0x24: {  	s3 =	sadd.s32 $0x88, s3;
	s6 =	simm.s32 @!p1 $0x1082;
	[sflag:s4] =	ssyncset.s32 $0xFFFFF086  }
0x25: {  	[simem:s6], [sflag:s4] =	dma.local [hbm:s3], $0xF7A  }
0x26: {  	[smem:$0x3F91] =	sst s1;
	(tag) =	ssettag s2;
	_ =	strace s9  }
0x27: {  	s1 =	sld [smem:$0x3FA1]  }
0x28: {  	s2 =	sld [smem:$0x3FA2]  }
0x29: {  	s4 =	sld [smem:$0x3FA4]  }
0x2a: {  	p0 =	seq.s32 s5, $0x0;
	s5 =	sld [smem:$0x3FA5]  }
0x2b: {  	s6 =	sld [smem:$0x3FA6]  }
0x2c: {  	s7 =	sld [smem:$0x3FA7]  }
0x2d: {  	s3 =	simm.s32 $0x108;
	s8 =	sld [smem:$0x3FA8]  }
0x2e: {  	s3 =	simm.s32 @!p0 $0x1082;
	s9 =	sld [smem:$0x3FA9]  }
0x2f: {  	lr =	sadd.s32 s0, s3;
	s0 =	sld [smem:$0x3FA0]  }
0x30: {  	s3 =	sld [smem:$0x3FA3]  }
0x31: {  	[smem:$0x3FAC] =	sst s10  }
0x32: {  	s10 =	sld [smem:$0x3FAA];
	_ =	sdelay $0x3  }
0x33: {  	p0 =	seq.s32 s10, $0x1;
	s10 =	sld [smem:$0x3FAC];
	_ =	sdelay $0x3  }
0x34: {  	[smem:$0x3FAC] =	sst s10  }
0x35: {  	s10 =	sld [smem:$0x3FAB];
	_ =	sdelay $0x3  }
0x36: {  	p1 =	seq.s32 s10, $0x1;
	s10 =	sld [smem:$0x3FAC];
	_ =	sdelay $0x3  }
0x37: {  	[smem:$0x3FAC] =	sst s10  }
0x38: {  	s10 =	sld [smem:$0x3FAD]  }
0x39: {  	_ = 	snop;
	(pc) =	sbr.ind lr, $3  }
0x3a: {  	_ = 	snop  }
0x3b: {  	_ = 	snop  }
0x3c: {  	p2 =	seq.s32 s10, $0x1;
	s10 =	sld [smem:$0x3FAC]  }
0x3d: {  	_ =	shalt  }
0x3e: {  	_ =	shalt  }
0x3f: {  	_ =	shalt  }
0x40: {  	_ =	shalt  }
0x41: {  	_ =	shalt  }
0x42: {  	_ =	shalt  }
0x43: {  	_ =	shalt  }
0x44: {  	_ =	shalt  }
0x45: {  	_ =	shalt  }
0x46: {  	_ =	shalt  }
0x47: {  	_ =	shalt  }
0x48: {  	_ =	shalt  }
0x49: {  	_ =	shalt  }
0x4a: {  	_ =	shalt  }
0x4b: {  	_ =	shalt  }
0x4c: {  	_ =	shalt  }
0x4d: {  	_ =	shalt  }
0x4e: {  	_ =	shalt  }
0x4f: {  	_ =	shalt  }
0x50: {  	_ =	shalt  }
0x51: {  	_ =	shalt  }
0x52: {  	_ =	shalt  }
0x53: {  	_ =	shalt  }
0x54: {  	_ =	shalt  }
0x55: {  	_ =	shalt  }
0x56: {  	_ =	shalt  }
0x57: {  	_ =	shalt  }
0x58: {  	_ =	shalt  }
0x59: {  	_ =	shalt  }
0x5a: {  	_ =	shalt  }
0x5b: {  	_ =	shalt  }
0x5c: {  	_ =	shalt  }
0x5d: {  	_ =	shalt  }
0x5e: {  	_ =	shalt  }
0x5f: {  	_ =	shalt  }
0x60: {  	_ =	shalt  }
0x61: {  	_ =	shalt  }
0x62: {  	_ =	shalt  }
0x63: {  	_ =	shalt  }
0x64: {  	_ =	shalt  }
0x65: {  	_ =	shalt  }
0x66: {  	_ =	shalt  }
0x67: {  	_ =	shalt  }
0x68: {  	_ =	shalt  }
0x69: {  	_ =	shalt  }
0x6a: {  	_ =	shalt  }
0x6b: {  	_ =	shalt  }
0x6c: {  	_ =	shalt  }
0x6d: {  	_ =	shalt  }
0x6e: {  	_ =	shalt  }
0x6f: {  	_ =	shalt  }
0x70: {  	_ =	shalt  }
0x71: {  	_ =	shalt  }
0x72: {  	_ =	shalt  }
0x73: {  	_ =	shalt  }
0x74: {  	_ =	shalt  }
0x75: {  	_ =	shalt  }
0x76: {  	_ =	shalt  }
0x77: {  	_ =	shalt  }
0x78: {  	_ =	shalt  }
0x79: {  	_ =	shalt  }
0x7a: {  	_ =	shalt  }
0x7b: {  	_ =	shalt  }
0x7c: {  	_ =	shalt  }
0x7d: {  	_ =	shalt  }
0x7e: {  	_ =	shalt  }
0x7f: {  	_ =	shalt  }
0x80: {  	_ =	shalt  }
0x81: {  	_ =	shalt  }
0x82: {  	_ =	shalt  }
0x83: {  	_ =	shalt  }
0x84: {  	_ =	shalt  }
0x85: {  	_ =	shalt  }
0x86: {  	_ =	shalt  }
0x87: {  	_ =	shalt  }
.Lfunc_end0:
.L_simem_size_0:
called_computation.2_lowered:
.L_overlay_start_0:
0x88: {  	s2 =	sld [smem:$0x3FD9]  }
0x89: {  	s3 =	sld [smem:$0x3FFE];
	_ =	sdelay $0x1  }
0x8a: {  	s1 =	srdreg.scid  }
0x8b: {  	s0 =	sand.u32 $0x1, s1  }
0x8c: {  	s16 =	sshll.u32 s0, $0xA;
	s2 =	sadd.s32 s3, s2  }
0x8d: {  	s2 =	sadd.s32 s2, s16  }
0x8e: {  	[smem:$0x3FB8] =	sst s2  }
0x8f: {  	_ = 	snop  }
0x90: {  	(tm) =	ssettm $0x1  }
0x91: {  	s17 =	sld [smem:$0x3FFB];
	_ =	sdelay $0x3  }
0x92: {  	_ =	strace s17  }
0x93: {  	s2 =	sld [smem:$0x3FFC];
	_ =	sdelay $0x3  }
0x94: {  	_ =	strace s2  }
0x95: {  	s2 =	sld [smem:$0x3FFD];
	_ =	sdelay $0x3  }
0x96: {  	_ =	strace s2  }
0x97: {  	_ =	strace $0x8FFFFFFF  }
0x98: {  	s18 =	sld [smem:$0x3FDB];
	_ =	sdelay $0x1  }
0x99: {  	s19 =	simm.s32 $_scs_section_size  }
0x9a: {  	s4 =	simm.s32 $_size__tile_overlayer_lowered;
	s5 =	simm.s32 $_tile_overlayer_lowered  }
0x9b: {  	s22 =	simm.s32 $0x1BFF;
	s21 =	sshll.u32 s5, $0x1;
	s2 =	sadd.s32 s19, s18  }
0x9c: {  	s6 =	simm.s32 $0x0;
	s20 =	sshll.u32 s4, $0x1;
	s4 =	sadd.s32 s21, s2  }
0x9d: {  	[timem:s6], [sflag:s22] =	dma.local [hbm:s4], s20  }
0x9e: {  	_ =	swait.ge [sflag:s22], s20  }
0x9f: {  	s3 =	ssub.s32 $0x0, s20;
	[sflag:s22] =	ssyncset.done $0x0  }
0xa0: {  	[sflag:s22] =	ssyncadd.s32 s3;
	_ =	sdelay $0x1  }
0xa1: {  	s23 =	simm.s32 $0x1B8B  }
0xa2: {  	_ =	swait.ge [sflag:s23], $0x1  }
0xa3: {  	[sflag:s23] =	ssyncset.done $0x0  }
0xa4: {  	s25 =	simm.s32 $0x1B8E;
	s24 =	sld [smem:$0x3FFE];
	[sflag:s23] =	ssyncadd.s32 $0xFFFFFFFF  }
0xa5: {  	s26 =	simm.s32 $execute0_lowered;
	[smem:$0x3FD2] =	sst s25  }
0xa6: {  	s4 =	sshll.u32 s26, $0x1;
	_ =	strace $0x8000004C;
	[dreg:$0x1] =	wrdreg $0xFFFFFFFF  }
0xa7: {  	s28 =	simm.s32 $_size_execute0_lowered;
	s2 =	sadd.s32 s2, s4;
	[dreg:$0x0] =	wrdreg $0x0  }
0xa8: {  	s4 =	sshll.u32 s28, $0x1;
	[dreg:$0x2] =	wrdreg s2  }
0xa9: {  	[dreg:$0x3] =	wrdreg s4  }
0xaa: {  	[dreg:$0x4] =	wrdreg $0xC0  }
0xab: {  	_ =	task [dreg:s6], $0x5FFFF  }
0xac: {  	[dreg:$0x1] =	wrdreg $0xFFFFFFFF  }
0xad: {  	[dreg:$0x0] =	wrdreg $0x60  }
0xae: {  	[dreg:$0x2] =	wrdreg s24  }
0xaf: {  	[dreg:$0x3] =	wrdreg $0x9  }
0xb0: {  	_ =	task.clear_ibuf [dreg:s6], $0x4FFFF;
	_ =	strace $0x9000004C  }
0xb1: {  	s29 =	simm.s32 $0x9;
	_ =	strace $0x8000004E  }
0xb2: {  	_ =	swait.ge [sflag:s29], $0x1  }
0xb3: {  	[sflag:s29] =	ssyncadd.s32 $0xFFFFFFFF  }
0xb4: {  	_ =	strace $0x9000004E  }
0xb5: {  	_ =	sfence  }
0xb6: {  	s30 =	sld [smem:$0x0];
	_ =	sdelay $0x2  }
0xb7: {  	s31 =	sshll.u32 s1, $0xD;
	s1 =	sshrl.u32 s1, $0x2  }
0xb8: {  	s3 =	sand.u32 $0x4000, s31;
	s1 =	sadd.s32 s1, s30  }
0xb9: {  	s0 =	sor.u32 s3, s0;
	s1 =	sshll.u32 s1, $0x11  }
0xba: {  	s0 =	sor.u32 s1, s0  }
0xbb: {  	s0 =	sadd.s32 $0x8F2B, s0  }
0xbc: {  	[sflag:s0] =	ssyncadd.remote.s32 $0x1  }
0xbd: {  	_ =	sfence.sel $0xFFFF  }
0xbe: {  	[dreg:$0x0] =	wrdreg $0xFFFFFFFF;
	(pc) =	sbr.abs _section_cstart, $3  }
0xbf: {  	[dreg:$0x1] =	wrdreg $0xFFFFFFFF  }
0xc0: {  	_ =	task.clear_ibuf [dreg:s6], $0x2FFFF;
	_ =	strace $0x9FFFFFFF  }
0xc1: {  	(tm) =	ssettm $0x7FFFFFFF  }
tec
execute0_lowered:
.L_overlay_start_1:
0x0: {  	(tag) =	ssettag $0x1  }
0x1: {  	v0 =	vimm.s32 $0xEFCDAB89;
	v1 =	vimm.s32 $0x67452301;
	v2 =	vimm.s32 $0xDCFE98BA  }
0x2: {  	v3 =	vimm.s32 $0x54761032;
	v4 =	vimm.s32 $0xFEDCBA98;
	v5 =	vimm.s32 $0x76543210  }
0x3: {  	v6 =	vimm.s32 $0xFEDCBA9;
	v0 =	vunpack.c.l.s4.s8 v0;
	v1 =	vunpack.c.l.s4.s8 v1  }
0x4: {  	s5 =	rddreg [dreg:$0x0];
	v7 =	vimm.s32 $0x87654321;
	v2 =	vunpack.c.l.s4.s8 v2;
	v3 =	vunpack.c.l.s4.s8 v3  }
0x5: {  	s2 =	srdreg.scid;
	s0 =	rddreg [dreg:$0x1];
	s1 =	simm.s32 $0x0;
	v4 =	vunpack.c.l.s4.s8 v4;
	v0 =	vunpack.c.0.s8.s32 v0;
	v1 =	vunpack.c.0.s8.s32 v1  }
0x6: {  	s10 =	simm.s32 $0x2000;
	s11 =	simm.s32 $0x1;
	s12 =	simm.s32 $0x2800;
	v5 =	vunpack.c.l.s4.s8 v5;
	v2 =	vunpack.c.0.s8.s32 v2;
	v3 =	vunpack.c.0.s8.s32 v3  }
0x7: {  	s13 =	simm.s32 $0x0;
	s3 =	sand.u32 $0x1, s2;
	[smem:$0x7FF] =	sst s1;
	v6 =	vunpack.c.l.s4.s8 v6;
	v7 =	vunpack.c.l.s4.s8 v7;
	v0 =	vcombine.low v1, v0  }
0x8: {  	s2 =	stileid.u32;
	s4 =	sshll.u32 s3, $0x4;
	_ =	strace $0x8000004D;
	v1 =	vcombine.low v3, v2;
	v2 =	vimm.s32 $0xBA98FEDC;
	v3 =	vimm.s32 $0x32107654  }
.Ltmp0:
0x9: {  	s8 =	ssub.s32 $0x2, s3;
	s6 =	sor.u32 s2, s4;
	v4 =	vunpack.c.0.s8.s32 v4;
	v2 =	vunpack.c.l.s4.s8 v2;
	v3 =	vunpack.c.l.s4.s8 v3;
	(pc) =	sbr.rel .LBB2_1-.Ltmp0, $4  }
0xa: {  	s3 =	sadd.s32 $0x4600, s5;
	s9 =	sshrl.u32 s8, $0x1;
	v5 =	vunpack.c.0.s8.s32 v5;
	v6 =	vunpack.c.0.s8.s32 v6;
	v7 =	vunpack.c.0.s8.s32 v7;
	s7 =	smul.u32 $0x1400, s6  }
0xb: {  	s4 =	sadd.s32 $0xE600, s5;
	s8 =	ssub.s32 s8, s9;
	s31 =	smul.u32 $0xFFFFFEC0, s6;
	v4 =	vand.u32 $0xF, v4;
	v2 =	vunpack.c.0.s8.s32 v2;
	v3 =	vunpack.c.0.s8.s32 v3  }
0xc: {  	vm0 =	vmmov $0xffff;
	s9 =	simm.s32 $0x1000;
	v6 =	vcombine.low v7, v6;
	s7 =	sadd.s32 s7, s5;
	s5 =	sadd.s32 $0x18600, s5;
	v4 =	vcombine.low v4, v5  }
0xd: {  	v5 =	vimm.f32 $0.0e+00;
	s6 =	sadd.s32 $0x40600, s7;
	s7 =	smax.u32 s8, $0x1;
	s8 =	simm.s32 $0x2;
	v2 =	vcombine.low v3, v2;
	v3 =	vmov s31  }
.LBB2_11:
0xe: {  	s13 =	sadd.s32 $0x1, s13  }
0xf: {  	p0 =	sne.s32 s13, s7  }
.Ltmp1:
0x10: {  	_ = 	snop;
	(pc) =	sbr.rel @!p0 .LBB2_12-.Ltmp1, $4  }
0x11: {  	[hbm4b:s6+s1] =	stream.linear.scatter [tilespmem:s12], [sflag:$0x2], $0xA000, $0x38;
	[tilespmem:$0xCC00] =	vst v63  }
0x12: {  	_ =	swait.ge [sflag:s8], $0xA000  }
0x13: {  	[sflag:s8] =	ssyncset.done $0x0  }
0x14: {  	[sflag:s8] =	ssyncadd.s32 $0xFFFF6000  }
.LBB2_1:
0x15: {  	s15 =	simm.s32 $0x0;
	s14 =	simm.s32 $0x200  }
.LBB2_2:
0x16: {  	p0 =	sne.s32 s14, $0x28E00;
	[tilespmem:s15+$0x2870] =	vst v5  }
0x17: {  	[tilespmem:s15+$0x2800] =	vst v5  }
0x18: {  	[tilespmem:s15+$0x2810] =	vst v5  }
.Ltmp2:
0x19: {  	[tilespmem:s15+$0x2820] =	vst v5;
	(pc) =	sbr.rel @p0 .LBB2_2-.Ltmp2, $4  }
0x1a: {  	[tilespmem:s15+$0x2830] =	vst v5  }
0x1b: {  	[tilespmem:s15+$0x2840] =	vst v5  }
0x1c: {  	[tilespmem:s15+$0x2850] =	vst v5  }
0x1d: {  	[tilespmem:s15+$0x2860] =	vst v5;
	s15 =	sshra.s32 s14, $0x2;
	s14 =	sadd.s32 $0x200, s14  }
0x1e: {  	[tilespmem:s15+$0x2870] =	vst v5  }
0x1f: {  	[tilespmem:s15+$0x2800] =	vst v5  }
0x20: {  	[tilespmem:s15+$0x2810] =	vst v5  }
.Ltmp3:
0x21: {  	[tilespmem:s15+$0x2820] =	vst v5;
	(pc) =	sbr.rel .LBB2_4-.Ltmp3, $4  }
0x22: {  	[tilespmem:s15+$0x2830] =	vst v5  }
0x23: {  	[tilespmem:s15+$0x2840] =	vst v5  }
0x24: {  	[tilespmem:s15+$0x2850] =	vst v5  }
0x25: {  	s14 =	simm.s32 $0x0;
	[tilespmem:s15+$0x2860] =	vst v5;
	s15 =	simm.s32 $0x0  }
.LBB2_10:
0x26: {  	s15 =	sadd.s32 $0x1, s15  }
0x27: {  	p0 =	sne.s32 s15, $0x50  }
.Ltmp4:
0x28: {  	_ = 	snop;
	(pc) =	sbr.rel @!p0 .LBB2_11-.Ltmp4, $1  }
0x29: {  	_ =	sdelay $0x3  }
.LBB2_4:
0x2a: {  	s16 =	sshll.u32 s15, $0x9  }
0x2b: {  	s17 =	sadd.s32 s3, s16  }
0x2c: {  	[tilespmem:s14], [sflag:$0x2] =	stream.linear.gather [hbm4b:s17+s14], $0x1000, $0x38;
	[tilespmem:$0xCC00] =	vst v63  }
0x2d: {  	_ =	swait.ge [sflag:s8], $0x1000  }
0x2e: {  	[sflag:s8] =	ssyncset.done $0x0  }
.Ltmp5:
0x2f: {  	s16 =	sadd.s32 s4, s16;
	[sflag:s8] =	ssyncadd.s32 $0xFFFFF000;
	(pc) =	sbr.rel .LBB2_5-.Ltmp5, $4  }
0x30: {  	[tilespmem:s9], [sflag:$0x2] =	stream.linear.gather [hbm4b:s16+s14], $0x1000, $0x38;
	[tilespmem:$0xCC00] =	vst v63  }
0x31: {  	_ =	swait.ge [sflag:s8], $0x1000  }
0x32: {  	[sflag:s8] =	ssyncset.done $0x0  }
0x33: {  	s16 =	simm.s32 $0x0;
	[sflag:s8] =	ssyncadd.s32 $0xFFFFF000  }
.LBB2_8:
0x34: {  	v7 =	vld @!p0 [tilespmem:s17+$0x2050];
	_ =	sdelay $0x4  }
0x35: {  	[tilespmem:s18+$0x2850] =	vst.add.f32.msk @!p0 $0xffff, v7  }
0x36: {  	v7 =	vld @!p0 [tilespmem:s17+$0x2060];
	_ =	sdelay $0x4  }
0x37: {  	[tilespmem:s18+$0x2860] =	vst.add.f32.msk @!p0 $0xffff, v7  }
0x38: {  	v7 =	vld @!p0 [tilespmem:s17+$0x2070];
	_ =	sdelay $0x4  }
0x39: {  	[tilespmem:s18+$0x2870] =	vst.add.f32.msk @!p0 $0xffff, v7  }
.LBB2_9:
0x3a: {  	s16 =	sadd.s32 $0x1, s16  }
0x3b: {  	p0 =	sne.s32 s16, $0x100  }
.Ltmp6:
0x3c: {  	_ = 	snop;
	(pc) =	sbr.rel @!p0 .LBB2_10-.Ltmp6, $1  }
0x3d: {  	_ =	sdelay $0x3  }
.LBB2_5:
0x3e: {  	s17 =	sshll.u32 s16, $0x4  }
0x3f: {  	v7 =	vld [tilespmem:s17+$0x1000];
	_ =	sdelay $0x4  }
0x40: {  	v8 =	vadd.s32 v3, v7  }
0x41: {  	v7 =	vmin.u32 v8, $0x140  }
0x42: {  	v9 =	vperm.xlane v7, v0;
	_ =	sdelay $0x1  }
0x43: {  	vm1 =	vlt.s32 v7, v9  }
0x44: {  	v9 =	vsel vm1, v7, v9  }
0x45: {  	v10 =	vperm.xlane v9, v1;
	_ =	sdelay $0x1  }
0x46: {  	vm1 =	vlt.s32 v9, v10  }
0x47: {  	v9 =	vsel vm1, v9, v10  }
0x48: {  	v10 =	vperm.xlane v9, v2;
	_ =	sdelay $0x1  }
0x49: {  	vm1 =	vlt.s32 v9, v10  }
0x4a: {  	v9 =	vsel vm1, v9, v10  }
0x4b: {  	v10 =	vperm.xlane v9, v4;
	_ =	sdelay $0x1  }
0x4c: {  	vm1 =	vlt.s32 v9, v10  }
0x4d: {  	v9 =	vsel vm1, v9, v10  }
0x4e: {  	(v2sf) =	vpush v9, $0x0;
	_ =	sdelay $0xe  }
0x4f: {  	s18 =	spop (v2sf)  }
0x50: {  	p0 =	sgt.s32 s18, $0x13F  }
.Ltmp7:
0x51: {  	_ = 	snop;
	(pc) =	sbr.rel @p0 .LBB2_9-.Ltmp7, $1  }
0x52: {  	_ =	sdelay $0x3  }
0x53: {  	v9 =	vld [tilespmem:s17+$0x0];
	_ =	sdelay $0x3  }
0x54: {  	vm1 =	vlt.u32 v8, $0x140  }
0x55: {  	v8 =	vnsel vm1, $0x2710, v9;
	_ =	sdelay $0x3  }
0x56: {  	s31 =	simm.s32 $0x0  }
0x57: {  	[tilespmem:s10], [sflag:$0x1] =	stream.indirect_vreg.gather [hbm4b:s5+s31], $0x80, v8, vm0, $0xb8;
	[tilespmem:$0xCC00] =	vst v63  }
0x58: {  	_ =	swait.ge [sflag:s11], $0x800  }
0x59: {  	(v2sf) =	vpush v7, $0x0;
	_ =	sdelay $0xe  }
0x5a: {  	s18 =	spop (v2sf)  }
0x5b: {  	[sflag:s11] =	ssyncset.done $0x0;
	p0 =	sgt.s32 s18, $0x13F  }
0x5c: {  	[sflag:s11] =	ssyncadd.s32 $0xFFFFF800;
	s17 =	simm.s32 @!p0 $0x0;
	p0 =	por p0, p0  }
0x5d: {  	v8 =	vld @!p0 [tilespmem:s17+$0x2000];
	_ =	sdelay $0x2  }
0x5e: {  	s18 =	sshll.u32 @!p0 s18, $0x9  }
0x5f: {  	s18 =	sshra.s32 @!p0 s18, $0x2  }
0x60: {  	[tilespmem:s18+$0x2800] =	vst.add.f32.msk @!p0 $0xffff, v8  }
0x61: {  	v8 =	vld @!p0 [tilespmem:s17+$0x2010];
	_ =	sdelay $0x4  }
0x62: {  	[tilespmem:s18+$0x2810] =	vst.add.f32.msk @!p0 $0xffff, v8  }
0x63: {  	v8 =	vld @!p0 [tilespmem:s17+$0x2020];
	_ =	sdelay $0x4  }
0x64: {  	[tilespmem:s18+$0x2820] =	vst.add.f32.msk @!p0 $0xffff, v8  }
0x65: {  	v8 =	vld @!p0 [tilespmem:s17+$0x2030];
	_ =	sdelay $0x4  }
0x66: {  	[tilespmem:s18+$0x2830] =	vst.add.f32.msk @!p0 $0xffff, v8  }
0x67: {  	v8 =	vld @!p0 [tilespmem:s17+$0x2040];
	_ =	sdelay $0x3  }
0x68: {  	v7 =	vperm.xlane v7, v6  }
0x69: {  	s19 =	simm.s32 $0x200;
	[tilespmem:s18+$0x2840] =	vst.add.f32.msk @!p0 $0xffff, v8  }
.LBB2_7:
0x6a: {  	(v2sf) =	vpush v7, $0x0;
	v8 =	vld @!p0 [tilespmem:s17+$0x2050];
	s20 =	smov.u32 s19;
	s19 =	sadd.s32 $0x200, s19  }
0x6b: {  	p1 =	sne.s32 s19, $0x2000;
	_ =	sdelay $0x3  }
0x6c: {  	[tilespmem:s18+$0x2850] =	vst.add.f32.msk @!p0 $0xffff, v8  }
0x6d: {  	v8 =	vld @!p0 [tilespmem:s17+$0x2060];
	_ =	sdelay $0x4  }
0x6e: {  	[tilespmem:s18+$0x2860] =	vst.add.f32.msk @!p0 $0xffff, v8  }
0x6f: {  	v8 =	vld @!p0 [tilespmem:s17+$0x2070];
	_ =	sdelay $0x2  }
0x70: {  	s21 =	spop (v2sf)  }
0x71: {  	p2 =	sgt.s32 s21, $0x13F  }
0x72: {  	s17 =	sshra.s32 @!p2 s20, $0x2;
	[tilespmem:s18+$0x2870] =	vst.add.f32.msk @!p0 $0xffff, v8;
	p0 =	por p2, p2  }
0x73: {  	v8 =	vld @!p0 [tilespmem:s17+$0x2000];
	_ =	sdelay $0x2  }
0x74: {  	s18 =	sshll.u32 @!p0 s21, $0x9  }
0x75: {  	s18 =	sshra.s32 @!p0 s18, $0x2  }
0x76: {  	[tilespmem:s18+$0x2800] =	vst.add.f32.msk @!p0 $0xffff, v8  }
0x77: {  	v8 =	vld @!p0 [tilespmem:s17+$0x2010];
	_ =	sdelay $0x4  }
0x78: {  	[tilespmem:s18+$0x2810] =	vst.add.f32.msk @!p0 $0xffff, v8  }
0x79: {  	v8 =	vld @!p0 [tilespmem:s17+$0x2020];
	_ =	sdelay $0x4  }
0x7a: {  	[tilespmem:s18+$0x2820] =	vst.add.f32.msk @!p0 $0xffff, v8  }
0x7b: {  	v8 =	vld @!p0 [tilespmem:s17+$0x2030];
	_ =	sdelay $0x4  }
0x7c: {  	[tilespmem:s18+$0x2830] =	vst.add.f32.msk @!p0 $0xffff, v8  }
0x7d: {  	v8 =	vld @!p0 [tilespmem:s17+$0x2040]  }
.Ltmp8:
0x7e: {  	(pc) =	sbr.rel @p1 .LBB2_7-.Ltmp8, $3  }
0x7f: {  	_ =	sdelay $0x1  }
0x80: {  	v7 =	vperm.xlane v7, v6  }
0x81: {  	[tilespmem:s18+$0x2840] =	vst.add.f32.msk @!p0 $0xffff, v8  }
.Ltmp9:
0x82: {  	_ = 	snop;
	(pc) =	sbr.rel .LBB2_8-.Ltmp9, $1  }
0x83: {  	_ =	sdelay $0x3  }
.LBB2_12:
0x84: {  	_ =	sfence.sel $0x180000  }
0x85: {  	[bflag:$0x0] =	sbarrier.arrive $0xFFFF  }
0x86: {  	p0 =	sne.s32 s2, $0x0;
	_ =	strace $0x9000004D  }
0x87: {  	s0 =	sadd.s32 @!p0 $0x100000, s0;
	[bflag:$0x2] =	sbarrier.arrive $0xFFFF  }
0x88: {  	[sflag:s0] =	ssyncadd.tile.s32 @!p0 $0x1;
	_ =	shalt  }
.Lfunc_end2:
_tile_overlayer_lowered:
.L_overlay_start_2:
0x89: {  	(tag) =	ssettag $0x2  }
0x8a: {  	s0 =	rddreg [dreg:$0x0];
	s2 =	stileid.u32  }
0x8b: {  	s1 =	rddreg [dreg:$0x1];
	p0 =	sne.s32 s2, $0x0  }
0x8c: {  	s3 =	rddreg [dreg:$0x2];
	[bflag:$0x3] =	sbarrier.arrive $0xFFFF;
	s2 =	simm.s32 @!p0 $0x1C02  }
0x8d: {  	[timem:s3], [sflag:s2] =	dma.local @!p0 [hbm:s0], s1  }
0x8e: {  	s0 =	simm.s32 @!p0 $0x2  }
0x8f: {  	_ =	swait.ge @!p0 [sflag:s0], s1  }
0x90: {  	s1 =	ssub.s32 @!p0 $0x0, s1;
	[sflag:s0] =	ssyncset.done @!p0 $0x0  }
0x91: {  	[sflag:s0] =	ssyncadd.s32 @!p0 s1  }
0x92: {  	[bflag:$0x3] =	sbarrier.arrive $0xFFFF  }
0x93: {  	_ =	shalt  }

// kernel: kernel.20.cloned.1.call-start
scs
__scs_entry_jumppad:
0x0: {  	(pc) =	sbr.rel $0x88, $3  }
0x1: {  	(tag) =	ssettag $0x0;
	lr =	simm.s32 $0x1  }
0x2: {  	[smem:$0x3F91] =	sst lr;
	_ =	strace $0xD0000000  }
0x3: {  	_ = 	snop  }
0x4: {  	_ = 	snop  }
0x5: {  	_ = 	snop  }
0x6: {  	_ = 	snop  }
0x7: {  	_ = 	snop  }
__scs_overlays_trampoline_lowered:
0x8: {  	[smem:$0x3FA0] =	sst s0  }
0x9: {  	[smem:$0x3FA1] =	sst s1  }
0xa: {  	[smem:$0x3FA2] =	sst s2  }
0xb: {  	[smem:$0x3FA3] =	sst s3  }
0xc: {  	[smem:$0x3FA4] =	sst s4  }
0xd: {  	[smem:$0x3FA5] =	sst s5  }
0xe: {  	[smem:$0x3FA6] =	sst s6  }
0xf: {  	[smem:$0x3FA7] =	sst s7  }
0x10: {  	[smem:$0x3FA8] =	sst s8  }
0x11: {  	[smem:$0x3FA9] =	sst s9;
	s0 =	simm.s32 @!p0 $0x0  }
0x12: {  	s1 =	sld [smem:$0x3F8F];
	s0 =	simm.s32 @p0 $0x1  }
0x13: {  	[smem:$0x3FAA] =	sst s0;
	s0 =	simm.s32 @!p1 $0x0  }
0x14: {  	s2 =	sld [smem:$0x3F8E];
	s0 =	simm.s32 @p1 $0x1  }
0x15: {  	[smem:$0x3FAB] =	sst s0;
	s0 =	simm.s32 @!p2 $0x0  }
0x16: {  	s3 =	sld [smem:$0x3FDB];
	s0 =	simm.s32 @p2 $0x1  }
0x17: {  	s4 =	simm.s32 $0x1BF5;
	[smem:$0x3FAD] =	sst s0  }
0x18: {  	s0 =	sld [smem:$0x3F90];
	_ =	swait.ge [sflag:s4], $0x0  }
0x19: {  	s7 =	sld [smem:$0x3F91]  }
0x1a: {  	s8 =	sadd.s32 $0xFFFFE003, lr  }
0x1b: {  	s9 =	sadd.s32 $0xFFFFFEF7, lr;
	s5 =	simm.s32 $0xFFFFFFFF;
	p2 =	slt.u32 s8, $0xFFFFF086  }
0x1c: {  	p1 =	slt.u32 s9, $0xF7A;
	s5 =	simm.s32 @!p2 $0x0  }
0x1d: {  	s5 =	simm.s32 @p1 $0x1;
	p0 =	seq.s32 s7, s2  }
0x1e: {  	s7 =	smul.u32 @!p0 $0xF7A, s2;
	p2 =	seq.s32 @!p0 s5, $0x0  }
0x1f: {  	s9 =	smul.u32 $0xF7A, s1;
	s8 =	simm.s32 @!p0 $0x1BF5;
	p2 =	por !p2, p0  }
0x20: {  	[sflag:s8] =	ssyncset.s32 @!p0 $0xFFFFF086;
	s6 =	sadd.s32 @!p0 s3, s7;
	s7 =	simm.s32 @!p0 $0x108  }
0x21: {  	s3 =	sadd.s32 s3, s9;
	s6 =	sadd.s32 @!p0 $0x88, s6;
	s7 =	simm.s32 @p2 $0x1082  }
0x22: {  	[simem:s7], [sflag:s8] =	dma.local @!p0 [hbm:s6], $0xF7A  }
0x23: {  	s9 =	sor.u32 $0xD0000000, s2;
	s6 =	simm.s32 $0x108;
	_ =	swait.ge @!p0 [sflag:s8], $0x0  }
0x24: {  	s3 =	sadd.s32 $0x88, s3;
	s6 =	simm.s32 @!p1 $0x1082;
	[sflag:s4] =	ssyncset.s32 $0xFFFFF086  }
0x25: {  	[simem:s6], [sflag:s4] =	dma.local [hbm:s3], $0xF7A  }
0x26: {  	[smem:$0x3F91] =	sst s1;
	(tag) =	ssettag s2;
	_ =	strace s9  }
0x27: {  	s1 =	sld [smem:$0x3FA1]  }
0x28: {  	s2 =	sld [smem:$0x3FA2]  }
0x29: {  	s4 =	sld [smem:$0x3FA4]  }
0x2a: {  	p0 =	seq.s32 s5, $0x0;
	s5 =	sld [smem:$0x3FA5]  }
0x2b: {  	s6 =	sld [smem:$0x3FA6]  }
0x2c: {  	s7 =	sld [smem:$0x3FA7]  }
0x2d: {  	s3 =	simm.s32 $0x108;
	s8 =	sld [smem:$0x3FA8]  }
0x2e: {  	s3 =	simm.s32 @!p0 $0x1082;
	s9 =	sld [smem:$0x3FA9]  }
0x2f: {  	lr =	sadd.s32 s0, s3;
	s0 =	sld [smem:$0x3FA0]  }
0x30: {  	s3 =	sld [smem:$0x3FA3]  }
0x31: {  	[smem:$0x3FAC] =	sst s10  }
0x32: {  	s10 =	sld [smem:$0x3FAA];
	_ =	sdelay $0x3  }
0x33: {  	p0 =	seq.s32 s10, $0x1;
	s10 =	sld [smem:$0x3FAC];
	_ =	sdelay $0x3  }
0x34: {  	[smem:$0x3FAC] =	sst s10  }
0x35: {  	s10 =	sld [smem:$0x3FAB];
	_ =	sdelay $0x3  }
0x36: {  	p1 =	seq.s32 s10, $0x1;
	s10 =	sld [smem:$0x3FAC];
	_ =	sdelay $0x3  }
0x37: {  	[smem:$0x3FAC] =	sst s10  }
0x38: {  	s10 =	sld [smem:$0x3FAD]  }
0x39: {  	_ = 	snop;
	(pc) =	sbr.ind lr, $3  }
0x3a: {  	_ = 	snop  }
0x3b: {  	_ = 	snop  }
0x3c: {  	p2 =	seq.s32 s10, $0x1;
	s10 =	sld [smem:$0x3FAC]  }
0x3d: {  	_ =	shalt  }
0x3e: {  	_ =	shalt  }
0x3f: {  	_ =	shalt  }
0x40: {  	_ =	shalt  }
0x41: {  	_ =	shalt  }
0x42: {  	_ =	shalt  }
0x43: {  	_ =	shalt  }
0x44: {  	_ =	shalt  }
0x45: {  	_ =	shalt  }
0x46: {  	_ =	shalt  }
0x47: {  	_ =	shalt  }
0x48: {  	_ =	shalt  }
0x49: {  	_ =	shalt  }
0x4a: {  	_ =	shalt  }
0x4b: {  	_ =	shalt  }
0x4c: {  	_ =	shalt  }
0x4d: {  	_ =	shalt  }
0x4e: {  	_ =	shalt  }
0x4f: {  	_ =	shalt  }
0x50: {  	_ =	shalt  }
0x51: {  	_ =	shalt  }
0x52: {  	_ =	shalt  }
0x53: {  	_ =	shalt  }
0x54: {  	_ =	shalt  }
0x55: {  	_ =	shalt  }
0x56: {  	_ =	shalt  }
0x57: {  	_ =	shalt  }
0x58: {  	_ =	shalt  }
0x59: {  	_ =	shalt  }
0x5a: {  	_ =	shalt  }
0x5b: {  	_ =	shalt  }
0x5c: {  	_ =	shalt  }
0x5d: {  	_ =	shalt  }
0x5e: {  	_ =	shalt  }
0x5f: {  	_ =	shalt  }
0x60: {  	_ =	shalt  }
0x61: {  	_ =	shalt  }
0x62: {  	_ =	shalt  }
0x63: {  	_ =	shalt  }
0x64: {  	_ =	shalt  }
0x65: {  	_ =	shalt  }
0x66: {  	_ =	shalt  }
0x67: {  	_ =	shalt  }
0x68: {  	_ =	shalt  }
0x69: {  	_ =	shalt  }
0x6a: {  	_ =	shalt  }
0x6b: {  	_ =	shalt  }
0x6c: {  	_ =	shalt  }
0x6d: {  	_ =	shalt  }
0x6e: {  	_ =	shalt  }
0x6f: {  	_ =	shalt  }
0x70: {  	_ =	shalt  }
0x71: {  	_ =	shalt  }
0x72: {  	_ =	shalt  }
0x73: {  	_ =	shalt  }
0x74: {  	_ =	shalt  }
0x75: {  	_ =	shalt  }
0x76: {  	_ =	shalt  }
0x77: {  	_ =	shalt  }
0x78: {  	_ =	shalt  }
0x79: {  	_ =	shalt  }
0x7a: {  	_ =	shalt  }
0x7b: {  	_ =	shalt  }
0x7c: {  	_ =	shalt  }
0x7d: {  	_ =	shalt  }
0x7e: {  	_ =	shalt  }
0x7f: {  	_ =	shalt  }
0x80: {  	_ =	shalt  }
0x81: {  	_ =	shalt  }
0x82: {  	_ =	shalt  }
0x83: {  	_ =	shalt  }
0x84: {  	_ =	shalt  }
0x85: {  	_ =	shalt  }
0x86: {  	_ =	shalt  }
0x87: {  	_ =	shalt  }
.Lfunc_end0:
.L_simem_size_0:
called_computation.3_lowered:
.L_overlay_start_0:
0x88: {  	s2 =	sld [smem:$0x3FD9]  }
0x89: {  	s3 =	sld [smem:$0x3FFE];
	_ =	sdelay $0x1  }
0x8a: {  	s1 =	srdreg.scid  }
0x8b: {  	s0 =	sand.u32 $0x1, s1  }
0x8c: {  	s16 =	sshll.u32 s0, $0xA;
	s2 =	sadd.s32 s3, s2  }
0x8d: {  	s2 =	sadd.s32 s2, s16  }
0x8e: {  	[smem:$0x3FB8] =	sst s2  }
0x8f: {  	_ = 	snop  }
0x90: {  	(tm) =	ssettm $0x1  }
0x91: {  	s17 =	sld [smem:$0x3FFB];
	_ =	sdelay $0x3  }
0x92: {  	_ =	strace s17  }
0x93: {  	s2 =	sld [smem:$0x3FFC];
	_ =	sdelay $0x3  }
0x94: {  	_ =	strace s2  }
0x95: {  	s2 =	sld [smem:$0x3FFD];
	_ =	sdelay $0x3  }
0x96: {  	_ =	strace s2  }
0x97: {  	_ =	strace $0x8FFFFFFF  }
0x98: {  	s18 =	sld [smem:$0x3FDB];
	_ =	sdelay $0x1  }
0x99: {  	s19 =	simm.s32 $_scs_section_size  }
0x9a: {  	s4 =	simm.s32 $_size__tile_overlayer_lowered;
	s5 =	simm.s32 $_tile_overlayer_lowered  }
0x9b: {  	s22 =	simm.s32 $0x1BFF;
	s21 =	sshll.u32 s5, $0x1;
	s2 =	sadd.s32 s19, s18  }
0x9c: {  	s6 =	simm.s32 $0x0;
	s20 =	sshll.u32 s4, $0x1;
	s4 =	sadd.s32 s21, s2  }
0x9d: {  	[timem:s6], [sflag:s22] =	dma.local [hbm:s4], s20  }
0x9e: {  	_ =	swait.ge [sflag:s22], s20  }
0x9f: {  	s3 =	ssub.s32 $0x0, s20;
	[sflag:s22] =	ssyncset.done $0x0  }
0xa0: {  	[sflag:s22] =	ssyncadd.s32 s3;
	_ =	sdelay $0x1  }
0xa1: {  	s23 =	simm.s32 $0x1B8B  }
0xa2: {  	_ =	swait.ge [sflag:s23], $0x1  }
0xa3: {  	[sflag:s23] =	ssyncset.done $0x0  }
0xa4: {  	s25 =	simm.s32 $0x1B8E;
	s24 =	sld [smem:$0x3FFE];
	[sflag:s23] =	ssyncadd.s32 $0xFFFFFFFF  }
0xa5: {  	s26 =	simm.s32 $execute0_lowered;
	[smem:$0x3FD2] =	sst s25  }
0xa6: {  	s4 =	sshll.u32 s26, $0x1;
	_ =	strace $0x8000004F;
	[dreg:$0x1] =	wrdreg $0xFFFFFFFF  }
0xa7: {  	s28 =	simm.s32 $_size_execute0_lowered;
	s2 =	sadd.s32 s2, s4;
	[dreg:$0x0] =	wrdreg $0x0  }
0xa8: {  	s4 =	sshll.u32 s28, $0x1;
	[dreg:$0x2] =	wrdreg s2  }
0xa9: {  	[dreg:$0x3] =	wrdreg s4  }
0xaa: {  	[dreg:$0x4] =	wrdreg $0xC0  }
0xab: {  	_ =	task [dreg:s6], $0x5FFFF  }
0xac: {  	[dreg:$0x1] =	wrdreg $0xFFFFFFFF  }
0xad: {  	[dreg:$0x0] =	wrdreg $0x60  }
0xae: {  	[dreg:$0x2] =	wrdreg s24  }
0xaf: {  	[dreg:$0x3] =	wrdreg $0x9  }
0xb0: {  	_ =	task.clear_ibuf [dreg:s6], $0x4FFFF;
	_ =	strace $0x9000004F  }
0xb1: {  	s29 =	simm.s32 $0x9;
	_ =	strace $0x80000051  }
0xb2: {  	_ =	swait.ge [sflag:s29], $0x1  }
0xb3: {  	[sflag:s29] =	ssyncadd.s32 $0xFFFFFFFF  }
0xb4: {  	_ =	strace $0x90000051  }
0xb5: {  	_ =	sfence  }
0xb6: {  	s30 =	sld [smem:$0x0];
	_ =	sdelay $0x2  }
0xb7: {  	s31 =	sshll.u32 s1, $0xD;
	s1 =	sshrl.u32 s1, $0x2  }
0xb8: {  	s3 =	sand.u32 $0x4000, s31;
	s1 =	sadd.s32 s1, s30  }
0xb9: {  	s0 =	sor.u32 s3, s0;
	s1 =	sshll.u32 s1, $0x11  }
0xba: {  	s0 =	sor.u32 s1, s0  }
0xbb: {  	s0 =	sadd.s32 $0x8F2B, s0  }
0xbc: {  	[sflag:s0] =	ssyncadd.remote.s32 $0x1  }
0xbd: {  	_ =	sfence.sel $0xFFFF  }
0xbe: {  	[dreg:$0x0] =	wrdreg $0xFFFFFFFF;
	(pc) =	sbr.abs _section_cstart, $3  }
0xbf: {  	[dreg:$0x1] =	wrdreg $0xFFFFFFFF  }
0xc0: {  	_ =	task.clear_ibuf [dreg:s6], $0x2FFFF;
	_ =	strace $0x9FFFFFFF  }
0xc1: {  	(tm) =	ssettm $0x7FFFFFFF  }
tec
execute0_lowered:
.L_overlay_start_1:
0x0: {  	(tag) =	ssettag $0x1  }
0x1: {  	v0 =	vimm.s32 $0xEFCDAB89;
	v1 =	vimm.s32 $0x67452301;
	v2 =	vimm.s32 $0xDCFE98BA  }
0x2: {  	v3 =	vimm.s32 $0x54761032;
	v4 =	vimm.s32 $0xFEDCBA98;
	v5 =	vimm.s32 $0x76543210  }
0x3: {  	v6 =	vimm.s32 $0xFEDCBA9;
	v0 =	vunpack.c.l.s4.s8 v0;
	v1 =	vunpack.c.l.s4.s8 v1  }
0x4: {  	s5 =	rddreg [dreg:$0x0];
	v7 =	vimm.s32 $0x87654321;
	v2 =	vunpack.c.l.s4.s8 v2;
	v3 =	vunpack.c.l.s4.s8 v3  }
0x5: {  	s2 =	srdreg.scid;
	s0 =	rddreg [dreg:$0x1];
	s1 =	simm.s32 $0x0;
	v4 =	vunpack.c.l.s4.s8 v4;
	v0 =	vunpack.c.0.s8.s32 v0;
	v1 =	vunpack.c.0.s8.s32 v1  }
0x6: {  	s10 =	simm.s32 $0x2000;
	s11 =	simm.s32 $0x1;
	s12 =	simm.s32 $0x2800;
	v5 =	vunpack.c.l.s4.s8 v5;
	v2 =	vunpack.c.0.s8.s32 v2;
	v3 =	vunpack.c.0.s8.s32 v3  }
0x7: {  	s13 =	simm.s32 $0x0;
	s3 =	sand.u32 $0x1, s2;
	[smem:$0x7FF] =	sst s1;
	v6 =	vunpack.c.l.s4.s8 v6;
	v7 =	vunpack.c.l.s4.s8 v7;
	v0 =	vcombine.low v1, v0  }
0x8: {  	s2 =	stileid.u32;
	s4 =	sshll.u32 s3, $0x4;
	_ =	strace $0x80000050;
	v1 =	vcombine.low v3, v2;
	v2 =	vimm.s32 $0xBA98FEDC;
	v3 =	vimm.s32 $0x32107654  }
.Ltmp0:
0x9: {  	s8 =	ssub.s32 $0x2, s3;
	s6 =	sor.u32 s2, s4;
	v4 =	vunpack.c.0.s8.s32 v4;
	v2 =	vunpack.c.l.s4.s8 v2;
	v3 =	vunpack.c.l.s4.s8 v3;
	(pc) =	sbr.rel .LBB2_1-.Ltmp0, $4  }
0xa: {  	s3 =	sadd.s32 $0x4600, s5;
	s9 =	sshrl.u32 s8, $0x1;
	v5 =	vunpack.c.0.s8.s32 v5;
	v6 =	vunpack.c.0.s8.s32 v6;
	v7 =	vunpack.c.0.s8.s32 v7;
	s7 =	smul.u32 $0x1400, s6  }
0xb: {  	s4 =	sadd.s32 $0xE600, s5;
	s8 =	ssub.s32 s8, s9;
	s31 =	smul.u32 $0xFFFFFEC0, s6;
	v4 =	vand.u32 $0xF, v4;
	v2 =	vunpack.c.0.s8.s32 v2;
	v3 =	vunpack.c.0.s8.s32 v3  }
0xc: {  	vm0 =	vmmov $0xffff;
	s9 =	simm.s32 $0x1000;
	v6 =	vcombine.low v7, v6;
	s7 =	sadd.s32 s7, s5;
	s5 =	sadd.s32 $0x18600, s5;
	v4 =	vcombine.low v4, v5  }
0xd: {  	v5 =	vimm.f32 $0.0e+00;
	s6 =	sadd.s32 $0x40600, s7;
	s7 =	smax.u32 s8, $0x1;
	s8 =	simm.s32 $0x2;
	v2 =	vcombine.low v3, v2;
	v3 =	vmov s31  }
.LBB2_11:
0xe: {  	s13 =	sadd.s32 $0x1, s13  }
0xf: {  	p0 =	sne.s32 s13, s7  }
.Ltmp1:
0x10: {  	_ = 	snop;
	(pc) =	sbr.rel @!p0 .LBB2_12-.Ltmp1, $4  }
0x11: {  	[hbm4b:s6+s1] =	stream.linear.scatter [tilespmem:s12], [sflag:$0x2], $0xA000, $0x38;
	[tilespmem:$0xCC00] =	vst v63  }
0x12: {  	_ =	swait.ge [sflag:s8], $0xA000  }
0x13: {  	[sflag:s8] =	ssyncset.done $0x0  }
0x14: {  	[sflag:s8] =	ssyncadd.s32 $0xFFFF6000  }
.LBB2_1:
0x15: {  	s15 =	simm.s32 $0x0;
	s14 =	simm.s32 $0x200  }
.LBB2_2:
0x16: {  	p0 =	sne.s32 s14, $0x28E00;
	[tilespmem:s15+$0x2870] =	vst v5  }
0x17: {  	[tilespmem:s15+$0x2800] =	vst v5  }
0x18: {  	[tilespmem:s15+$0x2810] =	vst v5  }
.Ltmp2:
0x19: {  	[tilespmem:s15+$0x2820] =	vst v5;
	(pc) =	sbr.rel @p0 .LBB2_2-.Ltmp2, $4  }
0x1a: {  	[tilespmem:s15+$0x2830] =	vst v5  }
0x1b: {  	[tilespmem:s15+$0x2840] =	vst v5  }
0x1c: {  	[tilespmem:s15+$0x2850] =	vst v5  }
0x1d: {  	[tilespmem:s15+$0x2860] =	vst v5;
	s15 =	sshra.s32 s14, $0x2;
	s14 =	sadd.s32 $0x200, s14  }
0x1e: {  	[tilespmem:s15+$0x2870] =	vst v5  }
0x1f: {  	[tilespmem:s15+$0x2800] =	vst v5  }
0x20: {  	[tilespmem:s15+$0x2810] =	vst v5  }
.Ltmp3:
0x21: {  	[tilespmem:s15+$0x2820] =	vst v5;
	(pc) =	sbr.rel .LBB2_4-.Ltmp3, $4  }
0x22: {  	[tilespmem:s15+$0x2830] =	vst v5  }
0x23: {  	[tilespmem:s15+$0x2840] =	vst v5  }
0x24: {  	[tilespmem:s15+$0x2850] =	vst v5  }
0x25: {  	s14 =	simm.s32 $0x0;
	[tilespmem:s15+$0x2860] =	vst v5;
	s15 =	simm.s32 $0x0  }
.LBB2_10:
0x26: {  	s15 =	sadd.s32 $0x1, s15  }
0x27: {  	p0 =	sne.s32 s15, $0x50  }
.Ltmp4:
0x28: {  	_ = 	snop;
	(pc) =	sbr.rel @!p0 .LBB2_11-.Ltmp4, $1  }
0x29: {  	_ =	sdelay $0x3  }
.LBB2_4:
0x2a: {  	s16 =	sshll.u32 s15, $0x9  }
0x2b: {  	s17 =	sadd.s32 s3, s16  }
0x2c: {  	[tilespmem:s14], [sflag:$0x2] =	stream.linear.gather [hbm4b:s17+s14], $0x1000, $0x38;
	[tilespmem:$0xCC00] =	vst v63  }
0x2d: {  	_ =	swait.ge [sflag:s8], $0x1000  }
0x2e: {  	[sflag:s8] =	ssyncset.done $0x0  }
.Ltmp5:
0x2f: {  	s16 =	sadd.s32 s4, s16;
	[sflag:s8] =	ssyncadd.s32 $0xFFFFF000;
	(pc) =	sbr.rel .LBB2_5-.Ltmp5, $4  }
0x30: {  	[tilespmem:s9], [sflag:$0x2] =	stream.linear.gather [hbm4b:s16+s14], $0x1000, $0x38;
	[tilespmem:$0xCC00] =	vst v63  }
0x31: {  	_ =	swait.ge [sflag:s8], $0x1000  }
0x32: {  	[sflag:s8] =	ssyncset.done $0x0  }
0x33: {  	s16 =	simm.s32 $0x0;
	[sflag:s8] =	ssyncadd.s32 $0xFFFFF000  }
.LBB2_8:
0x34: {  	v7 =	vld @!p0 [tilespmem:s17+$0x2050];
	_ =	sdelay $0x4  }
0x35: {  	[tilespmem:s18+$0x2850] =	vst.add.f32.msk @!p0 $0xffff, v7  }
0x36: {  	v7 =	vld @!p0 [tilespmem:s17+$0x2060];
	_ =	sdelay $0x4  }
0x37: {  	[tilespmem:s18+$0x2860] =	vst.add.f32.msk @!p0 $0xffff, v7  }
0x38: {  	v7 =	vld @!p0 [tilespmem:s17+$0x2070];
	_ =	sdelay $0x4  }
0x39: {  	[tilespmem:s18+$0x2870] =	vst.add.f32.msk @!p0 $0xffff, v7  }
.LBB2_9:
0x3a: {  	s16 =	sadd.s32 $0x1, s16  }
0x3b: {  	p0 =	sne.s32 s16, $0x100  }
.Ltmp6:
0x3c: {  	_ = 	snop;
	(pc) =	sbr.rel @!p0 .LBB2_10-.Ltmp6, $1  }
0x3d: {  	_ =	sdelay $0x3  }
.LBB2_5:
0x3e: {  	s17 =	sshll.u32 s16, $0x4  }
0x3f: {  	v7 =	vld [tilespmem:s17+$0x1000];
	_ =	sdelay $0x4  }
0x40: {  	v8 =	vadd.s32 v3, v7  }
0x41: {  	v7 =	vmin.u32 v8, $0x140  }
0x42: {  	v9 =	vperm.xlane v7, v0;
	_ =	sdelay $0x1  }
0x43: {  	vm1 =	vlt.s32 v7, v9  }
0x44: {  	v9 =	vsel vm1, v7, v9  }
0x45: {  	v10 =	vperm.xlane v9, v1;
	_ =	sdelay $0x1  }
0x46: {  	vm1 =	vlt.s32 v9, v10  }
0x47: {  	v9 =	vsel vm1, v9, v10  }
0x48: {  	v10 =	vperm.xlane v9, v2;
	_ =	sdelay $0x1  }
0x49: {  	vm1 =	vlt.s32 v9, v10  }
0x4a: {  	v9 =	vsel vm1, v9, v10  }
0x4b: {  	v10 =	vperm.xlane v9, v4;
	_ =	sdelay $0x1  }
0x4c: {  	vm1 =	vlt.s32 v9, v10  }
0x4d: {  	v9 =	vsel vm1, v9, v10  }
0x4e: {  	(v2sf) =	vpush v9, $0x0;
	_ =	sdelay $0xe  }
0x4f: {  	s18 =	spop (v2sf)  }
0x50: {  	p0 =	sgt.s32 s18, $0x13F  }
.Ltmp7:
0x51: {  	_ = 	snop;
	(pc) =	sbr.rel @p0 .LBB2_9-.Ltmp7, $1  }
0x52: {  	_ =	sdelay $0x3  }
0x53: {  	v9 =	vld [tilespmem:s17+$0x0];
	_ =	sdelay $0x3  }
0x54: {  	vm1 =	vlt.u32 v8, $0x140  }
0x55: {  	v8 =	vnsel vm1, $0x2710, v9;
	_ =	sdelay $0x3  }
0x56: {  	s31 =	simm.s32 $0x0  }
0x57: {  	[tilespmem:s10], [sflag:$0x1] =	stream.indirect_vreg.gather [hbm4b:s5+s31], $0x80, v8, vm0, $0xb8;
	[tilespmem:$0xCC00] =	vst v63  }
0x58: {  	_ =	swait.ge [sflag:s11], $0x800  }
0x59: {  	(v2sf) =	vpush v7, $0x0;
	_ =	sdelay $0xe  }
0x5a: {  	s18 =	spop (v2sf)  }
0x5b: {  	[sflag:s11] =	ssyncset.done $0x0;
	p0 =	sgt.s32 s18, $0x13F  }
0x5c: {  	[sflag:s11] =	ssyncadd.s32 $0xFFFFF800;
	s17 =	simm.s32 @!p0 $0x0;
	p0 =	por p0, p0  }
0x5d: {  	v8 =	vld @!p0 [tilespmem:s17+$0x2000];
	_ =	sdelay $0x2  }
0x5e: {  	s18 =	sshll.u32 @!p0 s18, $0x9  }
0x5f: {  	s18 =	sshra.s32 @!p0 s18, $0x2  }
0x60: {  	[tilespmem:s18+$0x2800] =	vst.add.f32.msk @!p0 $0xffff, v8  }
0x61: {  	v8 =	vld @!p0 [tilespmem:s17+$0x2010];
	_ =	sdelay $0x4  }
0x62: {  	[tilespmem:s18+$0x2810] =	vst.add.f32.msk @!p0 $0xffff, v8  }
0x63: {  	v8 =	vld @!p0 [tilespmem:s17+$0x2020];
	_ =	sdelay $0x4  }
0x64: {  	[tilespmem:s18+$0x2820] =	vst.add.f32.msk @!p0 $0xffff, v8  }
0x65: {  	v8 =	vld @!p0 [tilespmem:s17+$0x2030];
	_ =	sdelay $0x4  }
0x66: {  	[tilespmem:s18+$0x2830] =	vst.add.f32.msk @!p0 $0xffff, v8  }
0x67: {  	v8 =	vld @!p0 [tilespmem:s17+$0x2040];
	_ =	sdelay $0x3  }
0x68: {  	v7 =	vperm.xlane v7, v6  }
0x69: {  	s19 =	simm.s32 $0x200;
	[tilespmem:s18+$0x2840] =	vst.add.f32.msk @!p0 $0xffff, v8  }
.LBB2_7:
0x6a: {  	(v2sf) =	vpush v7, $0x0;
	v8 =	vld @!p0 [tilespmem:s17+$0x2050];
	s20 =	smov.u32 s19;
	s19 =	sadd.s32 $0x200, s19  }
0x6b: {  	p1 =	sne.s32 s19, $0x2000;
	_ =	sdelay $0x3  }
0x6c: {  	[tilespmem:s18+$0x2850] =	vst.add.f32.msk @!p0 $0xffff, v8  }
0x6d: {  	v8 =	vld @!p0 [tilespmem:s17+$0x2060];
	_ =	sdelay $0x4  }
0x6e: {  	[tilespmem:s18+$0x2860] =	vst.add.f32.msk @!p0 $0xffff, v8  }
0x6f: {  	v8 =	vld @!p0 [tilespmem:s17+$0x2070];
	_ =	sdelay $0x2  }
0x70: {  	s21 =	spop (v2sf)  }
0x71: {  	p2 =	sgt.s32 s21, $0x13F  }
0x72: {  	s17 =	sshra.s32 @!p2 s20, $0x2;
	[tilespmem:s18+$0x2870] =	vst.add.f32.msk @!p0 $0xffff, v8;
	p0 =	por p2, p2  }
0x73: {  	v8 =	vld @!p0 [tilespmem:s17+$0x2000];
	_ =	sdelay $0x2  }
0x74: {  	s18 =	sshll.u32 @!p0 s21, $0x9  }
0x75: {  	s18 =	sshra.s32 @!p0 s18, $0x2  }
0x76: {  	[tilespmem:s18+$0x2800] =	vst.add.f32.msk @!p0 $0xffff, v8  }
0x77: {  	v8 =	vld @!p0 [tilespmem:s17+$0x2010];
	_ =	sdelay $0x4  }
0x78: {  	[tilespmem:s18+$0x2810] =	vst.add.f32.msk @!p0 $0xffff, v8  }
0x79: {  	v8 =	vld @!p0 [tilespmem:s17+$0x2020];
	_ =	sdelay $0x4  }
0x7a: {  	[tilespmem:s18+$0x2820] =	vst.add.f32.msk @!p0 $0xffff, v8  }
0x7b: {  	v8 =	vld @!p0 [tilespmem:s17+$0x2030];
	_ =	sdelay $0x4  }
0x7c: {  	[tilespmem:s18+$0x2830] =	vst.add.f32.msk @!p0 $0xffff, v8  }
0x7d: {  	v8 =	vld @!p0 [tilespmem:s17+$0x2040]  }
.Ltmp8:
0x7e: {  	(pc) =	sbr.rel @p1 .LBB2_7-.Ltmp8, $3  }
0x7f: {  	_ =	sdelay $0x1  }
0x80: {  	v7 =	vperm.xlane v7, v6  }
0x81: {  	[tilespmem:s18+$0x2840] =	vst.add.f32.msk @!p0 $0xffff, v8  }
.Ltmp9:
0x82: {  	_ = 	snop;
	(pc) =	sbr.rel .LBB2_8-.Ltmp9, $1  }
0x83: {  	_ =	sdelay $0x3  }
.LBB2_12:
0x84: {  	_ =	sfence.sel $0x180000  }
0x85: {  	[bflag:$0x0] =	sbarrier.arrive $0xFFFF  }
0x86: {  	p0 =	sne.s32 s2, $0x0;
	_ =	strace $0x90000050  }
0x87: {  	s0 =	sadd.s32 @!p0 $0x100000, s0;
	[bflag:$0x2] =	sbarrier.arrive $0xFFFF  }
0x88: {  	[sflag:s0] =	ssyncadd.tile.s32 @!p0 $0x1;
	_ =	shalt  }
.Lfunc_end2:
_tile_overlayer_lowered:
.L_overlay_start_2:
0x89: {  	(tag) =	ssettag $0x2  }
0x8a: {  	s0 =	rddreg [dreg:$0x0];
	s2 =	stileid.u32  }
0x8b: {  	s1 =	rddreg [dreg:$0x1];
	p0 =	sne.s32 s2, $0x0  }
0x8c: {  	s3 =	rddreg [dreg:$0x2];
	[bflag:$0x3] =	sbarrier.arrive $0xFFFF;
	s2 =	simm.s32 @!p0 $0x1C02  }
0x8d: {  	[timem:s3], [sflag:s2] =	dma.local @!p0 [hbm:s0], s1  }
0x8e: {  	s0 =	simm.s32 @!p0 $0x2  }
0x8f: {  	_ =	swait.ge @!p0 [sflag:s0], s1  }
0x90: {  	s1 =	ssub.s32 @!p0 $0x0, s1;
	[sflag:s0] =	ssyncset.done @!p0 $0x0  }
0x91: {  	[sflag:s0] =	ssyncadd.s32 @!p0 s1  }
0x92: {  	[bflag:$0x3] =	sbarrier.arrive $0xFFFF  }
0x93: {  	_ =	shalt  }

</sc_bundles>
